<compile_context>
chip_gen: v7x
topology: tpu7x:2x2x1
jax: 0.10.2.dev20260603
libtpu: 0.0.44.dev20260713+nightly
codegen_flags: <defaults>
</compile_context>

<pallas_src>
import functools

import jax
import jax.numpy as jnp
from jax import lax
from jax.experimental import pallas as pl
from jax.experimental.pallas import tpu as pltpu
from jax.experimental.pallas import tpu_sc as plsc

N_NODES = 10000
N_EDGES = 160000
D_EMBED = 256
ATTR_DIM = 16
HIDDEN = 64
IN_DIM = ATTR_DIM + 3

ROW_BLOCK = 1000
N_BLOCKS = N_NODES // ROW_BLOCK

NTILE = 16
ECH = N_EDGES // NTILE
NP = 10240
WSL = NP // 32
LANES = 16

_MESH = plsc.VectorSubcoreMesh(core_axis_name="c", subcore_axis_name="s")


BIGI = jnp.iinfo(jnp.int32).max
TSL = NP // NTILE


def _zero_slice(buf, n, dtype):
    def body(j, _):
        buf[pl.ds(j * LANES, LANES)] = jnp.zeros((LANES,), dtype)
        return 0
    lax.fori_loop(0, n // LANES, body, 0)


def _fill_slice(buf, n, value):
    def body(j, _):
        buf[pl.ds(j * LANES, LANES)] = jnp.full((LANES,), value, jnp.int32)
        return 0
    lax.fori_loop(0, n // LANES, body, 0)


_GDN = lax.GatherDimensionNumbers(
    offset_dims=(), collapsed_slice_dims=(0,), start_index_map=(0,))


def _lane_gather(v, idx):
    return lax.gather(v, idx[:, None], _GDN, (1,),
                      mode=lax.GatherScatterMode.PROMISE_IN_BOUNDS)


@functools.partial(
    pl.kernel, mesh=_MESH,
    compiler_params=pltpu.CompilerParams(
        use_tc_tiling_on_sc=False, needs_layout_passes=False),
    out_type=(jax.ShapeDtypeStruct((NP,), jnp.int32),
              jax.ShapeDtypeStruct((NP,), jnp.int32)),
    scratch_types=[
        pltpu.VMEM((ECH,), jnp.int32),
        pltpu.VMEM((ECH,), jnp.int32),
        pltpu.VMEM((ECH,), jnp.int32),
        pltpu.VMEM((ECH,), jnp.int32),
        pltpu.VMEM((NP,), jnp.int32),
        pltpu.VMEM((NP,), jnp.int32),
        pltpu.VMEM((NP,), jnp.int32),
        pltpu.VMEM((TSL,), jnp.int32),
        pltpu.VMEM((NTILE, TSL), jnp.int32),
        pltpu.VMEM_SHARED((NTILE, NP), jnp.int32),
        pltpu.VMEM_SHARED((NP,), jnp.int32),
        pltpu.VMEM_SHARED((NP,), jnp.int32),
        pltpu.SemaphoreType.DMA,
    ],
)
def _level_kernel(src_hbm, dst_hbm, rankx_hbm, undisc_hbm,
                  mink_out, psrc_out,
                  src_v, dst_v, key_v, val_v, rankx_v, undisc_v, mink_v,
                  sl_a, red_v, pub_sh, minkg_sh, pacc_sh, sem):
    c = lax.axis_index("c")
    s = lax.axis_index("s")
    tbase = s * TSL
    ii = lax.iota(jnp.int32, LANES)

    cp1 = pltpu.async_copy(src_hbm.at[pl.ds(s * ECH, ECH)], src_v, sem)
    cp2 = pltpu.async_copy(dst_hbm.at[pl.ds(s * ECH, ECH)], dst_v, sem)
    cp3 = pltpu.async_copy(rankx_hbm, rankx_v, sem)
    cp4 = pltpu.async_copy(undisc_hbm, undisc_v, sem)

    _fill_slice(mink_v, NP, BIGI)
    _zero_slice(sl_a, TSL, jnp.int32)
    pltpu.sync_copy(sl_a, pacc_sh.at[pl.ds(tbase, TSL)])
    cp1.wait()
    cp2.wait()
    cp3.wait()
    cp4.wait()

    @plsc.parallel_loop(0, ECH // LANES, unroll=4)
    def pA(i):
        sl = pl.ds(i * LANES, LANES)
        rk = plsc.load_gather(rankx_v, [src_v[sl]])
        u = plsc.load_gather(undisc_v, [dst_v[sl]])
        cand = (rk != BIGI) & (u != 0)
        pos = (s * ECH + i * LANES) + ii
        key_v[sl] = jnp.where(cand, rk * N_EDGES + pos, BIGI)

    def pB(i, _):
        sl = pl.ds(i * LANES, LANES)
        kk = key_v[sl]

        @pl.when(jnp.min(kk) != BIGI)
        def _active():
            dd, ks = plsc.sort_key_val(dst_v[sl], kk)
            rm = ks
            for sh in (1, 2, 4, 8):
                idxu = jnp.maximum(ii - sh, 0)
                d_sh = _lane_gather(dd, idxu)
                m_sh = _lane_gather(rm, idxu)
                same = (ii >= sh) & (d_sh == dd)
                rm = jnp.minimum(rm, jnp.where(same, m_sh, BIGI))
            d_nx = _lane_gather(dd, jnp.minimum(ii + 1, LANES - 1))
            is_last = (ii == LANES - 1) | (d_nx != dd)
            cur = plsc.load_gather(mink_v, [dd])
            plsc.store_scatter(mink_v, [dd], jnp.minimum(cur, rm),
                               mask=is_last)
        return 0

    lax.fori_loop(0, ECH // LANES, pB, 0)

    pltpu.sync_copy(mink_v, pub_sh.at[s])
    plsc.subcore_barrier()
    pltpu.sync_copy(pub_sh.at[:, pl.ds(tbase, TSL)], red_v)

    def red(j, _):
        sl = pl.ds(j * LANES, LANES)
        m = red_v[0, sl]
        for r in range(1, NTILE):
            m = jnp.minimum(m, red_v[r, sl])
        sl_a[sl] = m
        return 0
    lax.fori_loop(0, TSL // LANES, red, 0)

    pltpu.sync_copy(sl_a, minkg_sh.at[pl.ds(tbase, TSL)])
    cpo = pltpu.async_copy(sl_a.at[pl.ds(c * WSL, WSL)],
                           mink_out.at[pl.ds(tbase + c * WSL, WSL)], sem)
    plsc.subcore_barrier()
    pltpu.sync_copy(minkg_sh, mink_v)

    @plsc.parallel_loop(0, ECH // LANES, unroll=2)
    def pC(i):
        sl = pl.ds(i * LANES, LANES)
        kk = key_v[sl]
        mg = plsc.load_gather(mink_v, [dst_v[sl]])
        win = (kk != BIGI) & (kk == mg)
        val_v[sl] = jnp.where(win, src_v[sl] + 1, 0)

    cpo.wait()
    pltpu.sync_copy(val_v, pacc_sh.at[dst_v], add=True)
    plsc.subcore_barrier()
    pltpu.sync_copy(pacc_sh.at[pl.ds(tbase + c * WSL, WSL)],
                    sl_a.at[pl.ds(0, WSL)])
    pltpu.sync_copy(sl_a.at[pl.ds(0, WSL)],
                    psrc_out.at[pl.ds(tbase + c * WSL, WSL)])


SUB_ITERS = 8


@functools.partial(
    pl.kernel, mesh=_MESH,
    compiler_params=pltpu.CompilerParams(
        use_tc_tiling_on_sc=False, needs_layout_passes=False),
    out_type=(jax.ShapeDtypeStruct((NP,), jnp.int32),
              jax.ShapeDtypeStruct((LANES,), jnp.int32)),
    scratch_types=[
        pltpu.VMEM((TSL,), jnp.int32),
        pltpu.VMEM((TSL,), jnp.int32),
        pltpu.VMEM((TSL,), jnp.int32),
        pltpu.VMEM((TSL,), jnp.int32),
        pltpu.VMEM((LANES,), jnp.int32),
        pltpu.VMEM((NTILE * LANES,), jnp.int32),
        pltpu.VMEM_SHARED((NP,), jnp.int32),
        pltpu.VMEM_SHARED((NTILE * LANES,), jnp.int32),
    ],
)
def _subtree_kernel(child_hbm, pidx_hbm, s_hbm, out_hbm, cnt_hbm,
                    ch_v, pi_v, s_v, tmp_v, fb_v, fr_v, acc_sh, flag_sh):
    c = lax.axis_index("c")
    s = lax.axis_index("s")
    tbase = s * TSL

    pltpu.sync_copy(child_hbm.at[pl.ds(tbase, TSL)], ch_v)
    pltpu.sync_copy(pidx_hbm.at[pl.ds(tbase, TSL)], pi_v)
    pltpu.sync_copy(s_hbm.at[pl.ds(tbase, TSL)], s_v)

    for it in range(SUB_ITERS):
        _zero_slice(tmp_v, TSL, jnp.int32)
        pltpu.sync_copy(tmp_v, acc_sh.at[pl.ds(tbase, TSL)])
        plsc.subcore_barrier()

        def mul(j, _):
            sl = pl.ds(j * LANES, LANES)
            tmp_v[sl] = ch_v[sl] * s_v[sl]
            return 0
        lax.fori_loop(0, TSL // LANES, mul, 0)
        pltpu.sync_copy(tmp_v, acc_sh.at[pi_v], add=True)
        plsc.subcore_barrier()
        pltpu.sync_copy(acc_sh.at[pl.ds(tbase, TSL)], tmp_v)

        if it < SUB_ITERS - 1:
            def upd(j, _):
                sl = pl.ds(j * LANES, LANES)
                s_v[sl] = 1 + tmp_v[sl]
                return 0
            lax.fori_loop(0, TSL // LANES, upd, 0)
        else:
            def updc(j, cnt):
                sl = pl.ds(j * LANES, LANES)
                sn = 1 + tmp_v[sl]
                df = jnp.sum((sn != s_v[sl]).astype(jnp.int32))
                s_v[sl] = sn
                return cnt + df
            cnt = lax.fori_loop(0, TSL // LANES, updc, jnp.int32(0))
            fb_v[...] = jnp.zeros((LANES,), jnp.int32) + cnt
            pltpu.sync_copy(fb_v, flag_sh.at[pl.ds(s * LANES, LANES)])
            plsc.subcore_barrier()
            pltpu.sync_copy(flag_sh, fr_v)

            def tot(j, acc):
                return acc + jnp.sum(fr_v[pl.ds(j * LANES, LANES)])
            total = lax.fori_loop(0, NTILE, tot, jnp.int32(0))
            fb_v[...] = jnp.zeros((LANES,), jnp.int32) + total

            @pl.when(s == 0)
            def _wcnt():
                pltpu.sync_copy(fb_v.at[pl.ds(0, 8)],
                                cnt_hbm.at[pl.ds(c * 8, 8)])

    pltpu.sync_copy(s_v.at[pl.ds(c * WSL, WSL)],
                    out_hbm.at[pl.ds(tbase + c * WSL, WSL)])


@functools.partial(
    pl.kernel, mesh=_MESH,
    out_type=jax.ShapeDtypeStruct((NP,), jnp.float32),
    scratch_types=[
        pltpu.VMEM((ECH,), jnp.int32),
        pltpu.VMEM((ECH,), jnp.float32),
        pltpu.VMEM((WSL,), jnp.float32),
        pltpu.VMEM_SHARED((NP,), jnp.float32),
    ],
)
def _deg_kernel(src_hbm, out_hbm, src_v, ones_v, sl_v, acc_sh):
    c = lax.axis_index("c")
    s = lax.axis_index("s")
    wid = c * NTILE + s

    _zero_slice(sl_v, WSL, jnp.float32)
    pltpu.sync_copy(sl_v, acc_sh.at[pl.ds(s * (NP // NTILE), WSL)])
    pltpu.sync_copy(sl_v, acc_sh.at[pl.ds(s * (NP // NTILE) + WSL, WSL)])

    pltpu.sync_copy(src_hbm.at[pl.ds(s * ECH, ECH)], src_v)

    def fill(j, _):
        ones_v[pl.ds(j * LANES, LANES)] = jnp.ones((LANES,), jnp.float32)
        return 0
    lax.fori_loop(0, ECH // LANES, fill, 0)

    plsc.subcore_barrier()
    pltpu.sync_copy(ones_v, acc_sh.at[src_v], add=True)
    plsc.subcore_barrier()

    pltpu.sync_copy(acc_sh.at[pl.ds(wid * WSL, WSL)], sl_v)
    pltpu.sync_copy(sl_v, out_hbm.at[pl.ds(wid * WSL, WSL)])


def _struct_feats(edge_index, num_nodes):
    src = edge_index[0].astype(jnp.int32)
    dst = edge_index[1].astype(jnp.int32)
    deg = _deg_kernel(src)[:num_nodes]
    BIG = jnp.iinfo(jnp.int32).max
    n = num_nodes
    pad = jnp.zeros((NP - n,), jnp.int32)

    dist0 = jnp.full((n,), -1, jnp.int32).at[0].set(0)
    parent0 = jnp.full((n,), -1, jnp.int32).at[0].set(0)
    rankx0 = jnp.full((NP,), BIG, jnp.int32).at[0].set(0)
    undisc0 = jnp.concatenate(
        [jnp.ones((n,), jnp.int32).at[0].set(0), pad])

    def bfs_cond(c):
        return c[5] > 0

    def bfs_body(c):
        dist, parent, rankx, undisc, level, _, next_rank = c
        mink_p, psrcp1 = _level_kernel(src, dst, rankx, undisc)
        mink = mink_p[:n]
        psrc = psrcp1[:n] - 1
        new = mink < BIG
        order = jnp.argsort(jnp.where(new, mink, BIG))
        slot = jnp.argsort(order).astype(jnp.int32)
        dist_n = jnp.where(new, level + 1, dist)
        parent_n = jnp.where(new, psrc, parent)
        rankx_n = jnp.concatenate(
            [jnp.where(new, next_rank + slot, BIG), pad + BIG])
        undisc_n = jnp.concatenate(
            [jnp.where(new, 0, undisc[:n]), pad])
        n_new = jnp.sum(new.astype(jnp.int32))
        return (dist_n, parent_n, rankx_n, undisc_n,
                level + 1, n_new, next_rank + n_new)

    dist, parent, _, _, _, _, _ = lax.while_loop(
        bfs_cond, bfs_body,
        (dist0, parent0, rankx0, undisc0,
         jnp.int32(0), jnp.int32(1), jnp.int32(1)))

    max_dist = jnp.max(dist)
    dist = jnp.where(dist < 0, max_dist + 1, dist)

    node_ids = jnp.arange(n, dtype=jnp.int32)
    child = ((parent >= 0) & (parent != node_ids)).astype(jnp.int32)
    pidx = jnp.where(child != 0, parent, 0)
    child_p = jnp.concatenate([child, pad])
    pidx_p = jnp.concatenate([pidx, pad])

    def sub_cond(c):
        return c[1] > 0

    def sub_body(c):
        s, _ = c
        s2, cnt = _subtree_kernel(child_p, pidx_p, s)
        return (s2, jnp.max(cnt))

    s_fix, _ = lax.while_loop(
        sub_cond, sub_body,
        (jnp.ones((NP,), jnp.int32), jnp.int32(1)))
    subtree = s_fix[:n]

    max_sub = jnp.max(subtree)
    dist_t = dist.astype(jnp.float32)
    sub_t = subtree.astype(jnp.float32)
    dist_norm = jnp.where(
        max_dist > 0,
        dist_t / jnp.where(max_dist > 0, max_dist, 1).astype(jnp.float32),
        dist_t)
    sub_norm = jnp.where(
        max_sub > 0,
        sub_t / jnp.where(max_sub > 0, max_sub, 1).astype(jnp.float32),
        sub_t)
    max_deg = jnp.max(deg)
    deg_norm = jnp.where(
        max_deg > 0,
        deg / jnp.where(max_deg > 0, max_deg, 1.0),
        jnp.zeros_like(deg))
    return dist_norm, sub_norm, deg_norm


def _readout_body(win_ref, emb_ref, w1_ref, b1_ref, w2_ref, b2_ref,
                  out_ref, m_ref, s_ref, acc_ref):
    i = pl.program_id(0)

    @pl.when(i == 0)
    def _init():
        m_ref[0, 0] = -jnp.inf
        s_ref[0, 0] = 0.0
        acc_ref[...] = jnp.zeros_like(acc_ref)

    x = win_ref[...]
    h = jnp.maximum(
        jnp.dot(x, w1_ref[...], preferred_element_type=jnp.float32)
        + b1_ref[...], 0.0)
    z = (jnp.dot(h, w2_ref[...], preferred_element_type=jnp.float32)
         + b2_ref[0, 0])
    z = z[:, 0]
    m_old = m_ref[0, 0]
    m_new = jnp.maximum(m_old, jnp.max(z))
    corr = jnp.exp(m_old - m_new)
    e = jnp.exp(z - m_new)
    s_ref[0, 0] = s_ref[0, 0] * corr + jnp.sum(e)
    acc_ref[...] = acc_ref[...] * corr + jnp.dot(
        e[None, :], emb_ref[...], preferred_element_type=jnp.float32)
    m_ref[0, 0] = m_new

    @pl.when(i == N_BLOCKS - 1)
    def _fin():
        out_ref[...] = acc_ref[...] / s_ref[0, 0]


def _weighted_readout(weight_in, node_embed, W1T, b1, W2T, b2):
    return pl.pallas_call(
        _readout_body,
        grid=(N_BLOCKS,),
        in_specs=[
            pl.BlockSpec((ROW_BLOCK, IN_DIM), lambda i: (i, 0)),
            pl.BlockSpec((ROW_BLOCK, D_EMBED), lambda i: (i, 0)),
            pl.BlockSpec((IN_DIM, HIDDEN), lambda i: (0, 0)),
            pl.BlockSpec((1, HIDDEN), lambda i: (0, 0)),
            pl.BlockSpec((HIDDEN, 1), lambda i: (0, 0)),
            pl.BlockSpec((1, 1), lambda i: (0, 0), memory_space=pltpu.SMEM),
        ],
        out_specs=pl.BlockSpec((1, D_EMBED), lambda i: (0, 0)),
        out_shape=jax.ShapeDtypeStruct((1, D_EMBED), jnp.float32),
        scratch_shapes=[
            pltpu.SMEM((1, 1), jnp.float32),
            pltpu.SMEM((1, 1), jnp.float32),
            pltpu.VMEM((1, D_EMBED), jnp.float32),
        ],
    )(weight_in, node_embed, W1T, b1, W2T, b2)


def kernel(node_embed, data, attr_x, edge_index, W1, b1, W2, b2):
    num_nodes = node_embed.shape[0]
    dist_norm, sub_norm, deg_norm = _struct_feats(edge_index, num_nodes)
    struct = jnp.stack([1.0 - dist_norm, sub_norm, deg_norm], axis=1)
    attr = attr_x[:, -ATTR_DIM:]
    weight_in = jnp.concatenate([attr, struct], axis=1)
    out = _weighted_readout(
        weight_in, node_embed,
        W1.T, b1.reshape(1, HIDDEN), W2.T, b2.reshape(1, 1))
    return out

# --- scband reference (transcript-rebuilt; emitter-appended) ---
"""Pipeline reference for scband-weighted-readout-34806414967246 (READ-ONLY COPY).

The authoritative reference and input builder live on the scoring server;
editing this copy changes nothing except your own understanding.
"""

import jax, jax.numpy as jnp
import numpy as np

N = 10000
E = 160000
D = 256
ATTR_DIM = 16
HIDDEN = 64
IN_DIM = ATTR_DIM + 3


def _struct_features(edge_index, num_nodes):
    # Single graph (batch all zeros), ptr=[0,N], root=0. Faithful BFS-based features.
    src = edge_index[0].astype(jnp.int32)
    dst = edge_index[1].astype(jnp.int32)
    num_edges = src.shape[0]
    deg = jax.ops.segment_sum(jnp.ones((num_edges,), jnp.float32), src,
                              num_segments=num_nodes)
    BIG = jnp.iinfo(jnp.int32).max
    pos = jnp.arange(num_edges, dtype=jnp.int32)
    dist0 = jnp.full((num_nodes,), -1, jnp.int32).at[0].set(0)
    rank0 = jnp.full((num_nodes,), BIG, jnp.int32).at[0].set(0)
    parent0 = jnp.full((num_nodes,), -1, jnp.int32).at[0].set(0)

    def bfs_cond(c):
        return c[4] > 0

    def bfs_body(c):
        dist, rank, parent, level, _, next_rank = c
        cand = (dist[src] == level) & (dist[dst] < 0)
        # Discovery key reproduces Python BFS tie-breaking: queue (rank) order
        # first, then adjacency-list (edge) order. Keys are unique per edge.
        key = jnp.where(cand, rank[src] * num_edges + pos, BIG)
        mink = jax.ops.segment_min(key, dst, num_segments=num_nodes)
        new = mink < BIG
        win = cand & (key == mink[dst])
        psrc = jax.ops.segment_max(jnp.where(win, src, -1), dst,
                                   num_segments=num_nodes)
        order = jnp.argsort(jnp.where(new, mink, BIG))
        slot = jnp.argsort(order).astype(jnp.int32)
        rank_new = jnp.where(new, next_rank + slot, rank)
        dist_new = jnp.where(new, level + 1, dist)
        parent_new = jnp.where(new, psrc, parent)
        n_new = jnp.sum(new.astype(jnp.int32))
        return (dist_new, rank_new, parent_new, level + 1, n_new,
                next_rank + n_new)

    dist, rank, parent, _, _, _ = jax.lax.while_loop(
        bfs_cond, bfs_body,
        (dist0, rank0, parent0, jnp.int32(0), jnp.int32(1), jnp.int32(1)))

    max_dist = jnp.max(dist)
    dist = jnp.where(dist < 0, max_dist + 1, dist)

    node_ids = jnp.arange(num_nodes, dtype=jnp.int32)
    child = (parent >= 0) & (parent != node_ids)
    pidx = jnp.where(child, parent, 0)

    def sub_cond(c):
        return c[1]

    def sub_body(c):
        s, _ = c
        s_new = 1 + jax.ops.segment_sum(jnp.where(child, s, 0), pidx,
                                        num_segments=num_nodes)
        return (s_new, jnp.any(s_new != s))

    subtree, _ = jax.lax.while_loop(
        sub_cond, sub_body,
        (jnp.ones((num_nodes,), jnp.int32), jnp.bool_(True)))

    max_sub = jnp.max(subtree)
    dist_t = dist.astype(jnp.float32)
    sub_t = subtree.astype(jnp.float32)
    dist_norm = jnp.where(
        max_dist > 0,
        dist_t / jnp.where(max_dist > 0, max_dist, 1).astype(jnp.float32),
        dist_t)
    sub_norm = jnp.where(
        max_sub > 0,
        sub_t / jnp.where(max_sub > 0, max_sub, 1).astype(jnp.float32),
        sub_t)
    max_deg = jnp.max(deg)
    deg_norm = jnp.where(
        max_deg > 0,
        deg / jnp.where(max_deg > 0, max_deg, 1.0),
        jnp.zeros_like(deg))
    return jnp.stack([1.0 - dist_norm, sub_norm, deg_norm], axis=1).astype(jnp.float32)


def setup_inputs(seed: int = 0) -> dict:
    key = jax.random.key(seed)
    k1, k2, k3, k4, k5, k6, k7 = jax.random.split(key, 7)
    node_embed = jax.random.normal(k1, (N, D), dtype=jnp.float32)
    attr_x = jax.random.normal(k2, (N, ATTR_DIM), dtype=jnp.float32)
    edge_index = jax.random.randint(k3, (2, E), 0, N, dtype=jnp.int64)
    data = jnp.zeros((1,), dtype=jnp.int64)  # dummy: plain tensor has no .batch/.ptr attrs
    lim1 = 1.0 / np.sqrt(IN_DIM)
    lim2 = 1.0 / np.sqrt(HIDDEN)
    W1 = jax.random.uniform(k4, (HIDDEN, IN_DIM), jnp.float32, -lim1, lim1)
    b1 = jax.random.uniform(k5, (HIDDEN,), jnp.float32, -lim1, lim1)
    W2 = jax.random.uniform(k6, (1, HIDDEN), jnp.float32, -lim2, lim2)
    b2 = jax.random.uniform(k7, (1,), jnp.float32, -lim2, lim2)
    return {"node_embed": node_embed, "data": data, "attr_x": attr_x,
            "edge_index": edge_index, "W1": W1, "b1": b1, "W2": W2, "b2": b2}


def reference(node_embed, data, attr_x, edge_index, W1, b1, W2, b2):
    num_nodes = node_embed.shape[0]
    # batch defaults to all-zeros (single segment) since `data` is a plain tensor
    batch = jnp.zeros((num_nodes,), dtype=jnp.int32)
    struct = _struct_features(edge_index, num_nodes)
    attr = attr_x[:, -ATTR_DIM:]
    weight_in = jnp.concatenate([attr, struct], axis=1)
    h = jnp.maximum(weight_in @ W1.T + b1, 0.0)
    weight_logit = (h @ W2.T + b2).squeeze(-1)
    # segment softmax with a single segment == global softmax
    seg_max = jax.ops.segment_max(weight_logit, batch, num_segments=1)
    shifted = weight_logit - seg_max[batch]
    ex = jnp.exp(shifted)
    seg_sum = jax.ops.segment_sum(ex, batch, num_segments=1)
    weights = ex / seg_sum[batch]
    out = jax.ops.segment_sum(node_embed * weights[:, None], batch, num_segments=1)
    return out

if __name__ == "__main__":
    import jax
    _d = setup_inputs()
    print(jax.jit(kernel)(*tuple(_d.values())))

</pallas_src>

<mosaic_0001>
#map = affine_map<(d0, d1) -> (0)>
module attributes {stable_mosaic.version = 14 : i64} {
  func.func @_subtree_kernel(%arg0: i32, %arg1: i32, %arg2: memref<10240xi32, #tpu.memory_space<hbm>>, %arg3: memref<10240xi32, #tpu.memory_space<hbm>>, %arg4: memref<10240xi32, #tpu.memory_space<hbm>>, %arg5: memref<10240xi32, #tpu.memory_space<hbm>>, %arg6: memref<16xi32, #tpu.memory_space<hbm>>, %arg7: memref<640xi32, #tpu.memory_space<vmem>>, %arg8: memref<640xi32, #tpu.memory_space<vmem>>, %arg9: memref<640xi32, #tpu.memory_space<vmem>>, %arg10: memref<640xi32, #tpu.memory_space<vmem>>, %arg11: memref<16xi32, #tpu.memory_space<vmem>>, %arg12: memref<256xi32, #tpu.memory_space<vmem>>, %arg13: memref<10240xi32, #tpu.memory_space<vmem_shared>>, %arg14: memref<256xi32, #tpu.memory_space<vmem_shared>>) attributes {dimension_semantics = [#tpu.dimension_semantics<core_parallel>, #tpu.dimension_semantics<subcore_parallel>], iteration_bounds = array<i64: 2, 16>, scalar_prefetch = 0 : i64, scratch_operands = 8 : i64, tpu.core_type = #tpu.core_type<sc_vector_subcore>, window_params = [{transform_indices = #map}, {transform_indices = #map}, {transform_indices = #map}, {transform_indices = #map}, {transform_indices = #map}]} {
    %mul3A = arith.constant 640 : i32
    %mul3A_0 = arith.muli %arg1, %mul3A : i32
    "tpu.region"() ({
      %run_scoped3A = tpu.sem_alloc : memref<!tpu.dma_semaphore, #tpu.memory_space<semaphore_mem>>
      %dma_start3A = tpu.memref_slice %arg2[%mul3A_0] : memref<10240xi32, #tpu.memory_space<hbm>> -> memref<640xi32, #tpu.memory_space<hbm>>
      %dma_start3A_209 = tpu.memref_slice %arg2[%mul3A_0] : memref<10240xi32, #tpu.memory_space<hbm>> -> memref<640xi32, #tpu.memory_space<hbm>>
      tpu.enqueue_dma source(%dma_start3A_209 : memref<640xi32, #tpu.memory_space<hbm>>) target(%arg7 : memref<640xi32, #tpu.memory_space<vmem>>) target_semaphore(%run_scoped3A : memref<!tpu.dma_semaphore, #tpu.memory_space<semaphore_mem>>)
      %dma_wait3A = tpu.memref_slice %arg2[%mul3A_0] : memref<10240xi32, #tpu.memory_space<hbm>> -> memref<640xi32, #tpu.memory_space<hbm>>
      %dma_wait3A_210 = tpu.memref_slice %arg2[%mul3A_0] : memref<10240xi32, #tpu.memory_space<hbm>> -> memref<640xi32, #tpu.memory_space<hbm>>
      tpu.wait_dma2 semaphore(%run_scoped3A : memref<!tpu.dma_semaphore, #tpu.memory_space<semaphore_mem>>) src(%dma_wait3A_210 : memref<640xi32, #tpu.memory_space<hbm>>) dst(%arg7 : memref<640xi32, #tpu.memory_space<vmem>>)
      tpu.yield
    }) : () -> ()
    "tpu.region"() ({
      %run_scoped3A = tpu.sem_alloc : memref<!tpu.dma_semaphore, #tpu.memory_space<semaphore_mem>>
      %dma_start3A = tpu.memref_slice %arg3[%mul3A_0] : memref<10240xi32, #tpu.memory_space<hbm>> -> memref<640xi32, #tpu.memory_space<hbm>>
      %dma_start3A_209 = tpu.memref_slice %arg3[%mul3A_0] : memref<10240xi32, #tpu.memory_space<hbm>> -> memref<640xi32, #tpu.memory_space<hbm>>
      tpu.enqueue_dma source(%dma_start3A_209 : memref<640xi32, #tpu.memory_space<hbm>>) target(%arg8 : memref<640xi32, #tpu.memory_space<vmem>>) target_semaphore(%run_scoped3A : memref<!tpu.dma_semaphore, #tpu.memory_space<semaphore_mem>>)
      %dma_wait3A = tpu.memref_slice %arg3[%mul3A_0] : memref<10240xi32, #tpu.memory_space<hbm>> -> memref<640xi32, #tpu.memory_space<hbm>>
      %dma_wait3A_210 = tpu.memref_slice %arg3[%mul3A_0] : memref<10240xi32, #tpu.memory_space<hbm>> -> memref<640xi32, #tpu.memory_space<hbm>>
      tpu.wait_dma2 semaphore(%run_scoped3A : memref<!tpu.dma_semaphore, #tpu.memory_space<semaphore_mem>>) src(%dma_wait3A_210 : memref<640xi32, #tpu.memory_space<hbm>>) dst(%arg8 : memref<640xi32, #tpu.memory_space<vmem>>)
      tpu.yield
    }) : () -> ()
    "tpu.region"() ({
      %run_scoped3A = tpu.sem_alloc : memref<!tpu.dma_semaphore, #tpu.memory_space<semaphore_mem>>
      %dma_start3A = tpu.memref_slice %arg4[%mul3A_0] : memref<10240xi32, #tpu.memory_space<hbm>> -> memref<640xi32, #tpu.memory_space<hbm>>
      %dma_start3A_209 = tpu.memref_slice %arg4[%mul3A_0] : memref<10240xi32, #tpu.memory_space<hbm>> -> memref<640xi32, #tpu.memory_space<hbm>>
      tpu.enqueue_dma source(%dma_start3A_209 : memref<640xi32, #tpu.memory_space<hbm>>) target(%arg9 : memref<640xi32, #tpu.memory_space<vmem>>) target_semaphore(%run_scoped3A : memref<!tpu.dma_semaphore, #tpu.memory_space<semaphore_mem>>)
      %dma_wait3A = tpu.memref_slice %arg4[%mul3A_0] : memref<10240xi32, #tpu.memory_space<hbm>> -> memref<640xi32, #tpu.memory_space<hbm>>
      %dma_wait3A_210 = tpu.memref_slice %arg4[%mul3A_0] : memref<10240xi32, #tpu.memory_space<hbm>> -> memref<640xi32, #tpu.memory_space<hbm>>
      tpu.wait_dma2 semaphore(%run_scoped3A : memref<!tpu.dma_semaphore, #tpu.memory_space<semaphore_mem>>) src(%dma_wait3A_210 : memref<640xi32, #tpu.memory_space<hbm>>) dst(%arg9 : memref<640xi32, #tpu.memory_space<vmem>>)
      tpu.yield
    }) : () -> ()
    %scan3A = arith.constant 0 : i32
    %scan3A_1 = arith.constant 0 : i32
    %scan3A_2 = arith.constant 40 : i32
    %scan3A_3 = arith.addi %scan3A_1, %scan3A_2 : i32
    %scan3A_4 = arith.constant 1 : i32
    %scan3A_5 = scf.for %scan3A_209 = %scan3A_1 to %scan3A_3 step %scan3A_4 iter_args(%scan3A_210 = %scan3A) -> (i32)  : i32 {
      %broadcast_in_dim3A_211 = arith.constant 0 : i32
      %broadcast_in_dim3A_212 = vector.broadcast %broadcast_in_dim3A_211 : i32 to vector<16xi32>
      %mul3A_213 = arith.constant 16 : i32
      %mul3A_214 = arith.muli %scan3A_209, %mul3A_213 : i32
      %swap3A_215 = arith.index_cast %mul3A_214 : i32 to index
      %swap3A_216 = tpu.vector_load %arg10[%swap3A_215] {strides = array<i32>} : memref<640xi32, #tpu.memory_space<vmem>>, vector<16xi32>,
      tpu.vector_store %arg10[%swap3A_215], %broadcast_in_dim3A_212 {strides = array<i32>} : memref<640xi32, #tpu.memory_space<vmem>>, vector<16xi32>,
      %scan3A_217 = arith.constant 0 : i32
      scf.yield %scan3A_217 : i32
    }
    %scan3A_6 = arith.constant 40 : i32
    "tpu.region"() ({
      %run_scoped3A = tpu.sem_alloc : memref<!tpu.dma_semaphore, #tpu.memory_space<semaphore_mem>>
      %dma_start3A = tpu.memref_slice %arg13[%mul3A_0] : memref<10240xi32, #tpu.memory_space<vmem_shared>> -> memref<640xi32, #tpu.memory_space<vmem_shared>>
      %dma_start3A_209 = tpu.memref_slice %arg13[%mul3A_0] : memref<10240xi32, #tpu.memory_space<vmem_shared>> -> memref<640xi32, #tpu.memory_space<vmem_shared>>
      tpu.enqueue_dma source(%arg10 : memref<640xi32, #tpu.memory_space<vmem>>) target(%dma_start3A_209 : memref<640xi32, #tpu.memory_space<vmem_shared>>) target_semaphore(%run_scoped3A : memref<!tpu.dma_semaphore, #tpu.memory_space<semaphore_mem>>)
      %dma_wait3A = tpu.memref_slice %arg13[%mul3A_0] : memref<10240xi32, #tpu.memory_space<vmem_shared>> -> memref<640xi32, #tpu.memory_space<vmem_shared>>
      %dma_wait3A_210 = tpu.memref_slice %arg13[%mul3A_0] : memref<10240xi32, #tpu.memory_space<vmem_shared>> -> memref<640xi32, #tpu.memory_space<vmem_shared>>
      tpu.wait_dma2 semaphore(%run_scoped3A : memref<!tpu.dma_semaphore, #tpu.memory_space<semaphore_mem>>) src(%arg10 : memref<640xi32, #tpu.memory_space<vmem>>) dst(%dma_wait3A_210 : memref<640xi32, #tpu.memory_space<vmem_shared>>)
      tpu.yield
    }) : () -> ()
    %barrier3A = arith.constant 0 : index
    tpu.barrier barrier_id(%barrier3A)
    %scan3A_7 = arith.constant 0 : i32
    %scan3A_8 = arith.constant 0 : i32
    %scan3A_9 = arith.constant 40 : i32
    %scan3A_10 = arith.addi %scan3A_8, %scan3A_9 : i32
    %scan3A_11 = arith.constant 1 : i32
    %scan3A_12 = scf.for %scan3A_209 = %scan3A_8 to %scan3A_10 step %scan3A_11 iter_args(%scan3A_210 = %scan3A_7) -> (i32)  : i32 {
      %mul3A_211 = arith.constant 16 : i32
      %mul3A_212 = arith.muli %scan3A_209, %mul3A_211 : i32
      %get3A = arith.index_cast %mul3A_212 : i32 to index
      %get3A_213 = tpu.vector_load %arg7[%get3A] {strides = array<i32>} : memref<640xi32, #tpu.memory_space<vmem>>, vector<16xi32>,
      %get3A_214 = arith.index_cast %mul3A_212 : i32 to index
      %get3A_215 = tpu.vector_load %arg9[%get3A_214] {strides = array<i32>} : memref<640xi32, #tpu.memory_space<vmem>>, vector<16xi32>,
      %mul3A_216 = arith.muli %get3A_213, %get3A_215 : vector<16xi32>
      %swap3A_217 = arith.index_cast %mul3A_212 : i32 to index
      %swap3A_218 = tpu.vector_load %arg10[%swap3A_217] {strides = array<i32>} : memref<640xi32, #tpu.memory_space<vmem>>, vector<16xi32>,
      tpu.vector_store %arg10[%swap3A_217], %mul3A_216 {strides = array<i32>} : memref<640xi32, #tpu.memory_space<vmem>>, vector<16xi32>,
      %scan3A_219 = arith.constant 0 : i32
      scf.yield %scan3A_219 : i32
    }
    %scan3A_13 = arith.constant 40 : i32
    "tpu.region"() ({
      %run_scoped3A = tpu.sem_alloc : memref<!tpu.dma_semaphore, #tpu.memory_space<semaphore_mem>>
      %dma_start3A = arith.constant 0 : i32
      %dma_start3A_209 = tpu.memref_slice %arg13[%dma_start3A] : memref<10240xi32, #tpu.memory_space<vmem_shared>> -> memref<10240xi32, #tpu.memory_space<vmem_shared>>
      tpu.enqueue_indirect_dma source(%arg10 : memref<640xi32, #tpu.memory_space<vmem>>) target(%dma_start3A_209 : memref<10240xi32, #tpu.memory_space<vmem_shared>>) offsets(%arg8 : memref<640xi32, #tpu.memory_space<vmem>>) semaphore(%run_scoped3A : memref<!tpu.dma_semaphore, #tpu.memory_space<semaphore_mem>>) {add = true}
      %dma_wait3A = arith.constant 0 : i32
      %dma_wait3A_210 = tpu.memref_slice %arg13[%dma_wait3A] : memref<10240xi32, #tpu.memory_space<vmem_shared>> -> memref<10240xi32, #tpu.memory_space<vmem_shared>>
      tpu.wait_indirect_dma semaphore(%run_scoped3A : memref<!tpu.dma_semaphore, #tpu.memory_space<semaphore_mem>>) src(%arg10 : memref<640xi32, #tpu.memory_space<vmem>>) dst(%dma_wait3A_210 : memref<10240xi32, #tpu.memory_space<vmem_shared>>)
      tpu.yield
    }) : () -> ()
    %barrier3A_14 = arith.constant 0 : index
    tpu.barrier barrier_id(%barrier3A_14)
    "tpu.region"() ({
      %run_scoped3A = tpu.sem_alloc : memref<!tpu.dma_semaphore, #tpu.memory_space<semaphore_mem>>
      %dma_start3A = tpu.memref_slice %arg13[%mul3A_0] : memref<10240xi32, #tpu.memory_space<vmem_shared>> -> memref<640xi32, #tpu.memory_space<vmem_shared>>
      %dma_start3A_209 = tpu.memref_slice %arg13[%mul3A_0] : memref<10240xi32, #tpu.memory_space<vmem_shared>> -> memref<640xi32, #tpu.memory_space<vmem_shared>>
      tpu.enqueue_dma source(%dma_start3A_209 : memref<640xi32, #tpu.memory_space<vmem_shared>>) target(%arg10 : memref<640xi32, #tpu.memory_space<vmem>>) target_semaphore(%run_scoped3A : memref<!tpu.dma_semaphore, #tpu.memory_space<semaphore_mem>>)
      %dma_wait3A = tpu.memref_slice %arg13[%mul3A_0] : memref<10240xi32, #tpu.memory_space<vmem_shared>> -> memref<640xi32, #tpu.memory_space<vmem_shared>>
      %dma_wait3A_210 = tpu.memref_slice %arg13[%mul3A_0] : memref<10240xi32, #tpu.memory_space<vmem_shared>> -> memref<640xi32, #tpu.memory_space<vmem_shared>>
      tpu.wait_dma2 semaphore(%run_scoped3A : memref<!tpu.dma_semaphore, #tpu.memory_space<semaphore_mem>>) src(%dma_wait3A_210 : memref<640xi32, #tpu.memory_space<vmem_shared>>) dst(%arg10 : memref<640xi32, #tpu.memory_space<vmem>>)
      tpu.yield
    }) : () -> ()
    %scan3A_15 = arith.constant 0 : i32
    %scan3A_16 = arith.constant 0 : i32
    %scan3A_17 = arith.constant 40 : i32
    %scan3A_18 = arith.addi %scan3A_16, %scan3A_17 : i32
    %scan3A_19 = arith.constant 1 : i32
    %scan3A_20 = scf.for %scan3A_209 = %scan3A_16 to %scan3A_18 step %scan3A_19 iter_args(%scan3A_210 = %scan3A_15) -> (i32)  : i32 {
      %mul3A_211 = arith.constant 16 : i32
      %mul3A_212 = arith.muli %scan3A_209, %mul3A_211 : i32
      %get3A = arith.index_cast %mul3A_212 : i32 to index
      %get3A_213 = tpu.vector_load %arg10[%get3A] {strides = array<i32>} : memref<640xi32, #tpu.memory_space<vmem>>, vector<16xi32>,
      %add3A_214 = arith.constant 1 : i32
      %add3A_215 = vector.broadcast %add3A_214 : i32 to vector<16xi32>
      %add3A_216 = arith.addi %add3A_215, %get3A_213 : vector<16xi32>
      %swap3A_217 = arith.index_cast %mul3A_212 : i32 to index
      %swap3A_218 = tpu.vector_load %arg9[%swap3A_217] {strides = array<i32>} : memref<640xi32, #tpu.memory_space<vmem>>, vector<16xi32>,
      tpu.vector_store %arg9[%swap3A_217], %add3A_216 {strides = array<i32>} : memref<640xi32, #tpu.memory_space<vmem>>, vector<16xi32>,
      %scan3A_219 = arith.constant 0 : i32
      scf.yield %scan3A_219 : i32
    }
    %scan3A_21 = arith.constant 40 : i32
    %scan3A_22 = arith.constant 0 : i32
    %scan3A_23 = arith.constant 0 : i32
    %scan3A_24 = arith.constant 40 : i32
    %scan3A_25 = arith.addi %scan3A_23, %scan3A_24 : i32
    %scan3A_26 = arith.constant 1 : i32
    %scan3A_27 = scf.for %scan3A_209 = %scan3A_23 to %scan3A_25 step %scan3A_26 iter_args(%scan3A_210 = %scan3A_22) -> (i32)  : i32 {
      %broadcast_in_dim3A_211 = arith.constant 0 : i32
      %broadcast_in_dim3A_212 = vector.broadcast %broadcast_in_dim3A_211 : i32 to vector<16xi32>
      %mul3A_213 = arith.constant 16 : i32
      %mul3A_214 = arith.muli %scan3A_209, %mul3A_213 : i32
      %swap3A_215 = arith.index_cast %mul3A_214 : i32 to index
      %swap3A_216 = tpu.vector_load %arg10[%swap3A_215] {strides = array<i32>} : memref<640xi32, #tpu.memory_space<vmem>>, vector<16xi32>,
      tpu.vector_store %arg10[%swap3A_215], %broadcast_in_dim3A_212 {strides = array<i32>} : memref<640xi32, #tpu.memory_space<vmem>>, vector<16xi32>,
      %scan3A_217 = arith.constant 0 : i32
      scf.yield %scan3A_217 : i32
    }
    %scan3A_28 = arith.constant 40 : i32
    "tpu.region"() ({
      %run_scoped3A = tpu.sem_alloc : memref<!tpu.dma_semaphore, #tpu.memory_space<semaphore_mem>>
      %dma_start3A = tpu.memref_slice %arg13[%mul3A_0] : memref<10240xi32, #tpu.memory_space<vmem_shared>> -> memref<640xi32, #tpu.memory_space<vmem_shared>>
      %dma_start3A_209 = tpu.memref_slice %arg13[%mul3A_0] : memref<10240xi32, #tpu.memory_space<vmem_shared>> -> memref<640xi32, #tpu.memory_space<vmem_shared>>
      tpu.enqueue_dma source(%arg10 : memref<640xi32, #tpu.memory_space<vmem>>) target(%dma_start3A_209 : memref<640xi32, #tpu.memory_space<vmem_shared>>) target_semaphore(%run_scoped3A : memref<!tpu.dma_semaphore, #tpu.memory_space<semaphore_mem>>)
      %dma_wait3A = tpu.memref_slice %arg13[%mul3A_0] : memref<10240xi32, #tpu.memory_space<vmem_shared>> -> memref<640xi32, #tpu.memory_space<vmem_shared>>
      %dma_wait3A_210 = tpu.memref_slice %arg13[%mul3A_0] : memref<10240xi32, #tpu.memory_space<vmem_shared>> -> memref<640xi32, #tpu.memory_space<vmem_shared>>
      tpu.wait_dma2 semaphore(%run_scoped3A : memref<!tpu.dma_semaphore, #tpu.memory_space<semaphore_mem>>) src(%arg10 : memref<640xi32, #tpu.memory_space<vmem>>) dst(%dma_wait3A_210 : memref<640xi32, #tpu.memory_space<vmem_shared>>)
      tpu.yield
    }) : () -> ()
    %barrier3A_29 = arith.constant 0 : index
    tpu.barrier barrier_id(%barrier3A_29)
    %scan3A_30 = arith.constant 0 : i32
    %scan3A_31 = arith.constant 0 : i32
    %scan3A_32 = arith.constant 40 : i32
    %scan3A_33 = arith.addi %scan3A_31, %scan3A_32 : i32
    %scan3A_34 = arith.constant 1 : i32
    %scan3A_35 = scf.for %scan3A_209 = %scan3A_31 to %scan3A_33 step %scan3A_34 iter_args(%scan3A_210 = %scan3A_30) -> (i32)  : i32 {
      %mul3A_211 = arith.constant 16 : i32
      %mul3A_212 = arith.muli %scan3A_209, %mul3A_211 : i32
      %get3A = arith.index_cast %mul3A_212 : i32 to index
      %get3A_213 = tpu.vector_load %arg7[%get3A] {strides = array<i32>} : memref<640xi32, #tpu.memory_space<vmem>>, vector<16xi32>,
      %get3A_214 = arith.index_cast %mul3A_212 : i32 to index
      %get3A_215 = tpu.vector_load %arg9[%get3A_214] {strides = array<i32>} : memref<640xi32, #tpu.memory_space<vmem>>, vector<16xi32>,
      %mul3A_216 = arith.muli %get3A_213, %get3A_215 : vector<16xi32>
      %swap3A_217 = arith.index_cast %mul3A_212 : i32 to index
      %swap3A_218 = tpu.vector_load %arg10[%swap3A_217] {strides = array<i32>} : memref<640xi32, #tpu.memory_space<vmem>>, vector<16xi32>,
      tpu.vector_store %arg10[%swap3A_217], %mul3A_216 {strides = array<i32>} : memref<640xi32, #tpu.memory_space<vmem>>, vector<16xi32>,
      %scan3A_219 = arith.constant 0 : i32
      scf.yield %scan3A_219 : i32
    }
    %scan3A_36 = arith.constant 40 : i32
    "tpu.region"() ({
      %run_scoped3A = tpu.sem_alloc : memref<!tpu.dma_semaphore, #tpu.memory_space<semaphore_mem>>
      %dma_start3A = arith.constant 0 : i32
      %dma_start3A_209 = tpu.memref_slice %arg13[%dma_start3A] : memref<10240xi32, #tpu.memory_space<vmem_shared>> -> memref<10240xi32, #tpu.memory_space<vmem_shared>>
      tpu.enqueue_indirect_dma source(%arg10 : memref<640xi32, #tpu.memory_space<vmem>>) target(%dma_start3A_209 : memref<10240xi32, #tpu.memory_space<vmem_shared>>) offsets(%arg8 : memref<640xi32, #tpu.memory_space<vmem>>) semaphore(%run_scoped3A : memref<!tpu.dma_semaphore, #tpu.memory_space<semaphore_mem>>) {add = true}
      %dma_wait3A = arith.constant 0 : i32
      %dma_wait3A_210 = tpu.memref_slice %arg13[%dma_wait3A] : memref<10240xi32, #tpu.memory_space<vmem_shared>> -> memref<10240xi32, #tpu.memory_space<vmem_shared>>
      tpu.wait_indirect_dma semaphore(%run_scoped3A : memref<!tpu.dma_semaphore, #tpu.memory_space<semaphore_mem>>) src(%arg10 : memref<640xi32, #tpu.memory_space<vmem>>) dst(%dma_wait3A_210 : memref<10240xi32, #tpu.memory_space<vmem_shared>>)
      tpu.yield
    }) : () -> ()
    %barrier3A_37 = arith.constant 0 : index
    tpu.barrier barrier_id(%barrier3A_37)
    "tpu.region"() ({
      %run_scoped3A = tpu.sem_alloc : memref<!tpu.dma_semaphore, #tpu.memory_space<semaphore_mem>>
      %dma_start3A = tpu.memref_slice %arg13[%mul3A_0] : memref<10240xi32, #tpu.memory_space<vmem_shared>> -> memref<640xi32, #tpu.memory_space<vmem_shared>>
      %dma_start3A_209 = tpu.memref_slice %arg13[%mul3A_0] : memref<10240xi32, #tpu.memory_space<vmem_shared>> -> memref<640xi32, #tpu.memory_space<vmem_shared>>
      tpu.enqueue_dma source(%dma_start3A_209 : memref<640xi32, #tpu.memory_space<vmem_shared>>) target(%arg10 : memref<640xi32, #tpu.memory_space<vmem>>) target_semaphore(%run_scoped3A : memref<!tpu.dma_semaphore, #tpu.memory_space<semaphore_mem>>)
      %dma_wait3A = tpu.memref_slice %arg13[%mul3A_0] : memref<10240xi32, #tpu.memory_space<vmem_shared>> -> memref<640xi32, #tpu.memory_space<vmem_shared>>
      %dma_wait3A_210 = tpu.memref_slice %arg13[%mul3A_0] : memref<10240xi32, #tpu.memory_space<vmem_shared>> -> memref<640xi32, #tpu.memory_space<vmem_shared>>
      tpu.wait_dma2 semaphore(%run_scoped3A : memref<!tpu.dma_semaphore, #tpu.memory_space<semaphore_mem>>) src(%dma_wait3A_210 : memref<640xi32, #tpu.memory_space<vmem_shared>>) dst(%arg10 : memref<640xi32, #tpu.memory_space<vmem>>)
      tpu.yield
    }) : () -> ()
    %scan3A_38 = arith.constant 0 : i32
    %scan3A_39 = arith.constant 0 : i32
    %scan3A_40 = arith.constant 40 : i32
    %scan3A_41 = arith.addi %scan3A_39, %scan3A_40 : i32
    %scan3A_42 = arith.constant 1 : i32
    %scan3A_43 = scf.for %scan3A_209 = %scan3A_39 to %scan3A_41 step %scan3A_42 iter_args(%scan3A_210 = %scan3A_38) -> (i32)  : i32 {
      %mul3A_211 = arith.constant 16 : i32
      %mul3A_212 = arith.muli %scan3A_209, %mul3A_211 : i32
      %get3A = arith.index_cast %mul3A_212 : i32 to index
      %get3A_213 = tpu.vector_load %arg10[%get3A] {strides = array<i32>} : memref<640xi32, #tpu.memory_space<vmem>>, vector<16xi32>,
      %add3A_214 = arith.constant 1 : i32
      %add3A_215 = vector.broadcast %add3A_214 : i32 to vector<16xi32>
      %add3A_216 = arith.addi %add3A_215, %get3A_213 : vector<16xi32>
      %swap3A_217 = arith.index_cast %mul3A_212 : i32 to index
      %swap3A_218 = tpu.vector_load %arg9[%swap3A_217] {strides = array<i32>} : memref<640xi32, #tpu.memory_space<vmem>>, vector<16xi32>,
      tpu.vector_store %arg9[%swap3A_217], %add3A_216 {strides = array<i32>} : memref<640xi32, #tpu.memory_space<vmem>>, vector<16xi32>,
      %scan3A_219 = arith.constant 0 : i32
      scf.yield %scan3A_219 : i32
    }
    %scan3A_44 = arith.constant 40 : i32
    %scan3A_45 = arith.constant 0 : i32
    %scan3A_46 = arith.constant 0 : i32
    %scan3A_47 = arith.constant 40 : i32
    %scan3A_48 = arith.addi %scan3A_46, %scan3A_47 : i32
    %scan3A_49 = arith.constant 1 : i32
    %scan3A_50 = scf.for %scan3A_209 = %scan3A_46 to %scan3A_48 step %scan3A_49 iter_args(%scan3A_210 = %scan3A_45) -> (i32)  : i32 {
      %broadcast_in_dim3A_211 = arith.constant 0 : i32
      %broadcast_in_dim3A_212 = vector.broadcast %broadcast_in_dim3A_211 : i32 to vector<16xi32>
      %mul3A_213 = arith.constant 16 : i32
      %mul3A_214 = arith.muli %scan3A_209, %mul3A_213 : i32
      %swap3A_215 = arith.index_cast %mul3A_214 : i32 to index
      %swap3A_216 = tpu.vector_load %arg10[%swap3A_215] {strides = array<i32>} : memref<640xi32, #tpu.memory_space<vmem>>, vector<16xi32>,
      tpu.vector_store %arg10[%swap3A_215], %broadcast_in_dim3A_212 {strides = array<i32>} : memref<640xi32, #tpu.memory_space<vmem>>, vector<16xi32>,
      %scan3A_217 = arith.constant 0 : i32
      scf.yield %scan3A_217 : i32
    }
    %scan3A_51 = arith.constant 40 : i32
    "tpu.region"() ({
      %run_scoped3A = tpu.sem_alloc : memref<!tpu.dma_semaphore, #tpu.memory_space<semaphore_mem>>
      %dma_start3A = tpu.memref_slice %arg13[%mul3A_0] : memref<10240xi32, #tpu.memory_space<vmem_shared>> -> memref<640xi32, #tpu.memory_space<vmem_shared>>
      %dma_start3A_209 = tpu.memref_slice %arg13[%mul3A_0] : memref<10240xi32, #tpu.memory_space<vmem_shared>> -> memref<640xi32, #tpu.memory_space<vmem_shared>>
      tpu.enqueue_dma source(%arg10 : memref<640xi32, #tpu.memory_space<vmem>>) target(%dma_start3A_209 : memref<640xi32, #tpu.memory_space<vmem_shared>>) target_semaphore(%run_scoped3A : memref<!tpu.dma_semaphore, #tpu.memory_space<semaphore_mem>>)
      %dma_wait3A = tpu.memref_slice %arg13[%mul3A_0] : memref<10240xi32, #tpu.memory_space<vmem_shared>> -> memref<640xi32, #tpu.memory_space<vmem_shared>>
      %dma_wait3A_210 = tpu.memref_slice %arg13[%mul3A_0] : memref<10240xi32, #tpu.memory_space<vmem_shared>> -> memref<640xi32, #tpu.memory_space<vmem_shared>>
      tpu.wait_dma2 semaphore(%run_scoped3A : memref<!tpu.dma_semaphore, #tpu.memory_space<semaphore_mem>>) src(%arg10 : memref<640xi32, #tpu.memory_space<vmem>>) dst(%dma_wait3A_210 : memref<640xi32, #tpu.memory_space<vmem_shared>>)
      tpu.yield
    }) : () -> ()
    %barrier3A_52 = arith.constant 0 : index
    tpu.barrier barrier_id(%barrier3A_52)
    %scan3A_53 = arith.constant 0 : i32
    %scan3A_54 = arith.constant 0 : i32
    %scan3A_55 = arith.constant 40 : i32
    %scan3A_56 = arith.addi %scan3A_54, %scan3A_55 : i32
    %scan3A_57 = arith.constant 1 : i32
    %scan3A_58 = scf.for %scan3A_209 = %scan3A_54 to %scan3A_56 step %scan3A_57 iter_args(%scan3A_210 = %scan3A_53) -> (i32)  : i32 {
      %mul3A_211 = arith.constant 16 : i32
      %mul3A_212 = arith.muli %scan3A_209, %mul3A_211 : i32
      %get3A = arith.index_cast %mul3A_212 : i32 to index
      %get3A_213 = tpu.vector_load %arg7[%get3A] {strides = array<i32>} : memref<640xi32, #tpu.memory_space<vmem>>, vector<16xi32>,
      %get3A_214 = arith.index_cast %mul3A_212 : i32 to index
      %get3A_215 = tpu.vector_load %arg9[%get3A_214] {strides = array<i32>} : memref<640xi32, #tpu.memory_space<vmem>>, vector<16xi32>,
      %mul3A_216 = arith.muli %get3A_213, %get3A_215 : vector<16xi32>
      %swap3A_217 = arith.index_cast %mul3A_212 : i32 to index
      %swap3A_218 = tpu.vector_load %arg10[%swap3A_217] {strides = array<i32>} : memref<640xi32, #tpu.memory_space<vmem>>, vector<16xi32>,
      tpu.vector_store %arg10[%swap3A_217], %mul3A_216 {strides = array<i32>} : memref<640xi32, #tpu.memory_space<vmem>>, vector<16xi32>,
      %scan3A_219 = arith.constant 0 : i32
      scf.yield %scan3A_219 : i32
    }
    %scan3A_59 = arith.constant 40 : i32
    "tpu.region"() ({
      %run_scoped3A = tpu.sem_alloc : memref<!tpu.dma_semaphore, #tpu.memory_space<semaphore_mem>>
      %dma_start3A = arith.constant 0 : i32
      %dma_start3A_209 = tpu.memref_slice %arg13[%dma_start3A] : memref<10240xi32, #tpu.memory_space<vmem_shared>> -> memref<10240xi32, #tpu.memory_space<vmem_shared>>
      tpu.enqueue_indirect_dma source(%arg10 : memref<640xi32, #tpu.memory_space<vmem>>) target(%dma_start3A_209 : memref<10240xi32, #tpu.memory_space<vmem_shared>>) offsets(%arg8 : memref<640xi32, #tpu.memory_space<vmem>>) semaphore(%run_scoped3A : memref<!tpu.dma_semaphore, #tpu.memory_space<semaphore_mem>>) {add = true}
      %dma_wait3A = arith.constant 0 : i32
      %dma_wait3A_210 = tpu.memref_slice %arg13[%dma_wait3A] : memref<10240xi32, #tpu.memory_space<vmem_shared>> -> memref<10240xi32, #tpu.memory_space<vmem_shared>>
      tpu.wait_indirect_dma semaphore(%run_scoped3A : memref<!tpu.dma_semaphore, #tpu.memory_space<semaphore_mem>>) src(%arg10 : memref<640xi32, #tpu.memory_space<vmem>>) dst(%dma_wait3A_210 : memref<10240xi32, #tpu.memory_space<vmem_shared>>)
      tpu.yield
    }) : () -> ()
    %barrier3A_60 = arith.constant 0 : index
    tpu.barrier barrier_id(%barrier3A_60)
    "tpu.region"() ({
      %run_scoped3A = tpu.sem_alloc : memref<!tpu.dma_semaphore, #tpu.memory_space<semaphore_mem>>
      %dma_start3A = tpu.memref_slice %arg13[%mul3A_0] : memref<10240xi32, #tpu.memory_space<vmem_shared>> -> memref<640xi32, #tpu.memory_space<vmem_shared>>
      %dma_start3A_209 = tpu.memref_slice %arg13[%mul3A_0] : memref<10240xi32, #tpu.memory_space<vmem_shared>> -> memref<640xi32, #tpu.memory_space<vmem_shared>>
      tpu.enqueue_dma source(%dma_start3A_209 : memref<640xi32, #tpu.memory_space<vmem_shared>>) target(%arg10 : memref<640xi32, #tpu.memory_space<vmem>>) target_semaphore(%run_scoped3A : memref<!tpu.dma_semaphore, #tpu.memory_space<semaphore_mem>>)
      %dma_wait3A = tpu.memref_slice %arg13[%mul3A_0] : memref<10240xi32, #tpu.memory_space<vmem_shared>> -> memref<640xi32, #tpu.memory_space<vmem_shared>>
      %dma_wait3A_210 = tpu.memref_slice %arg13[%mul3A_0] : memref<10240xi32, #tpu.memory_space<vmem_shared>> -> memref<640xi32, #tpu.memory_space<vmem_shared>>
      tpu.wait_dma2 semaphore(%run_scoped3A : memref<!tpu.dma_semaphore, #tpu.memory_space<semaphore_mem>>) src(%dma_wait3A_210 : memref<640xi32, #tpu.memory_space<vmem_shared>>) dst(%arg10 : memref<640xi32, #tpu.memory_space<vmem>>)
      tpu.yield
    }) : () -> ()
    %scan3A_61 = arith.constant 0 : i32
    %scan3A_62 = arith.constant 0 : i32
    %scan3A_63 = arith.constant 40 : i32
    %scan3A_64 = arith.addi %scan3A_62, %scan3A_63 : i32
    %scan3A_65 = arith.constant 1 : i32
    %scan3A_66 = scf.for %scan3A_209 = %scan3A_62 to %scan3A_64 step %scan3A_65 iter_args(%scan3A_210 = %scan3A_61) -> (i32)  : i32 {
      %mul3A_211 = arith.constant 16 : i32
      %mul3A_212 = arith.muli %scan3A_209, %mul3A_211 : i32
      %get3A = arith.index_cast %mul3A_212 : i32 to index
      %get3A_213 = tpu.vector_load %arg10[%get3A] {strides = array<i32>} : memref<640xi32, #tpu.memory_space<vmem>>, vector<16xi32>,
      %add3A_214 = arith.constant 1 : i32
      %add3A_215 = vector.broadcast %add3A_214 : i32 to vector<16xi32>
      %add3A_216 = arith.addi %add3A_215, %get3A_213 : vector<16xi32>
      %swap3A_217 = arith.index_cast %mul3A_212 : i32 to index
      %swap3A_218 = tpu.vector_load %arg9[%swap3A_217] {strides = array<i32>} : memref<640xi32, #tpu.memory_space<vmem>>, vector<16xi32>,
      tpu.vector_store %arg9[%swap3A_217], %add3A_216 {strides = array<i32>} : memref<640xi32, #tpu.memory_space<vmem>>, vector<16xi32>,
      %scan3A_219 = arith.constant 0 : i32
      scf.yield %scan3A_219 : i32
    }
    %scan3A_67 = arith.constant 40 : i32
    %scan3A_68 = arith.constant 0 : i32
    %scan3A_69 = arith.constant 0 : i32
    %scan3A_70 = arith.constant 40 : i32
    %scan3A_71 = arith.addi %scan3A_69, %scan3A_70 : i32
    %scan3A_72 = arith.constant 1 : i32
    %scan3A_73 = scf.for %scan3A_209 = %scan3A_69 to %scan3A_71 step %scan3A_72 iter_args(%scan3A_210 = %scan3A_68) -> (i32)  : i32 {
      %broadcast_in_dim3A_211 = arith.constant 0 : i32
      %broadcast_in_dim3A_212 = vector.broadcast %broadcast_in_dim3A_211 : i32 to vector<16xi32>
      %mul3A_213 = arith.constant 16 : i32
      %mul3A_214 = arith.muli %scan3A_209, %mul3A_213 : i32
      %swap3A_215 = arith.index_cast %mul3A_214 : i32 to index
      %swap3A_216 = tpu.vector_load %arg10[%swap3A_215] {strides = array<i32>} : memref<640xi32, #tpu.memory_space<vmem>>, vector<16xi32>,
      tpu.vector_store %arg10[%swap3A_215], %broadcast_in_dim3A_212 {strides = array<i32>} : memref<640xi32, #tpu.memory_space<vmem>>, vector<16xi32>,
      %scan3A_217 = arith.constant 0 : i32
      scf.yield %scan3A_217 : i32
    }
    %scan3A_74 = arith.constant 40 : i32
    "tpu.region"() ({
      %run_scoped3A = tpu.sem_alloc : memref<!tpu.dma_semaphore, #tpu.memory_space<semaphore_mem>>
      %dma_start3A = tpu.memref_slice %arg13[%mul3A_0] : memref<10240xi32, #tpu.memory_space<vmem_shared>> -> memref<640xi32, #tpu.memory_space<vmem_shared>>
      %dma_start3A_209 = tpu.memref_slice %arg13[%mul3A_0] : memref<10240xi32, #tpu.memory_space<vmem_shared>> -> memref<640xi32, #tpu.memory_space<vmem_shared>>
      tpu.enqueue_dma source(%arg10 : memref<640xi32, #tpu.memory_space<vmem>>) target(%dma_start3A_209 : memref<640xi32, #tpu.memory_space<vmem_shared>>) target_semaphore(%run_scoped3A : memref<!tpu.dma_semaphore, #tpu.memory_space<semaphore_mem>>)
      %dma_wait3A = tpu.memref_slice %arg13[%mul3A_0] : memref<10240xi32, #tpu.memory_space<vmem_shared>> -> memref<640xi32, #tpu.memory_space<vmem_shared>>
      %dma_wait3A_210 = tpu.memref_slice %arg13[%mul3A_0] : memref<10240xi32, #tpu.memory_space<vmem_shared>> -> memref<640xi32, #tpu.memory_space<vmem_shared>>
      tpu.wait_dma2 semaphore(%run_scoped3A : memref<!tpu.dma_semaphore, #tpu.memory_space<semaphore_mem>>) src(%arg10 : memref<640xi32, #tpu.memory_space<vmem>>) dst(%dma_wait3A_210 : memref<640xi32, #tpu.memory_space<vmem_shared>>)
      tpu.yield
    }) : () -> ()
    %barrier3A_75 = arith.constant 0 : index
    tpu.barrier barrier_id(%barrier3A_75)
    %scan3A_76 = arith.constant 0 : i32
    %scan3A_77 = arith.constant 0 : i32
    %scan3A_78 = arith.constant 40 : i32
    %scan3A_79 = arith.addi %scan3A_77, %scan3A_78 : i32
    %scan3A_80 = arith.constant 1 : i32
    %scan3A_81 = scf.for %scan3A_209 = %scan3A_77 to %scan3A_79 step %scan3A_80 iter_args(%scan3A_210 = %scan3A_76) -> (i32)  : i32 {
      %mul3A_211 = arith.constant 16 : i32
      %mul3A_212 = arith.muli %scan3A_209, %mul3A_211 : i32
      %get3A = arith.index_cast %mul3A_212 : i32 to index
      %get3A_213 = tpu.vector_load %arg7[%get3A] {strides = array<i32>} : memref<640xi32, #tpu.memory_space<vmem>>, vector<16xi32>,
      %get3A_214 = arith.index_cast %mul3A_212 : i32 to index
      %get3A_215 = tpu.vector_load %arg9[%get3A_214] {strides = array<i32>} : memref<640xi32, #tpu.memory_space<vmem>>, vector<16xi32>,
      %mul3A_216 = arith.muli %get3A_213, %get3A_215 : vector<16xi32>
      %swap3A_217 = arith.index_cast %mul3A_212 : i32 to index
      %swap3A_218 = tpu.vector_load %arg10[%swap3A_217] {strides = array<i32>} : memref<640xi32, #tpu.memory_space<vmem>>, vector<16xi32>,
      tpu.vector_store %arg10[%swap3A_217], %mul3A_216 {strides = array<i32>} : memref<640xi32, #tpu.memory_space<vmem>>, vector<16xi32>,
      %scan3A_219 = arith.constant 0 : i32
      scf.yield %scan3A_219 : i32
    }
    %scan3A_82 = arith.constant 40 : i32
    "tpu.region"() ({
      %run_scoped3A = tpu.sem_alloc : memref<!tpu.dma_semaphore, #tpu.memory_space<semaphore_mem>>
      %dma_start3A = arith.constant 0 : i32
      %dma_start3A_209 = tpu.memref_slice %arg13[%dma_start3A] : memref<10240xi32, #tpu.memory_space<vmem_shared>> -> memref<10240xi32, #tpu.memory_space<vmem_shared>>
      tpu.enqueue_indirect_dma source(%arg10 : memref<640xi32, #tpu.memory_space<vmem>>) target(%dma_start3A_209 : memref<10240xi32, #tpu.memory_space<vmem_shared>>) offsets(%arg8 : memref<640xi32, #tpu.memory_space<vmem>>) semaphore(%run_scoped3A : memref<!tpu.dma_semaphore, #tpu.memory_space<semaphore_mem>>) {add = true}
      %dma_wait3A = arith.constant 0 : i32
      %dma_wait3A_210 = tpu.memref_slice %arg13[%dma_wait3A] : memref<10240xi32, #tpu.memory_space<vmem_shared>> -> memref<10240xi32, #tpu.memory_space<vmem_shared>>
      tpu.wait_indirect_dma semaphore(%run_scoped3A : memref<!tpu.dma_semaphore, #tpu.memory_space<semaphore_mem>>) src(%arg10 : memref<640xi32, #tpu.memory_space<vmem>>) dst(%dma_wait3A_210 : memref<10240xi32, #tpu.memory_space<vmem_shared>>)
      tpu.yield
    }) : () -> ()
    %barrier3A_83 = arith.constant 0 : index
    tpu.barrier barrier_id(%barrier3A_83)
    "tpu.region"() ({
      %run_scoped3A = tpu.sem_alloc : memref<!tpu.dma_semaphore, #tpu.memory_space<semaphore_mem>>
      %dma_start3A = tpu.memref_slice %arg13[%mul3A_0] : memref<10240xi32, #tpu.memory_space<vmem_shared>> -> memref<640xi32, #tpu.memory_space<vmem_shared>>
      %dma_start3A_209 = tpu.memref_slice %arg13[%mul3A_0] : memref<10240xi32, #tpu.memory_space<vmem_shared>> -> memref<640xi32, #tpu.memory_space<vmem_shared>>
      tpu.enqueue_dma source(%dma_start3A_209 : memref<640xi32, #tpu.memory_space<vmem_shared>>) target(%arg10 : memref<640xi32, #tpu.memory_space<vmem>>) target_semaphore(%run_scoped3A : memref<!tpu.dma_semaphore, #tpu.memory_space<semaphore_mem>>)
      %dma_wait3A = tpu.memref_slice %arg13[%mul3A_0] : memref<10240xi32, #tpu.memory_space<vmem_shared>> -> memref<640xi32, #tpu.memory_space<vmem_shared>>
      %dma_wait3A_210 = tpu.memref_slice %arg13[%mul3A_0] : memref<10240xi32, #tpu.memory_space<vmem_shared>> -> memref<640xi32, #tpu.memory_space<vmem_shared>>
      tpu.wait_dma2 semaphore(%run_scoped3A : memref<!tpu.dma_semaphore, #tpu.memory_space<semaphore_mem>>) src(%dma_wait3A_210 : memref<640xi32, #tpu.memory_space<vmem_shared>>) dst(%arg10 : memref<640xi32, #tpu.memory_space<vmem>>)
      tpu.yield
    }) : () -> ()
    %scan3A_84 = arith.constant 0 : i32
    %scan3A_85 = arith.constant 0 : i32
    %scan3A_86 = arith.constant 40 : i32
    %scan3A_87 = arith.addi %scan3A_85, %scan3A_86 : i32
    %scan3A_88 = arith.constant 1 : i32
    %scan3A_89 = scf.for %scan3A_209 = %scan3A_85 to %scan3A_87 step %scan3A_88 iter_args(%scan3A_210 = %scan3A_84) -> (i32)  : i32 {
      %mul3A_211 = arith.constant 16 : i32
      %mul3A_212 = arith.muli %scan3A_209, %mul3A_211 : i32
      %get3A = arith.index_cast %mul3A_212 : i32 to index
      %get3A_213 = tpu.vector_load %arg10[%get3A] {strides = array<i32>} : memref<640xi32, #tpu.memory_space<vmem>>, vector<16xi32>,
      %add3A_214 = arith.constant 1 : i32
      %add3A_215 = vector.broadcast %add3A_214 : i32 to vector<16xi32>
      %add3A_216 = arith.addi %add3A_215, %get3A_213 : vector<16xi32>
      %swap3A_217 = arith.index_cast %mul3A_212 : i32 to index
      %swap3A_218 = tpu.vector_load %arg9[%swap3A_217] {strides = array<i32>} : memref<640xi32, #tpu.memory_space<vmem>>, vector<16xi32>,
      tpu.vector_store %arg9[%swap3A_217], %add3A_216 {strides = array<i32>} : memref<640xi32, #tpu.memory_space<vmem>>, vector<16xi32>,
      %scan3A_219 = arith.constant 0 : i32
      scf.yield %scan3A_219 : i32
    }
    %scan3A_90 = arith.constant 40 : i32
    %scan3A_91 = arith.constant 0 : i32
    %scan3A_92 = arith.constant 0 : i32
    %scan3A_93 = arith.constant 40 : i32
    %scan3A_94 = arith.addi %scan3A_92, %scan3A_93 : i32
    %scan3A_95 = arith.constant 1 : i32
    %scan3A_96 = scf.for %scan3A_209 = %scan3A_92 to %scan3A_94 step %scan3A_95 iter_args(%scan3A_210 = %scan3A_91) -> (i32)  : i32 {
      %broadcast_in_dim3A_211 = arith.constant 0 : i32
      %broadcast_in_dim3A_212 = vector.broadcast %broadcast_in_dim3A_211 : i32 to vector<16xi32>
      %mul3A_213 = arith.constant 16 : i32
      %mul3A_214 = arith.muli %scan3A_209, %mul3A_213 : i32
      %swap3A_215 = arith.index_cast %mul3A_214 : i32 to index
      %swap3A_216 = tpu.vector_load %arg10[%swap3A_215] {strides = array<i32>} : memref<640xi32, #tpu.memory_space<vmem>>, vector<16xi32>,
      tpu.vector_store %arg10[%swap3A_215], %broadcast_in_dim3A_212 {strides = array<i32>} : memref<640xi32, #tpu.memory_space<vmem>>, vector<16xi32>,
      %scan3A_217 = arith.constant 0 : i32
      scf.yield %scan3A_217 : i32
    }
    %scan3A_97 = arith.constant 40 : i32
    "tpu.region"() ({
      %run_scoped3A = tpu.sem_alloc : memref<!tpu.dma_semaphore, #tpu.memory_space<semaphore_mem>>
      %dma_start3A = tpu.memref_slice %arg13[%mul3A_0] : memref<10240xi32, #tpu.memory_space<vmem_shared>> -> memref<640xi32, #tpu.memory_space<vmem_shared>>
      %dma_start3A_209 = tpu.memref_slice %arg13[%mul3A_0] : memref<10240xi32, #tpu.memory_space<vmem_shared>> -> memref<640xi32, #tpu.memory_space<vmem_shared>>
      tpu.enqueue_dma source(%arg10 : memref<640xi32, #tpu.memory_space<vmem>>) target(%dma_start3A_209 : memref<640xi32, #tpu.memory_space<vmem_shared>>) target_semaphore(%run_scoped3A : memref<!tpu.dma_semaphore, #tpu.memory_space<semaphore_mem>>)
      %dma_wait3A = tpu.memref_slice %arg13[%mul3A_0] : memref<10240xi32, #tpu.memory_space<vmem_shared>> -> memref<640xi32, #tpu.memory_space<vmem_shared>>
      %dma_wait3A_210 = tpu.memref_slice %arg13[%mul3A_0] : memref<10240xi32, #tpu.memory_space<vmem_shared>> -> memref<640xi32, #tpu.memory_space<vmem_shared>>
      tpu.wait_dma2 semaphore(%run_scoped3A : memref<!tpu.dma_semaphore, #tpu.memory_space<semaphore_mem>>) src(%arg10 : memref<640xi32, #tpu.memory_space<vmem>>) dst(%dma_wait3A_210 : memref<640xi32, #tpu.memory_space<vmem_shared>>)
      tpu.yield
    }) : () -> ()
    %barrier3A_98 = arith.constant 0 : index
    tpu.barrier barrier_id(%barrier3A_98)
    %scan3A_99 = arith.constant 0 : i32
    %scan3A_100 = arith.constant 0 : i32
    %scan3A_101 = arith.constant 40 : i32
    %scan3A_102 = arith.addi %scan3A_100, %scan3A_101 : i32
    %scan3A_103 = arith.constant 1 : i32
    %scan3A_104 = scf.for %scan3A_209 = %scan3A_100 to %scan3A_102 step %scan3A_103 iter_args(%scan3A_210 = %scan3A_99) -> (i32)  : i32 {
      %mul3A_211 = arith.constant 16 : i32
      %mul3A_212 = arith.muli %scan3A_209, %mul3A_211 : i32
      %get3A = arith.index_cast %mul3A_212 : i32 to index
      %get3A_213 = tpu.vector_load %arg7[%get3A] {strides = array<i32>} : memref<640xi32, #tpu.memory_space<vmem>>, vector<16xi32>,
      %get3A_214 = arith.index_cast %mul3A_212 : i32 to index
      %get3A_215 = tpu.vector_load %arg9[%get3A_214] {strides = array<i32>} : memref<640xi32, #tpu.memory_space<vmem>>, vector<16xi32>,
      %mul3A_216 = arith.muli %get3A_213, %get3A_215 : vector<16xi32>
      %swap3A_217 = arith.index_cast %mul3A_212 : i32 to index
      %swap3A_218 = tpu.vector_load %arg10[%swap3A_217] {strides = array<i32>} : memref<640xi32, #tpu.memory_space<vmem>>, vector<16xi32>,
      tpu.vector_store %arg10[%swap3A_217], %mul3A_216 {strides = array<i32>} : memref<640xi32, #tpu.memory_space<vmem>>, vector<16xi32>,
      %scan3A_219 = arith.constant 0 : i32
      scf.yield %scan3A_219 : i32
    }
    %scan3A_105 = arith.constant 40 : i32
    "tpu.region"() ({
      %run_scoped3A = tpu.sem_alloc : memref<!tpu.dma_semaphore, #tpu.memory_space<semaphore_mem>>
      %dma_start3A = arith.constant 0 : i32
      %dma_start3A_209 = tpu.memref_slice %arg13[%dma_start3A] : memref<10240xi32, #tpu.memory_space<vmem_shared>> -> memref<10240xi32, #tpu.memory_space<vmem_shared>>
      tpu.enqueue_indirect_dma source(%arg10 : memref<640xi32, #tpu.memory_space<vmem>>) target(%dma_start3A_209 : memref<10240xi32, #tpu.memory_space<vmem_shared>>) offsets(%arg8 : memref<640xi32, #tpu.memory_space<vmem>>) semaphore(%run_scoped3A : memref<!tpu.dma_semaphore, #tpu.memory_space<semaphore_mem>>) {add = true}
      %dma_wait3A = arith.constant 0 : i32
      %dma_wait3A_210 = tpu.memref_slice %arg13[%dma_wait3A] : memref<10240xi32, #tpu.memory_space<vmem_shared>> -> memref<10240xi32, #tpu.memory_space<vmem_shared>>
      tpu.wait_indirect_dma semaphore(%run_scoped3A : memref<!tpu.dma_semaphore, #tpu.memory_space<semaphore_mem>>) src(%arg10 : memref<640xi32, #tpu.memory_space<vmem>>) dst(%dma_wait3A_210 : memref<10240xi32, #tpu.memory_space<vmem_shared>>)
      tpu.yield
    }) : () -> ()
    %barrier3A_106 = arith.constant 0 : index
    tpu.barrier barrier_id(%barrier3A_106)
    "tpu.region"() ({
      %run_scoped3A = tpu.sem_alloc : memref<!tpu.dma_semaphore, #tpu.memory_space<semaphore_mem>>
      %dma_start3A = tpu.memref_slice %arg13[%mul3A_0] : memref<10240xi32, #tpu.memory_space<vmem_shared>> -> memref<640xi32, #tpu.memory_space<vmem_shared>>
      %dma_start3A_209 = tpu.memref_slice %arg13[%mul3A_0] : memref<10240xi32, #tpu.memory_space<vmem_shared>> -> memref<640xi32, #tpu.memory_space<vmem_shared>>
      tpu.enqueue_dma source(%dma_start3A_209 : memref<640xi32, #tpu.memory_space<vmem_shared>>) target(%arg10 : memref<640xi32, #tpu.memory_space<vmem>>) target_semaphore(%run_scoped3A : memref<!tpu.dma_semaphore, #tpu.memory_space<semaphore_mem>>)
      %dma_wait3A = tpu.memref_slice %arg13[%mul3A_0] : memref<10240xi32, #tpu.memory_space<vmem_shared>> -> memref<640xi32, #tpu.memory_space<vmem_shared>>
      %dma_wait3A_210 = tpu.memref_slice %arg13[%mul3A_0] : memref<10240xi32, #tpu.memory_space<vmem_shared>> -> memref<640xi32, #tpu.memory_space<vmem_shared>>
      tpu.wait_dma2 semaphore(%run_scoped3A : memref<!tpu.dma_semaphore, #tpu.memory_space<semaphore_mem>>) src(%dma_wait3A_210 : memref<640xi32, #tpu.memory_space<vmem_shared>>) dst(%arg10 : memref<640xi32, #tpu.memory_space<vmem>>)
      tpu.yield
    }) : () -> ()
    %scan3A_107 = arith.constant 0 : i32
    %scan3A_108 = arith.constant 0 : i32
    %scan3A_109 = arith.constant 40 : i32
    %scan3A_110 = arith.addi %scan3A_108, %scan3A_109 : i32
    %scan3A_111 = arith.constant 1 : i32
    %scan3A_112 = scf.for %scan3A_209 = %scan3A_108 to %scan3A_110 step %scan3A_111 iter_args(%scan3A_210 = %scan3A_107) -> (i32)  : i32 {
      %mul3A_211 = arith.constant 16 : i32
      %mul3A_212 = arith.muli %scan3A_209, %mul3A_211 : i32
      %get3A = arith.index_cast %mul3A_212 : i32 to index
      %get3A_213 = tpu.vector_load %arg10[%get3A] {strides = array<i32>} : memref<640xi32, #tpu.memory_space<vmem>>, vector<16xi32>,
      %add3A_214 = arith.constant 1 : i32
      %add3A_215 = vector.broadcast %add3A_214 : i32 to vector<16xi32>
      %add3A_216 = arith.addi %add3A_215, %get3A_213 : vector<16xi32>
      %swap3A_217 = arith.index_cast %mul3A_212 : i32 to index
      %swap3A_218 = tpu.vector_load %arg9[%swap3A_217] {strides = array<i32>} : memref<640xi32, #tpu.memory_space<vmem>>, vector<16xi32>,
      tpu.vector_store %arg9[%swap3A_217], %add3A_216 {strides = array<i32>} : memref<640xi32, #tpu.memory_space<vmem>>, vector<16xi32>,
      %scan3A_219 = arith.constant 0 : i32
      scf.yield %scan3A_219 : i32
    }
    %scan3A_113 = arith.constant 40 : i32
    %scan3A_114 = arith.constant 0 : i32
    %scan3A_115 = arith.constant 0 : i32
    %scan3A_116 = arith.constant 40 : i32
    %scan3A_117 = arith.addi %scan3A_115, %scan3A_116 : i32
    %scan3A_118 = arith.constant 1 : i32
    %scan3A_119 = scf.for %scan3A_209 = %scan3A_115 to %scan3A_117 step %scan3A_118 iter_args(%scan3A_210 = %scan3A_114) -> (i32)  : i32 {
      %broadcast_in_dim3A_211 = arith.constant 0 : i32
      %broadcast_in_dim3A_212 = vector.broadcast %broadcast_in_dim3A_211 : i32 to vector<16xi32>
      %mul3A_213 = arith.constant 16 : i32
      %mul3A_214 = arith.muli %scan3A_209, %mul3A_213 : i32
      %swap3A_215 = arith.index_cast %mul3A_214 : i32 to index
      %swap3A_216 = tpu.vector_load %arg10[%swap3A_215] {strides = array<i32>} : memref<640xi32, #tpu.memory_space<vmem>>, vector<16xi32>,
      tpu.vector_store %arg10[%swap3A_215], %broadcast_in_dim3A_212 {strides = array<i32>} : memref<640xi32, #tpu.memory_space<vmem>>, vector<16xi32>,
      %scan3A_217 = arith.constant 0 : i32
      scf.yield %scan3A_217 : i32
    }
    %scan3A_120 = arith.constant 40 : i32
    "tpu.region"() ({
      %run_scoped3A = tpu.sem_alloc : memref<!tpu.dma_semaphore, #tpu.memory_space<semaphore_mem>>
      %dma_start3A = tpu.memref_slice %arg13[%mul3A_0] : memref<10240xi32, #tpu.memory_space<vmem_shared>> -> memref<640xi32, #tpu.memory_space<vmem_shared>>
      %dma_start3A_209 = tpu.memref_slice %arg13[%mul3A_0] : memref<10240xi32, #tpu.memory_space<vmem_shared>> -> memref<640xi32, #tpu.memory_space<vmem_shared>>
      tpu.enqueue_dma source(%arg10 : memref<640xi32, #tpu.memory_space<vmem>>) target(%dma_start3A_209 : memref<640xi32, #tpu.memory_space<vmem_shared>>) target_semaphore(%run_scoped3A : memref<!tpu.dma_semaphore, #tpu.memory_space<semaphore_mem>>)
      %dma_wait3A = tpu.memref_slice %arg13[%mul3A_0] : memref<10240xi32, #tpu.memory_space<vmem_shared>> -> memref<640xi32, #tpu.memory_space<vmem_shared>>
      %dma_wait3A_210 = tpu.memref_slice %arg13[%mul3A_0] : memref<10240xi32, #tpu.memory_space<vmem_shared>> -> memref<640xi32, #tpu.memory_space<vmem_shared>>
      tpu.wait_dma2 semaphore(%run_scoped3A : memref<!tpu.dma_semaphore, #tpu.memory_space<semaphore_mem>>) src(%arg10 : memref<640xi32, #tpu.memory_space<vmem>>) dst(%dma_wait3A_210 : memref<640xi32, #tpu.memory_space<vmem_shared>>)
      tpu.yield
    }) : () -> ()
    %barrier3A_121 = arith.constant 0 : index
    tpu.barrier barrier_id(%barrier3A_121)
    %scan3A_122 = arith.constant 0 : i32
    %scan3A_123 = arith.constant 0 : i32
    %scan3A_124 = arith.constant 40 : i32
    %scan3A_125 = arith.addi %scan3A_123, %scan3A_124 : i32
    %scan3A_126 = arith.constant 1 : i32
    %scan3A_127 = scf.for %scan3A_209 = %scan3A_123 to %scan3A_125 step %scan3A_126 iter_args(%scan3A_210 = %scan3A_122) -> (i32)  : i32 {
      %mul3A_211 = arith.constant 16 : i32
      %mul3A_212 = arith.muli %scan3A_209, %mul3A_211 : i32
      %get3A = arith.index_cast %mul3A_212 : i32 to index
      %get3A_213 = tpu.vector_load %arg7[%get3A] {strides = array<i32>} : memref<640xi32, #tpu.memory_space<vmem>>, vector<16xi32>,
      %get3A_214 = arith.index_cast %mul3A_212 : i32 to index
      %get3A_215 = tpu.vector_load %arg9[%get3A_214] {strides = array<i32>} : memref<640xi32, #tpu.memory_space<vmem>>, vector<16xi32>,
      %mul3A_216 = arith.muli %get3A_213, %get3A_215 : vector<16xi32>
      %swap3A_217 = arith.index_cast %mul3A_212 : i32 to index
      %swap3A_218 = tpu.vector_load %arg10[%swap3A_217] {strides = array<i32>} : memref<640xi32, #tpu.memory_space<vmem>>, vector<16xi32>,
      tpu.vector_store %arg10[%swap3A_217], %mul3A_216 {strides = array<i32>} : memref<640xi32, #tpu.memory_space<vmem>>, vector<16xi32>,
      %scan3A_219 = arith.constant 0 : i32
      scf.yield %scan3A_219 : i32
    }
    %scan3A_128 = arith.constant 40 : i32
    "tpu.region"() ({
      %run_scoped3A = tpu.sem_alloc : memref<!tpu.dma_semaphore, #tpu.memory_space<semaphore_mem>>
      %dma_start3A = arith.constant 0 : i32
      %dma_start3A_209 = tpu.memref_slice %arg13[%dma_start3A] : memref<10240xi32, #tpu.memory_space<vmem_shared>> -> memref<10240xi32, #tpu.memory_space<vmem_shared>>
      tpu.enqueue_indirect_dma source(%arg10 : memref<640xi32, #tpu.memory_space<vmem>>) target(%dma_start3A_209 : memref<10240xi32, #tpu.memory_space<vmem_shared>>) offsets(%arg8 : memref<640xi32, #tpu.memory_space<vmem>>) semaphore(%run_scoped3A : memref<!tpu.dma_semaphore, #tpu.memory_space<semaphore_mem>>) {add = true}
      %dma_wait3A = arith.constant 0 : i32
      %dma_wait3A_210 = tpu.memref_slice %arg13[%dma_wait3A] : memref<10240xi32, #tpu.memory_space<vmem_shared>> -> memref<10240xi32, #tpu.memory_space<vmem_shared>>
      tpu.wait_indirect_dma semaphore(%run_scoped3A : memref<!tpu.dma_semaphore, #tpu.memory_space<semaphore_mem>>) src(%arg10 : memref<640xi32, #tpu.memory_space<vmem>>) dst(%dma_wait3A_210 : memref<10240xi32, #tpu.memory_space<vmem_shared>>)
      tpu.yield
    }) : () -> ()
    %barrier3A_129 = arith.constant 0 : index
    tpu.barrier barrier_id(%barrier3A_129)
    "tpu.region"() ({
      %run_scoped3A = tpu.sem_alloc : memref<!tpu.dma_semaphore, #tpu.memory_space<semaphore_mem>>
      %dma_start3A = tpu.memref_slice %arg13[%mul3A_0] : memref<10240xi32, #tpu.memory_space<vmem_shared>> -> memref<640xi32, #tpu.memory_space<vmem_shared>>
      %dma_start3A_209 = tpu.memref_slice %arg13[%mul3A_0] : memref<10240xi32, #tpu.memory_space<vmem_shared>> -> memref<640xi32, #tpu.memory_space<vmem_shared>>
      tpu.enqueue_dma source(%dma_start3A_209 : memref<640xi32, #tpu.memory_space<vmem_shared>>) target(%arg10 : memref<640xi32, #tpu.memory_space<vmem>>) target_semaphore(%run_scoped3A : memref<!tpu.dma_semaphore, #tpu.memory_space<semaphore_mem>>)
      %dma_wait3A = tpu.memref_slice %arg13[%mul3A_0] : memref<10240xi32, #tpu.memory_space<vmem_shared>> -> memref<640xi32, #tpu.memory_space<vmem_shared>>
      %dma_wait3A_210 = tpu.memref_slice %arg13[%mul3A_0] : memref<10240xi32, #tpu.memory_space<vmem_shared>> -> memref<640xi32, #tpu.memory_space<vmem_shared>>
      tpu.wait_dma2 semaphore(%run_scoped3A : memref<!tpu.dma_semaphore, #tpu.memory_space<semaphore_mem>>) src(%dma_wait3A_210 : memref<640xi32, #tpu.memory_space<vmem_shared>>) dst(%arg10 : memref<640xi32, #tpu.memory_space<vmem>>)
      tpu.yield
    }) : () -> ()
    %scan3A_130 = arith.constant 0 : i32
    %scan3A_131 = arith.constant 0 : i32
    %scan3A_132 = arith.constant 40 : i32
    %scan3A_133 = arith.addi %scan3A_131, %scan3A_132 : i32
    %scan3A_134 = arith.constant 1 : i32
    %scan3A_135 = scf.for %scan3A_209 = %scan3A_131 to %scan3A_133 step %scan3A_134 iter_args(%scan3A_210 = %scan3A_130) -> (i32)  : i32 {
      %mul3A_211 = arith.constant 16 : i32
      %mul3A_212 = arith.muli %scan3A_209, %mul3A_211 : i32
      %get3A = arith.index_cast %mul3A_212 : i32 to index
      %get3A_213 = tpu.vector_load %arg10[%get3A] {strides = array<i32>} : memref<640xi32, #tpu.memory_space<vmem>>, vector<16xi32>,
      %add3A_214 = arith.constant 1 : i32
      %add3A_215 = vector.broadcast %add3A_214 : i32 to vector<16xi32>
      %add3A_216 = arith.addi %add3A_215, %get3A_213 : vector<16xi32>
      %swap3A_217 = arith.index_cast %mul3A_212 : i32 to index
      %swap3A_218 = tpu.vector_load %arg9[%swap3A_217] {strides = array<i32>} : memref<640xi32, #tpu.memory_space<vmem>>, vector<16xi32>,
      tpu.vector_store %arg9[%swap3A_217], %add3A_216 {strides = array<i32>} : memref<640xi32, #tpu.memory_space<vmem>>, vector<16xi32>,
      %scan3A_219 = arith.constant 0 : i32
      scf.yield %scan3A_219 : i32
    }
    %scan3A_136 = arith.constant 40 : i32
    %scan3A_137 = arith.constant 0 : i32
    %scan3A_138 = arith.constant 0 : i32
    %scan3A_139 = arith.constant 40 : i32
    %scan3A_140 = arith.addi %scan3A_138, %scan3A_139 : i32
    %scan3A_141 = arith.constant 1 : i32
    %scan3A_142 = scf.for %scan3A_209 = %scan3A_138 to %scan3A_140 step %scan3A_141 iter_args(%scan3A_210 = %scan3A_137) -> (i32)  : i32 {
      %broadcast_in_dim3A_211 = arith.constant 0 : i32
      %broadcast_in_dim3A_212 = vector.broadcast %broadcast_in_dim3A_211 : i32 to vector<16xi32>
      %mul3A_213 = arith.constant 16 : i32
      %mul3A_214 = arith.muli %scan3A_209, %mul3A_213 : i32
      %swap3A_215 = arith.index_cast %mul3A_214 : i32 to index
      %swap3A_216 = tpu.vector_load %arg10[%swap3A_215] {strides = array<i32>} : memref<640xi32, #tpu.memory_space<vmem>>, vector<16xi32>,
      tpu.vector_store %arg10[%swap3A_215], %broadcast_in_dim3A_212 {strides = array<i32>} : memref<640xi32, #tpu.memory_space<vmem>>, vector<16xi32>,
      %scan3A_217 = arith.constant 0 : i32
      scf.yield %scan3A_217 : i32
    }
    %scan3A_143 = arith.constant 40 : i32
    "tpu.region"() ({
      %run_scoped3A = tpu.sem_alloc : memref<!tpu.dma_semaphore, #tpu.memory_space<semaphore_mem>>
      %dma_start3A = tpu.memref_slice %arg13[%mul3A_0] : memref<10240xi32, #tpu.memory_space<vmem_shared>> -> memref<640xi32, #tpu.memory_space<vmem_shared>>
      %dma_start3A_209 = tpu.memref_slice %arg13[%mul3A_0] : memref<10240xi32, #tpu.memory_space<vmem_shared>> -> memref<640xi32, #tpu.memory_space<vmem_shared>>
      tpu.enqueue_dma source(%arg10 : memref<640xi32, #tpu.memory_space<vmem>>) target(%dma_start3A_209 : memref<640xi32, #tpu.memory_space<vmem_shared>>) target_semaphore(%run_scoped3A : memref<!tpu.dma_semaphore, #tpu.memory_space<semaphore_mem>>)
      %dma_wait3A = tpu.memref_slice %arg13[%mul3A_0] : memref<10240xi32, #tpu.memory_space<vmem_shared>> -> memref<640xi32, #tpu.memory_space<vmem_shared>>
      %dma_wait3A_210 = tpu.memref_slice %arg13[%mul3A_0] : memref<10240xi32, #tpu.memory_space<vmem_shared>> -> memref<640xi32, #tpu.memory_space<vmem_shared>>
      tpu.wait_dma2 semaphore(%run_scoped3A : memref<!tpu.dma_semaphore, #tpu.memory_space<semaphore_mem>>) src(%arg10 : memref<640xi32, #tpu.memory_space<vmem>>) dst(%dma_wait3A_210 : memref<640xi32, #tpu.memory_space<vmem_shared>>)
      tpu.yield
    }) : () -> ()
    %barrier3A_144 = arith.constant 0 : index
    tpu.barrier barrier_id(%barrier3A_144)
    %scan3A_145 = arith.constant 0 : i32
    %scan3A_146 = arith.constant 0 : i32
    %scan3A_147 = arith.constant 40 : i32
    %scan3A_148 = arith.addi %scan3A_146, %scan3A_147 : i32
    %scan3A_149 = arith.constant 1 : i32
    %scan3A_150 = scf.for %scan3A_209 = %scan3A_146 to %scan3A_148 step %scan3A_149 iter_args(%scan3A_210 = %scan3A_145) -> (i32)  : i32 {
      %mul3A_211 = arith.constant 16 : i32
      %mul3A_212 = arith.muli %scan3A_209, %mul3A_211 : i32
      %get3A = arith.index_cast %mul3A_212 : i32 to index
      %get3A_213 = tpu.vector_load %arg7[%get3A] {strides = array<i32>} : memref<640xi32, #tpu.memory_space<vmem>>, vector<16xi32>,
      %get3A_214 = arith.index_cast %mul3A_212 : i32 to index
      %get3A_215 = tpu.vector_load %arg9[%get3A_214] {strides = array<i32>} : memref<640xi32, #tpu.memory_space<vmem>>, vector<16xi32>,
      %mul3A_216 = arith.muli %get3A_213, %get3A_215 : vector<16xi32>
      %swap3A_217 = arith.index_cast %mul3A_212 : i32 to index
      %swap3A_218 = tpu.vector_load %arg10[%swap3A_217] {strides = array<i32>} : memref<640xi32, #tpu.memory_space<vmem>>, vector<16xi32>,
      tpu.vector_store %arg10[%swap3A_217], %mul3A_216 {strides = array<i32>} : memref<640xi32, #tpu.memory_space<vmem>>, vector<16xi32>,
      %scan3A_219 = arith.constant 0 : i32
      scf.yield %scan3A_219 : i32
    }
    %scan3A_151 = arith.constant 40 : i32
    "tpu.region"() ({
      %run_scoped3A = tpu.sem_alloc : memref<!tpu.dma_semaphore, #tpu.memory_space<semaphore_mem>>
      %dma_start3A = arith.constant 0 : i32
      %dma_start3A_209 = tpu.memref_slice %arg13[%dma_start3A] : memref<10240xi32, #tpu.memory_space<vmem_shared>> -> memref<10240xi32, #tpu.memory_space<vmem_shared>>
      tpu.enqueue_indirect_dma source(%arg10 : memref<640xi32, #tpu.memory_space<vmem>>) target(%dma_start3A_209 : memref<10240xi32, #tpu.memory_space<vmem_shared>>) offsets(%arg8 : memref<640xi32, #tpu.memory_space<vmem>>) semaphore(%run_scoped3A : memref<!tpu.dma_semaphore, #tpu.memory_space<semaphore_mem>>) {add = true}
      %dma_wait3A = arith.constant 0 : i32
      %dma_wait3A_210 = tpu.memref_slice %arg13[%dma_wait3A] : memref<10240xi32, #tpu.memory_space<vmem_shared>> -> memref<10240xi32, #tpu.memory_space<vmem_shared>>
      tpu.wait_indirect_dma semaphore(%run_scoped3A : memref<!tpu.dma_semaphore, #tpu.memory_space<semaphore_mem>>) src(%arg10 : memref<640xi32, #tpu.memory_space<vmem>>) dst(%dma_wait3A_210 : memref<10240xi32, #tpu.memory_space<vmem_shared>>)
      tpu.yield
    }) : () -> ()
    %barrier3A_152 = arith.constant 0 : index
    tpu.barrier barrier_id(%barrier3A_152)
    "tpu.region"() ({
      %run_scoped3A = tpu.sem_alloc : memref<!tpu.dma_semaphore, #tpu.memory_space<semaphore_mem>>
      %dma_start3A = tpu.memref_slice %arg13[%mul3A_0] : memref<10240xi32, #tpu.memory_space<vmem_shared>> -> memref<640xi32, #tpu.memory_space<vmem_shared>>
      %dma_start3A_209 = tpu.memref_slice %arg13[%mul3A_0] : memref<10240xi32, #tpu.memory_space<vmem_shared>> -> memref<640xi32, #tpu.memory_space<vmem_shared>>
      tpu.enqueue_dma source(%dma_start3A_209 : memref<640xi32, #tpu.memory_space<vmem_shared>>) target(%arg10 : memref<640xi32, #tpu.memory_space<vmem>>) target_semaphore(%run_scoped3A : memref<!tpu.dma_semaphore, #tpu.memory_space<semaphore_mem>>)
      %dma_wait3A = tpu.memref_slice %arg13[%mul3A_0] : memref<10240xi32, #tpu.memory_space<vmem_shared>> -> memref<640xi32, #tpu.memory_space<vmem_shared>>
      %dma_wait3A_210 = tpu.memref_slice %arg13[%mul3A_0] : memref<10240xi32, #tpu.memory_space<vmem_shared>> -> memref<640xi32, #tpu.memory_space<vmem_shared>>
      tpu.wait_dma2 semaphore(%run_scoped3A : memref<!tpu.dma_semaphore, #tpu.memory_space<semaphore_mem>>) src(%dma_wait3A_210 : memref<640xi32, #tpu.memory_space<vmem_shared>>) dst(%arg10 : memref<640xi32, #tpu.memory_space<vmem>>)
      tpu.yield
    }) : () -> ()
    %scan3A_153 = arith.constant 0 : i32
    %scan3A_154 = arith.constant 0 : i32
    %scan3A_155 = arith.constant 40 : i32
    %scan3A_156 = arith.addi %scan3A_154, %scan3A_155 : i32
    %scan3A_157 = arith.constant 1 : i32
    %scan3A_158 = scf.for %scan3A_209 = %scan3A_154 to %scan3A_156 step %scan3A_157 iter_args(%scan3A_210 = %scan3A_153) -> (i32)  : i32 {
      %mul3A_211 = arith.constant 16 : i32
      %mul3A_212 = arith.muli %scan3A_209, %mul3A_211 : i32
      %get3A = arith.index_cast %mul3A_212 : i32 to index
      %get3A_213 = tpu.vector_load %arg10[%get3A] {strides = array<i32>} : memref<640xi32, #tpu.memory_space<vmem>>, vector<16xi32>,
      %add3A_214 = arith.constant 1 : i32
      %add3A_215 = vector.broadcast %add3A_214 : i32 to vector<16xi32>
      %add3A_216 = arith.addi %add3A_215, %get3A_213 : vector<16xi32>
      %swap3A_217 = arith.index_cast %mul3A_212 : i32 to index
      %swap3A_218 = tpu.vector_load %arg9[%swap3A_217] {strides = array<i32>} : memref<640xi32, #tpu.memory_space<vmem>>, vector<16xi32>,
      tpu.vector_store %arg9[%swap3A_217], %add3A_216 {strides = array<i32>} : memref<640xi32, #tpu.memory_space<vmem>>, vector<16xi32>,
      %scan3A_219 = arith.constant 0 : i32
      scf.yield %scan3A_219 : i32
    }
    %scan3A_159 = arith.constant 40 : i32
    %scan3A_160 = arith.constant 0 : i32
    %scan3A_161 = arith.constant 0 : i32
    %scan3A_162 = arith.constant 40 : i32
    %scan3A_163 = arith.addi %scan3A_161, %scan3A_162 : i32
    %scan3A_164 = arith.constant 1 : i32
    %scan3A_165 = scf.for %scan3A_209 = %scan3A_161 to %scan3A_163 step %scan3A_164 iter_args(%scan3A_210 = %scan3A_160) -> (i32)  : i32 {
      %broadcast_in_dim3A_211 = arith.constant 0 : i32
      %broadcast_in_dim3A_212 = vector.broadcast %broadcast_in_dim3A_211 : i32 to vector<16xi32>
      %mul3A_213 = arith.constant 16 : i32
      %mul3A_214 = arith.muli %scan3A_209, %mul3A_213 : i32
      %swap3A_215 = arith.index_cast %mul3A_214 : i32 to index
      %swap3A_216 = tpu.vector_load %arg10[%swap3A_215] {strides = array<i32>} : memref<640xi32, #tpu.memory_space<vmem>>, vector<16xi32>,
      tpu.vector_store %arg10[%swap3A_215], %broadcast_in_dim3A_212 {strides = array<i32>} : memref<640xi32, #tpu.memory_space<vmem>>, vector<16xi32>,
      %scan3A_217 = arith.constant 0 : i32
      scf.yield %scan3A_217 : i32
    }
    %scan3A_166 = arith.constant 40 : i32
    "tpu.region"() ({
      %run_scoped3A = tpu.sem_alloc : memref<!tpu.dma_semaphore, #tpu.memory_space<semaphore_mem>>
      %dma_start3A = tpu.memref_slice %arg13[%mul3A_0] : memref<10240xi32, #tpu.memory_space<vmem_shared>> -> memref<640xi32, #tpu.memory_space<vmem_shared>>
      %dma_start3A_209 = tpu.memref_slice %arg13[%mul3A_0] : memref<10240xi32, #tpu.memory_space<vmem_shared>> -> memref<640xi32, #tpu.memory_space<vmem_shared>>
      tpu.enqueue_dma source(%arg10 : memref<640xi32, #tpu.memory_space<vmem>>) target(%dma_start3A_209 : memref<640xi32, #tpu.memory_space<vmem_shared>>) target_semaphore(%run_scoped3A : memref<!tpu.dma_semaphore, #tpu.memory_space<semaphore_mem>>)
      %dma_wait3A = tpu.memref_slice %arg13[%mul3A_0] : memref<10240xi32, #tpu.memory_space<vmem_shared>> -> memref<640xi32, #tpu.memory_space<vmem_shared>>
      %dma_wait3A_210 = tpu.memref_slice %arg13[%mul3A_0] : memref<10240xi32, #tpu.memory_space<vmem_shared>> -> memref<640xi32, #tpu.memory_space<vmem_shared>>
      tpu.wait_dma2 semaphore(%run_scoped3A : memref<!tpu.dma_semaphore, #tpu.memory_space<semaphore_mem>>) src(%arg10 : memref<640xi32, #tpu.memory_space<vmem>>) dst(%dma_wait3A_210 : memref<640xi32, #tpu.memory_space<vmem_shared>>)
      tpu.yield
    }) : () -> ()
    %barrier3A_167 = arith.constant 0 : index
    tpu.barrier barrier_id(%barrier3A_167)
    %scan3A_168 = arith.constant 0 : i32
    %scan3A_169 = arith.constant 0 : i32
    %scan3A_170 = arith.constant 40 : i32
    %scan3A_171 = arith.addi %scan3A_169, %scan3A_170 : i32
    %scan3A_172 = arith.constant 1 : i32
    %scan3A_173 = scf.for %scan3A_209 = %scan3A_169 to %scan3A_171 step %scan3A_172 iter_args(%scan3A_210 = %scan3A_168) -> (i32)  : i32 {
      %mul3A_211 = arith.constant 16 : i32
      %mul3A_212 = arith.muli %scan3A_209, %mul3A_211 : i32
      %get3A = arith.index_cast %mul3A_212 : i32 to index
      %get3A_213 = tpu.vector_load %arg7[%get3A] {strides = array<i32>} : memref<640xi32, #tpu.memory_space<vmem>>, vector<16xi32>,
      %get3A_214 = arith.index_cast %mul3A_212 : i32 to index
      %get3A_215 = tpu.vector_load %arg9[%get3A_214] {strides = array<i32>} : memref<640xi32, #tpu.memory_space<vmem>>, vector<16xi32>,
      %mul3A_216 = arith.muli %get3A_213, %get3A_215 : vector<16xi32>
      %swap3A_217 = arith.index_cast %mul3A_212 : i32 to index
      %swap3A_218 = tpu.vector_load %arg10[%swap3A_217] {strides = array<i32>} : memref<640xi32, #tpu.memory_space<vmem>>, vector<16xi32>,
      tpu.vector_store %arg10[%swap3A_217], %mul3A_216 {strides = array<i32>} : memref<640xi32, #tpu.memory_space<vmem>>, vector<16xi32>,
      %scan3A_219 = arith.constant 0 : i32
      scf.yield %scan3A_219 : i32
    }
    %scan3A_174 = arith.constant 40 : i32
    "tpu.region"() ({
      %run_scoped3A = tpu.sem_alloc : memref<!tpu.dma_semaphore, #tpu.memory_space<semaphore_mem>>
      %dma_start3A = arith.constant 0 : i32
      %dma_start3A_209 = tpu.memref_slice %arg13[%dma_start3A] : memref<10240xi32, #tpu.memory_space<vmem_shared>> -> memref<10240xi32, #tpu.memory_space<vmem_shared>>
      tpu.enqueue_indirect_dma source(%arg10 : memref<640xi32, #tpu.memory_space<vmem>>) target(%dma_start3A_209 : memref<10240xi32, #tpu.memory_space<vmem_shared>>) offsets(%arg8 : memref<640xi32, #tpu.memory_space<vmem>>) semaphore(%run_scoped3A : memref<!tpu.dma_semaphore, #tpu.memory_space<semaphore_mem>>) {add = true}
      %dma_wait3A = arith.constant 0 : i32
      %dma_wait3A_210 = tpu.memref_slice %arg13[%dma_wait3A] : memref<10240xi32, #tpu.memory_space<vmem_shared>> -> memref<10240xi32, #tpu.memory_space<vmem_shared>>
      tpu.wait_indirect_dma semaphore(%run_scoped3A : memref<!tpu.dma_semaphore, #tpu.memory_space<semaphore_mem>>) src(%arg10 : memref<640xi32, #tpu.memory_space<vmem>>) dst(%dma_wait3A_210 : memref<10240xi32, #tpu.memory_space<vmem_shared>>)
      tpu.yield
    }) : () -> ()
    %barrier3A_175 = arith.constant 0 : index
    tpu.barrier barrier_id(%barrier3A_175)
    "tpu.region"() ({
      %run_scoped3A = tpu.sem_alloc : memref<!tpu.dma_semaphore, #tpu.memory_space<semaphore_mem>>
      %dma_start3A = tpu.memref_slice %arg13[%mul3A_0] : memref<10240xi32, #tpu.memory_space<vmem_shared>> -> memref<640xi32, #tpu.memory_space<vmem_shared>>
      %dma_start3A_209 = tpu.memref_slice %arg13[%mul3A_0] : memref<10240xi32, #tpu.memory_space<vmem_shared>> -> memref<640xi32, #tpu.memory_space<vmem_shared>>
      tpu.enqueue_dma source(%dma_start3A_209 : memref<640xi32, #tpu.memory_space<vmem_shared>>) target(%arg10 : memref<640xi32, #tpu.memory_space<vmem>>) target_semaphore(%run_scoped3A : memref<!tpu.dma_semaphore, #tpu.memory_space<semaphore_mem>>)
      %dma_wait3A = tpu.memref_slice %arg13[%mul3A_0] : memref<10240xi32, #tpu.memory_space<vmem_shared>> -> memref<640xi32, #tpu.memory_space<vmem_shared>>
      %dma_wait3A_210 = tpu.memref_slice %arg13[%mul3A_0] : memref<10240xi32, #tpu.memory_space<vmem_shared>> -> memref<640xi32, #tpu.memory_space<vmem_shared>>
      tpu.wait_dma2 semaphore(%run_scoped3A : memref<!tpu.dma_semaphore, #tpu.memory_space<semaphore_mem>>) src(%dma_wait3A_210 : memref<640xi32, #tpu.memory_space<vmem_shared>>) dst(%arg10 : memref<640xi32, #tpu.memory_space<vmem>>)
      tpu.yield
    }) : () -> ()
    %scan3A_176 = arith.constant 0 : i32
    %scan3A_177 = arith.constant 0 : i32
    %scan3A_178 = arith.constant 40 : i32
    %scan3A_179 = arith.addi %scan3A_177, %scan3A_178 : i32
    %scan3A_180 = arith.constant 1 : i32
    %scan3A_181 = scf.for %scan3A_209 = %scan3A_177 to %scan3A_179 step %scan3A_180 iter_args(%scan3A_210 = %scan3A_176) -> (i32)  : i32 {
      %mul3A_211 = arith.constant 16 : i32
      %mul3A_212 = arith.muli %scan3A_209, %mul3A_211 : i32
      %get3A = arith.index_cast %mul3A_212 : i32 to index
      %get3A_213 = tpu.vector_load %arg10[%get3A] {strides = array<i32>} : memref<640xi32, #tpu.memory_space<vmem>>, vector<16xi32>,
      %add3A_214 = arith.constant 1 : i32
      %add3A_215 = vector.broadcast %add3A_214 : i32 to vector<16xi32>
      %add3A_216 = arith.addi %add3A_215, %get3A_213 : vector<16xi32>
      %get3A_217 = arith.index_cast %mul3A_212 : i32 to index
      %get3A_218 = tpu.vector_load %arg9[%get3A_217] {strides = array<i32>} : memref<640xi32, #tpu.memory_space<vmem>>, vector<16xi32>,
      %ne3A = arith.cmpi ne, %add3A_216, %get3A_218 : vector<16xi32>
      %convert_element_type3A_219 = arith.extui %ne3A : vector<16xi1> to vector<16xi32>
      %reduce_sum3A = arith.constant true
      %reduce_sum3A_220 = vector.broadcast %reduce_sum3A : i1 to vector<16xi1>
      %reduce_sum3A_221 = tpu.scan <sum>, %convert_element_type3A_219 masked %reduce_sum3A_220 : vector<16xi32>, vector<16xi1> -> vector<16xi32>
      %reduce_sum3A_222 = vector.extract %reduce_sum3A_221[15] : i32 from vector<16xi32>
      %swap3A_223 = arith.index_cast %mul3A_212 : i32 to index
      %swap3A_224 = tpu.vector_load %arg9[%swap3A_223] {strides = array<i32>} : memref<640xi32, #tpu.memory_space<vmem>>, vector<16xi32>,
      tpu.vector_store %arg9[%swap3A_223], %add3A_216 {strides = array<i32>} : memref<640xi32, #tpu.memory_space<vmem>>, vector<16xi32>,
      %add3A_225 = arith.addi %scan3A_210, %reduce_sum3A_222 : i32
      scf.yield %add3A_225 : i32
    }
    %scan3A_182 = arith.constant 40 : i32
    %broadcast_in_dim3A = arith.constant 0 : i32
    %broadcast_in_dim3A_183 = vector.broadcast %broadcast_in_dim3A : i32 to vector<16xi32>
    %add3A = vector.broadcast %scan3A_181 : i32 to vector<16xi32>
    %add3A_184 = arith.addi %broadcast_in_dim3A_183, %add3A : vector<16xi32>
    %swap3A = arith.constant 0 : index
    %swap3A_185 = tpu.vector_load %arg11[%swap3A] {strides = array<i32>} : memref<16xi32, #tpu.memory_space<vmem>>, vector<16xi32>,
    tpu.vector_store %arg11[%swap3A], %add3A_184 {strides = array<i32>} : memref<16xi32, #tpu.memory_space<vmem>>, vector<16xi32>,
    %mul3A_186 = arith.constant 16 : i32
    %mul3A_187 = arith.muli %arg1, %mul3A_186 : i32
    "tpu.region"() ({
      %run_scoped3A = tpu.sem_alloc : memref<!tpu.dma_semaphore, #tpu.memory_space<semaphore_mem>>
      %dma_start3A = tpu.memref_slice %arg14[%mul3A_187] : memref<256xi32, #tpu.memory_space<vmem_shared>> -> memref<16xi32, #tpu.memory_space<vmem_shared>>
      %dma_start3A_209 = tpu.memref_slice %arg14[%mul3A_187] : memref<256xi32, #tpu.memory_space<vmem_shared>> -> memref<16xi32, #tpu.memory_space<vmem_shared>>
      tpu.enqueue_dma source(%arg11 : memref<16xi32, #tpu.memory_space<vmem>>) target(%dma_start3A_209 : memref<16xi32, #tpu.memory_space<vmem_shared>>) target_semaphore(%run_scoped3A : memref<!tpu.dma_semaphore, #tpu.memory_space<semaphore_mem>>)
      %dma_wait3A = tpu.memref_slice %arg14[%mul3A_187] : memref<256xi32, #tpu.memory_space<vmem_shared>> -> memref<16xi32, #tpu.memory_space<vmem_shared>>
      %dma_wait3A_210 = tpu.memref_slice %arg14[%mul3A_187] : memref<256xi32, #tpu.memory_space<vmem_shared>> -> memref<16xi32, #tpu.memory_space<vmem_shared>>
      tpu.wait_dma2 semaphore(%run_scoped3A : memref<!tpu.dma_semaphore, #tpu.memory_space<semaphore_mem>>) src(%arg11 : memref<16xi32, #tpu.memory_space<vmem>>) dst(%dma_wait3A_210 : memref<16xi32, #tpu.memory_space<vmem_shared>>)
      tpu.yield
    }) : () -> ()
    %barrier3A_188 = arith.constant 0 : index
    tpu.barrier barrier_id(%barrier3A_188)
    "tpu.region"() ({
      %run_scoped3A = tpu.sem_alloc : memref<!tpu.dma_semaphore, #tpu.memory_space<semaphore_mem>>
      tpu.enqueue_dma source(%arg14 : memref<256xi32, #tpu.memory_space<vmem_shared>>) target(%arg12 : memref<256xi32, #tpu.memory_space<vmem>>) target_semaphore(%run_scoped3A : memref<!tpu.dma_semaphore, #tpu.memory_space<semaphore_mem>>)
      tpu.wait_dma2 semaphore(%run_scoped3A : memref<!tpu.dma_semaphore, #tpu.memory_space<semaphore_mem>>) src(%arg14 : memref<256xi32, #tpu.memory_space<vmem_shared>>) dst(%arg12 : memref<256xi32, #tpu.memory_space<vmem>>)
      tpu.yield
    }) : () -> ()
    %scan3A_189 = arith.constant 0 : i32
    %scan3A_190 = arith.constant 0 : i32
    %scan3A_191 = arith.constant 16 : i32
    %scan3A_192 = arith.addi %scan3A_190, %scan3A_191 : i32
    %scan3A_193 = arith.constant 1 : i32
    %scan3A_194 = scf.for %scan3A_209 = %scan3A_190 to %scan3A_192 step %scan3A_193 iter_args(%scan3A_210 = %scan3A_189) -> (i32)  : i32 {
      %mul3A_211 = arith.constant 16 : i32
      %mul3A_212 = arith.muli %scan3A_209, %mul3A_211 : i32
      %get3A = arith.index_cast %mul3A_212 : i32 to index
      %get3A_213 = tpu.vector_load %arg12[%get3A] {strides = array<i32>} : memref<256xi32, #tpu.memory_space<vmem>>, vector<16xi32>,
      %reduce_sum3A = arith.constant true
      %reduce_sum3A_214 = vector.broadcast %reduce_sum3A : i1 to vector<16xi1>
      %reduce_sum3A_215 = tpu.scan <sum>, %get3A_213 masked %reduce_sum3A_214 : vector<16xi32>, vector<16xi1> -> vector<16xi32>
      %reduce_sum3A_216 = vector.extract %reduce_sum3A_215[15] : i32 from vector<16xi32>
      %add3A_217 = arith.addi %scan3A_210, %reduce_sum3A_216 : i32
      scf.yield %add3A_217 : i32
    }
    %scan3A_195 = arith.constant 16 : i32
    %broadcast_in_dim3A_196 = arith.constant 0 : i32
    %broadcast_in_dim3A_197 = vector.broadcast %broadcast_in_dim3A_196 : i32 to vector<16xi32>
    %add3A_198 = vector.broadcast %scan3A_194 : i32 to vector<16xi32>
    %add3A_199 = arith.addi %broadcast_in_dim3A_197, %add3A_198 : vector<16xi32>
    %swap3A_200 = arith.constant 0 : index
    %swap3A_201 = tpu.vector_load %arg11[%swap3A_200] {strides = array<i32>} : memref<16xi32, #tpu.memory_space<vmem>>, vector<16xi32>,
    tpu.vector_store %arg11[%swap3A_200], %add3A_199 {strides = array<i32>} : memref<16xi32, #tpu.memory_space<vmem>>, vector<16xi32>,
    %eq3A = arith.constant 0 : i32
    %eq3A_202 = arith.cmpi eq, %arg1, %eq3A : i32
    %convert_element_type3A = arith.extui %eq3A_202 : i1 to i32
    %cond3A = arith.constant 0 : i32
    %cond3A_203 = arith.cmpi ne, %convert_element_type3A, %cond3A : i32
    scf.if %cond3A_203 {
      %mul3A_209 = arith.constant 8 : i32
      %mul3A_210 = arith.muli %arg0, %mul3A_209 : i32
      "tpu.region"() ({
        %run_scoped3A = tpu.sem_alloc : memref<!tpu.dma_semaphore, #tpu.memory_space<semaphore_mem>>
        %dma_start3A = arith.constant 0 : i32
        %dma_start3A_211 = tpu.memref_slice %arg11[%dma_start3A] : memref<16xi32, #tpu.memory_space<vmem>> -> memref<8xi32, #tpu.memory_space<vmem>>
        %dma_start3A_212 = tpu.memref_slice %arg6[%mul3A_210] : memref<16xi32, #tpu.memory_space<hbm>> -> memref<8xi32, #tpu.memory_space<hbm>>
        %dma_start3A_213 = tpu.memref_slice %arg6[%mul3A_210] : memref<16xi32, #tpu.memory_space<hbm>> -> memref<8xi32, #tpu.memory_space<hbm>>
        %dma_start3A_214 = arith.constant 0 : i32
        %dma_start3A_215 = tpu.memref_slice %arg11[%dma_start3A_214] : memref<16xi32, #tpu.memory_space<vmem>> -> memref<8xi32, #tpu.memory_space<vmem>>
        tpu.enqueue_dma source(%dma_start3A_215 : memref<8xi32, #tpu.memory_space<vmem>>) target(%dma_start3A_213 : memref<8xi32, #tpu.memory_space<hbm>>) target_semaphore(%run_scoped3A : memref<!tpu.dma_semaphore, #tpu.memory_space<semaphore_mem>>)
        %dma_wait3A = arith.constant 0 : i32
        %dma_wait3A_216 = tpu.memref_slice %arg11[%dma_wait3A] : memref<16xi32, #tpu.memory_space<vmem>> -> memref<8xi32, #tpu.memory_space<vmem>>
        %dma_wait3A_217 = tpu.memref_slice %arg6[%mul3A_210] : memref<16xi32, #tpu.memory_space<hbm>> -> memref<8xi32, #tpu.memory_space<hbm>>
        %dma_wait3A_218 = tpu.memref_slice %arg6[%mul3A_210] : memref<16xi32, #tpu.memory_space<hbm>> -> memref<8xi32, #tpu.memory_space<hbm>>
        %dma_wait3A_219 = arith.constant 0 : i32
        %dma_wait3A_220 = tpu.memref_slice %arg11[%dma_wait3A_219] : memref<16xi32, #tpu.memory_space<vmem>> -> memref<8xi32, #tpu.memory_space<vmem>>
        tpu.wait_dma2 semaphore(%run_scoped3A : memref<!tpu.dma_semaphore, #tpu.memory_space<semaphore_mem>>) src(%dma_wait3A_220 : memref<8xi32, #tpu.memory_space<vmem>>) dst(%dma_wait3A_218 : memref<8xi32, #tpu.memory_space<hbm>>)
        tpu.yield
      }) : () -> ()
    } else {
    }
    %mul3A_204 = arith.constant 320 : i32
    %mul3A_205 = arith.muli %arg0, %mul3A_204 : i32
    %mul3A_206 = arith.constant 320 : i32
    %mul3A_207 = arith.muli %arg0, %mul3A_206 : i32
    %add3A_208 = arith.addi %mul3A_0, %mul3A_207 : i32
    "tpu.region"() ({
      %run_scoped3A = tpu.sem_alloc : memref<!tpu.dma_semaphore, #tpu.memory_space<semaphore_mem>>
      %dma_start3A = tpu.memref_slice %arg9[%mul3A_205] : memref<640xi32, #tpu.memory_space<vmem>> -> memref<320xi32, #tpu.memory_space<vmem>>
      %dma_start3A_209 = tpu.memref_slice %arg5[%add3A_208] : memref<10240xi32, #tpu.memory_space<hbm>> -> memref<320xi32, #tpu.memory_space<hbm>>
      %dma_start3A_210 = tpu.memref_slice %arg5[%add3A_208] : memref<10240xi32, #tpu.memory_space<hbm>> -> memref<320xi32, #tpu.memory_space<hbm>>
      %dma_start3A_211 = tpu.memref_slice %arg9[%mul3A_205] : memref<640xi32, #tpu.memory_space<vmem>> -> memref<320xi32, #tpu.memory_space<vmem>>
      tpu.enqueue_dma source(%dma_start3A_211 : memref<320xi32, #tpu.memory_space<vmem>>) target(%dma_start3A_210 : memref<320xi32, #tpu.memory_space<hbm>>) target_semaphore(%run_scoped3A : memref<!tpu.dma_semaphore, #tpu.memory_space<semaphore_mem>>)
      %dma_wait3A = tpu.memref_slice %arg9[%mul3A_205] : memref<640xi32, #tpu.memory_space<vmem>> -> memref<320xi32, #tpu.memory_space<vmem>>
      %dma_wait3A_212 = tpu.memref_slice %arg5[%add3A_208] : memref<10240xi32, #tpu.memory_space<hbm>> -> memref<320xi32, #tpu.memory_space<hbm>>
      %dma_wait3A_213 = tpu.memref_slice %arg5[%add3A_208] : memref<10240xi32, #tpu.memory_space<hbm>> -> memref<320xi32, #tpu.memory_space<hbm>>
      %dma_wait3A_214 = tpu.memref_slice %arg9[%mul3A_205] : memref<640xi32, #tpu.memory_space<vmem>> -> memref<320xi32, #tpu.memory_space<vmem>>
      tpu.wait_dma2 semaphore(%run_scoped3A : memref<!tpu.dma_semaphore, #tpu.memory_space<semaphore_mem>>) src(%dma_wait3A_214 : memref<320xi32, #tpu.memory_space<vmem>>) dst(%dma_wait3A_213 : memref<320xi32, #tpu.memory_space<hbm>>)
      tpu.yield
    }) : () -> ()
    return
  }
}

#map = affine_map<(d0, d1) -> (0)>
module attributes {stable_mosaic.version = 14 : i64} {
  func.func @_deg_kernel(%arg0: i32, %arg1: i32, %arg2: memref<160000xi32, #tpu.memory_space<hbm>>, %arg3: memref<10240xf32, #tpu.memory_space<hbm>>, %arg4: memref<10000xi32, #tpu.memory_space<vmem>>, %arg5: memref<10000xf32, #tpu.memory_space<vmem>>, %arg6: memref<320xf32, #tpu.memory_space<vmem>>, %arg7: memref<10240xf32, #tpu.memory_space<vmem_shared>>) attributes {dimension_semantics = [#tpu.dimension_semantics<core_parallel>, #tpu.dimension_semantics<subcore_parallel>], iteration_bounds = array<i64: 2, 16>, scalar_prefetch = 0 : i64, scratch_operands = 4 : i64, tpu.core_type = #tpu.core_type<sc_vector_subcore>, window_params = [{transform_indices = #map}, {transform_indices = #map}]} {
    %mul3A = arith.constant 16 : i32
    %mul3A_0 = arith.muli %arg0, %mul3A : i32
    %add3A = arith.addi %mul3A_0, %arg1 : i32
    %scan3A = arith.constant 0 : i32
    %scan3A_1 = arith.constant 0 : i32
    %scan3A_2 = arith.constant 20 : i32
    %scan3A_3 = arith.addi %scan3A_1, %scan3A_2 : i32
    %scan3A_4 = arith.constant 1 : i32
    %scan3A_5 = scf.for %scan3A_27 = %scan3A_1 to %scan3A_3 step %scan3A_4 iter_args(%scan3A_28 = %scan3A) -> (i32)  : i32 {
      %broadcast_in_dim3A = arith.constant 0.000000e+00 : f32
      %broadcast_in_dim3A_29 = vector.broadcast %broadcast_in_dim3A : f32 to vector<16xf32>
      %mul3A_30 = arith.constant 16 : i32
      %mul3A_31 = arith.muli %scan3A_27, %mul3A_30 : i32
      %swap3A = arith.index_cast %mul3A_31 : i32 to index
      %swap3A_32 = tpu.vector_load %arg6[%swap3A] {strides = array<i32>} : memref<320xf32, #tpu.memory_space<vmem>>, vector<16xf32>,
      %swap3A_33 = vector.shape_cast %swap3A_32 : vector<16xf32> to vector<16xf32>
      %swap3A_34 = vector.shape_cast %broadcast_in_dim3A_29 : vector<16xf32> to vector<16xf32>
      tpu.vector_store %arg6[%swap3A], %swap3A_34 {strides = array<i32>} : memref<320xf32, #tpu.memory_space<vmem>>, vector<16xf32>,
      %scan3A_35 = arith.constant 0 : i32
      scf.yield %scan3A_35 : i32
    }
    %scan3A_6 = arith.constant 20 : i32
    %mul3A_7 = arith.constant 640 : i32
    %mul3A_8 = arith.muli %arg1, %mul3A_7 : i32
    "tpu.region"() ({
      %run_scoped3A = tpu.sem_alloc : memref<!tpu.dma_semaphore, #tpu.memory_space<semaphore_mem>>
      %dma_start3A = tpu.memref_slice %arg7[%mul3A_8] : memref<10240xf32, #tpu.memory_space<vmem_shared>> -> memref<320xf32, #tpu.memory_space<vmem_shared>>
      %dma_start3A_27 = tpu.memref_slice %arg7[%mul3A_8] : memref<10240xf32, #tpu.memory_space<vmem_shared>> -> memref<320xf32, #tpu.memory_space<vmem_shared>>
      tpu.enqueue_dma source(%arg6 : memref<320xf32, #tpu.memory_space<vmem>>) target(%dma_start3A_27 : memref<320xf32, #tpu.memory_space<vmem_shared>>) target_semaphore(%run_scoped3A : memref<!tpu.dma_semaphore, #tpu.memory_space<semaphore_mem>>)
      %dma_wait3A = tpu.memref_slice %arg7[%mul3A_8] : memref<10240xf32, #tpu.memory_space<vmem_shared>> -> memref<320xf32, #tpu.memory_space<vmem_shared>>
      %dma_wait3A_28 = tpu.memref_slice %arg7[%mul3A_8] : memref<10240xf32, #tpu.memory_space<vmem_shared>> -> memref<320xf32, #tpu.memory_space<vmem_shared>>
      tpu.wait_dma2 semaphore(%run_scoped3A : memref<!tpu.dma_semaphore, #tpu.memory_space<semaphore_mem>>) src(%arg6 : memref<320xf32, #tpu.memory_space<vmem>>) dst(%dma_wait3A_28 : memref<320xf32, #tpu.memory_space<vmem_shared>>)
      tpu.yield
    }) : () -> ()
    %mul3A_9 = arith.constant 640 : i32
    %mul3A_10 = arith.muli %arg1, %mul3A_9 : i32
    %add3A_11 = arith.constant 320 : i32
    %add3A_12 = arith.addi %mul3A_10, %add3A_11 : i32
    "tpu.region"() ({
      %run_scoped3A = tpu.sem_alloc : memref<!tpu.dma_semaphore, #tpu.memory_space<semaphore_mem>>
      %dma_start3A = tpu.memref_slice %arg7[%add3A_12] : memref<10240xf32, #tpu.memory_space<vmem_shared>> -> memref<320xf32, #tpu.memory_space<vmem_shared>>
      %dma_start3A_27 = tpu.memref_slice %arg7[%add3A_12] : memref<10240xf32, #tpu.memory_space<vmem_shared>> -> memref<320xf32, #tpu.memory_space<vmem_shared>>
      tpu.enqueue_dma source(%arg6 : memref<320xf32, #tpu.memory_space<vmem>>) target(%dma_start3A_27 : memref<320xf32, #tpu.memory_space<vmem_shared>>) target_semaphore(%run_scoped3A : memref<!tpu.dma_semaphore, #tpu.memory_space<semaphore_mem>>)
      %dma_wait3A = tpu.memref_slice %arg7[%add3A_12] : memref<10240xf32, #tpu.memory_space<vmem_shared>> -> memref<320xf32, #tpu.memory_space<vmem_shared>>
      %dma_wait3A_28 = tpu.memref_slice %arg7[%add3A_12] : memref<10240xf32, #tpu.memory_space<vmem_shared>> -> memref<320xf32, #tpu.memory_space<vmem_shared>>
      tpu.wait_dma2 semaphore(%run_scoped3A : memref<!tpu.dma_semaphore, #tpu.memory_space<semaphore_mem>>) src(%arg6 : memref<320xf32, #tpu.memory_space<vmem>>) dst(%dma_wait3A_28 : memref<320xf32, #tpu.memory_space<vmem_shared>>)
      tpu.yield
    }) : () -> ()
    %mul3A_13 = arith.constant 10000 : i32
    %mul3A_14 = arith.muli %arg1, %mul3A_13 : i32
    "tpu.region"() ({
      %run_scoped3A = tpu.sem_alloc : memref<!tpu.dma_semaphore, #tpu.memory_space<semaphore_mem>>
      %dma_start3A = tpu.memref_slice %arg2[%mul3A_14] : memref<160000xi32, #tpu.memory_space<hbm>> -> memref<10000xi32, #tpu.memory_space<hbm>>
      %dma_start3A_27 = tpu.memref_slice %arg2[%mul3A_14] : memref<160000xi32, #tpu.memory_space<hbm>> -> memref<10000xi32, #tpu.memory_space<hbm>>
      tpu.enqueue_dma source(%dma_start3A_27 : memref<10000xi32, #tpu.memory_space<hbm>>) target(%arg4 : memref<10000xi32, #tpu.memory_space<vmem>>) target_semaphore(%run_scoped3A : memref<!tpu.dma_semaphore, #tpu.memory_space<semaphore_mem>>)
      %dma_wait3A = tpu.memref_slice %arg2[%mul3A_14] : memref<160000xi32, #tpu.memory_space<hbm>> -> memref<10000xi32, #tpu.memory_space<hbm>>
      %dma_wait3A_28 = tpu.memref_slice %arg2[%mul3A_14] : memref<160000xi32, #tpu.memory_space<hbm>> -> memref<10000xi32, #tpu.memory_space<hbm>>
      tpu.wait_dma2 semaphore(%run_scoped3A : memref<!tpu.dma_semaphore, #tpu.memory_space<semaphore_mem>>) src(%dma_wait3A_28 : memref<10000xi32, #tpu.memory_space<hbm>>) dst(%arg4 : memref<10000xi32, #tpu.memory_space<vmem>>)
      tpu.yield
    }) : () -> ()
    %scan3A_15 = arith.constant 0 : i32
    %scan3A_16 = arith.constant 0 : i32
    %scan3A_17 = arith.constant 625 : i32
    %scan3A_18 = arith.addi %scan3A_16, %scan3A_17 : i32
    %scan3A_19 = arith.constant 1 : i32
    %scan3A_20 = scf.for %scan3A_27 = %scan3A_16 to %scan3A_18 step %scan3A_19 iter_args(%scan3A_28 = %scan3A_15) -> (i32)  : i32 {
      %broadcast_in_dim3A = arith.constant 1.000000e+00 : f32
      %broadcast_in_dim3A_29 = vector.broadcast %broadcast_in_dim3A : f32 to vector<16xf32>
      %mul3A_30 = arith.constant 16 : i32
      %mul3A_31 = arith.muli %scan3A_27, %mul3A_30 : i32
      %swap3A = arith.index_cast %mul3A_31 : i32 to index
      %swap3A_32 = tpu.vector_load %arg5[%swap3A] {strides = array<i32>} : memref<10000xf32, #tpu.memory_space<vmem>>, vector<16xf32>,
      %swap3A_33 = vector.shape_cast %swap3A_32 : vector<16xf32> to vector<16xf32>
      %swap3A_34 = vector.shape_cast %broadcast_in_dim3A_29 : vector<16xf32> to vector<16xf32>
      tpu.vector_store %arg5[%swap3A], %swap3A_34 {strides = array<i32>} : memref<10000xf32, #tpu.memory_space<vmem>>, vector<16xf32>,
      %scan3A_35 = arith.constant 0 : i32
      scf.yield %scan3A_35 : i32
    }
    %scan3A_21 = arith.constant 625 : i32
    %barrier3A = arith.constant 0 : index
    tpu.barrier barrier_id(%barrier3A)
    "tpu.region"() ({
      %run_scoped3A = tpu.sem_alloc : memref<!tpu.dma_semaphore, #tpu.memory_space<semaphore_mem>>
      %dma_start3A = arith.constant 0 : i32
      %dma_start3A_27 = tpu.memref_slice %arg7[%dma_start3A] : memref<10240xf32, #tpu.memory_space<vmem_shared>> -> memref<10240xf32, #tpu.memory_space<vmem_shared>>
      tpu.enqueue_indirect_dma source(%arg5 : memref<10000xf32, #tpu.memory_space<vmem>>) target(%dma_start3A_27 : memref<10240xf32, #tpu.memory_space<vmem_shared>>) offsets(%arg4 : memref<10000xi32, #tpu.memory_space<vmem>>) semaphore(%run_scoped3A : memref<!tpu.dma_semaphore, #tpu.memory_space<semaphore_mem>>) {add = true}
      %dma_wait3A = arith.constant 0 : i32
      %dma_wait3A_28 = tpu.memref_slice %arg7[%dma_wait3A] : memref<10240xf32, #tpu.memory_space<vmem_shared>> -> memref<10240xf32, #tpu.memory_space<vmem_shared>>
      tpu.wait_indirect_dma semaphore(%run_scoped3A : memref<!tpu.dma_semaphore, #tpu.memory_space<semaphore_mem>>) src(%arg5 : memref<10000xf32, #tpu.memory_space<vmem>>) dst(%dma_wait3A_28 : memref<10240xf32, #tpu.memory_space<vmem_shared>>)
      tpu.yield
    }) : () -> ()
    %barrier3A_22 = arith.constant 0 : index
    tpu.barrier barrier_id(%barrier3A_22)
    %mul3A_23 = arith.constant 320 : i32
    %mul3A_24 = arith.muli %add3A, %mul3A_23 : i32
    "tpu.region"() ({
      %run_scoped3A = tpu.sem_alloc : memref<!tpu.dma_semaphore, #tpu.memory_space<semaphore_mem>>
      %dma_start3A = tpu.memref_slice %arg7[%mul3A_24] : memref<10240xf32, #tpu.memory_space<vmem_shared>> -> memref<320xf32, #tpu.memory_space<vmem_shared>>
      %dma_start3A_27 = tpu.memref_slice %arg7[%mul3A_24] : memref<10240xf32, #tpu.memory_space<vmem_shared>> -> memref<320xf32, #tpu.memory_space<vmem_shared>>
      tpu.enqueue_dma source(%dma_start3A_27 : memref<320xf32, #tpu.memory_space<vmem_shared>>) target(%arg6 : memref<320xf32, #tpu.memory_space<vmem>>) target_semaphore(%run_scoped3A : memref<!tpu.dma_semaphore, #tpu.memory_space<semaphore_mem>>)
      %dma_wait3A = tpu.memref_slice %arg7[%mul3A_24] : memref<10240xf32, #tpu.memory_space<vmem_shared>> -> memref<320xf32, #tpu.memory_space<vmem_shared>>
      %dma_wait3A_28 = tpu.memref_slice %arg7[%mul3A_24] : memref<10240xf32, #tpu.memory_space<vmem_shared>> -> memref<320xf32, #tpu.memory_space<vmem_shared>>
      tpu.wait_dma2 semaphore(%run_scoped3A : memref<!tpu.dma_semaphore, #tpu.memory_space<semaphore_mem>>) src(%dma_wait3A_28 : memref<320xf32, #tpu.memory_space<vmem_shared>>) dst(%arg6 : memref<320xf32, #tpu.memory_space<vmem>>)
      tpu.yield
    }) : () -> ()
    %mul3A_25 = arith.constant 320 : i32
    %mul3A_26 = arith.muli %add3A, %mul3A_25 : i32
    "tpu.region"() ({
      %run_scoped3A = tpu.sem_alloc : memref<!tpu.dma_semaphore, #tpu.memory_space<semaphore_mem>>
      %dma_start3A = tpu.memref_slice %arg3[%mul3A_26] : memref<10240xf32, #tpu.memory_space<hbm>> -> memref<320xf32, #tpu.memory_space<hbm>>
      %dma_start3A_27 = tpu.memref_slice %arg3[%mul3A_26] : memref<10240xf32, #tpu.memory_space<hbm>> -> memref<320xf32, #tpu.memory_space<hbm>>
      tpu.enqueue_dma source(%arg6 : memref<320xf32, #tpu.memory_space<vmem>>) target(%dma_start3A_27 : memref<320xf32, #tpu.memory_space<hbm>>) target_semaphore(%run_scoped3A : memref<!tpu.dma_semaphore, #tpu.memory_space<semaphore_mem>>)
      %dma_wait3A = tpu.memref_slice %arg3[%mul3A_26] : memref<10240xf32, #tpu.memory_space<hbm>> -> memref<320xf32, #tpu.memory_space<hbm>>
      %dma_wait3A_28 = tpu.memref_slice %arg3[%mul3A_26] : memref<10240xf32, #tpu.memory_space<hbm>> -> memref<320xf32, #tpu.memory_space<hbm>>
      tpu.wait_dma2 semaphore(%run_scoped3A : memref<!tpu.dma_semaphore, #tpu.memory_space<semaphore_mem>>) src(%arg6 : memref<320xf32, #tpu.memory_space<vmem>>) dst(%dma_wait3A_28 : memref<320xf32, #tpu.memory_space<hbm>>)
      tpu.yield
    }) : () -> ()
    return
  }
}

#map = affine_map<(d0, d1) -> (0)>
module attributes {stable_mosaic.version = 14 : i64} {
  func.func @_level_kernel(%arg0: i32, %arg1: i32, %arg2: memref<160000xi32, #tpu.memory_space<hbm>>, %arg3: memref<160000xi32, #tpu.memory_space<hbm>>, %arg4: memref<10240xi32, #tpu.memory_space<hbm>>, %arg5: memref<10240xi32, #tpu.memory_space<hbm>>, %arg6: memref<10240xi32, #tpu.memory_space<hbm>>, %arg7: memref<10240xi32, #tpu.memory_space<hbm>>, %arg8: memref<10000xi32, #tpu.memory_space<vmem>>, %arg9: memref<10000xi32, #tpu.memory_space<vmem>>, %arg10: memref<10000xi32, #tpu.memory_space<vmem>>, %arg11: memref<10000xi32, #tpu.memory_space<vmem>>, %arg12: memref<10240xi32, #tpu.memory_space<vmem>>, %arg13: memref<10240xi32, #tpu.memory_space<vmem>>, %arg14: memref<10240xi32, #tpu.memory_space<vmem>>, %arg15: memref<640xi32, #tpu.memory_space<vmem>>, %arg16: memref<16x640xi32, #tpu.memory_space<vmem>>, %arg17: memref<16x10240xi32, #tpu.memory_space<vmem_shared>>, %arg18: memref<10240xi32, #tpu.memory_space<vmem_shared>>, %arg19: memref<10240xi32, #tpu.memory_space<vmem_shared>>, %arg20: memref<!tpu.dma_semaphore, #tpu.memory_space<semaphore_mem>>) attributes {dimension_semantics = [#tpu.dimension_semantics<core_parallel>, #tpu.dimension_semantics<subcore_parallel>], iteration_bounds = array<i64: 2, 16>, scalar_prefetch = 0 : i64, scratch_operands = 13 : i64, tpu.core_type = #tpu.core_type<sc_vector_subcore>, window_params = [{transform_indices = #map}, {transform_indices = #map}, {transform_indices = #map}, {transform_indices = #map}, {transform_indices = #map}, {transform_indices = #map}]} {
    %mul3A = arith.constant 640 : i32
    %mul3A_0 = arith.muli %arg1, %mul3A : i32
    %iota3A = tpu.iota {dimensions = array<i32: 0>} : vector<16xi32>
    %mul3A_1 = arith.constant 10000 : i32
    %mul3A_2 = arith.muli %arg1, %mul3A_1 : i32
    %dma_start3A = tpu.memref_slice %arg2[%mul3A_2] : memref<160000xi32, #tpu.memory_space<hbm>> -> memref<10000xi32, #tpu.memory_space<hbm>>
    %dma_start3A_3 = tpu.memref_slice %arg2[%mul3A_2] : memref<160000xi32, #tpu.memory_space<hbm>> -> memref<10000xi32, #tpu.memory_space<hbm>>
    tpu.enqueue_dma source(%dma_start3A_3 : memref<10000xi32, #tpu.memory_space<hbm>>) target(%arg8 : memref<10000xi32, #tpu.memory_space<vmem>>) target_semaphore(%arg20 : memref<!tpu.dma_semaphore, #tpu.memory_space<semaphore_mem>>)
    %mul3A_4 = arith.constant 10000 : i32
    %mul3A_5 = arith.muli %arg1, %mul3A_4 : i32
    %dma_start3A_6 = tpu.memref_slice %arg3[%mul3A_5] : memref<160000xi32, #tpu.memory_space<hbm>> -> memref<10000xi32, #tpu.memory_space<hbm>>
    %dma_start3A_7 = tpu.memref_slice %arg3[%mul3A_5] : memref<160000xi32, #tpu.memory_space<hbm>> -> memref<10000xi32, #tpu.memory_space<hbm>>
    tpu.enqueue_dma source(%dma_start3A_7 : memref<10000xi32, #tpu.memory_space<hbm>>) target(%arg9 : memref<10000xi32, #tpu.memory_space<vmem>>) target_semaphore(%arg20 : memref<!tpu.dma_semaphore, #tpu.memory_space<semaphore_mem>>)
    tpu.enqueue_dma source(%arg4 : memref<10240xi32, #tpu.memory_space<hbm>>) target(%arg12 : memref<10240xi32, #tpu.memory_space<vmem>>) target_semaphore(%arg20 : memref<!tpu.dma_semaphore, #tpu.memory_space<semaphore_mem>>)
    tpu.enqueue_dma source(%arg5 : memref<10240xi32, #tpu.memory_space<hbm>>) target(%arg13 : memref<10240xi32, #tpu.memory_space<vmem>>) target_semaphore(%arg20 : memref<!tpu.dma_semaphore, #tpu.memory_space<semaphore_mem>>)
    %scan3A = arith.constant 0 : i32
    %scan3A_8 = arith.constant 0 : i32
    %scan3A_9 = arith.constant 640 : i32
    %scan3A_10 = arith.addi %scan3A_8, %scan3A_9 : i32
    %scan3A_11 = arith.constant 1 : i32
    %scan3A_12 = scf.for %scan3A_63 = %scan3A_8 to %scan3A_10 step %scan3A_11 iter_args(%scan3A_64 = %scan3A) -> (i32)  : i32 {
      %broadcast_in_dim3A = arith.constant 2147483647 : i32
      %broadcast_in_dim3A_65 = vector.broadcast %broadcast_in_dim3A : i32 to vector<16xi32>
      %mul3A_66 = arith.constant 16 : i32
      %mul3A_67 = arith.muli %scan3A_63, %mul3A_66 : i32
      %swap3A = arith.index_cast %mul3A_67 : i32 to index
      %swap3A_68 = tpu.vector_load %arg14[%swap3A] {strides = array<i32>} : memref<10240xi32, #tpu.memory_space<vmem>>, vector<16xi32>,
      tpu.vector_store %arg14[%swap3A], %broadcast_in_dim3A_65 {strides = array<i32>} : memref<10240xi32, #tpu.memory_space<vmem>>, vector<16xi32>,
      %scan3A_69 = arith.constant 0 : i32
      scf.yield %scan3A_69 : i32
    }
    %scan3A_13 = arith.constant 640 : i32
    %scan3A_14 = arith.constant 0 : i32
    %scan3A_15 = arith.constant 0 : i32
    %scan3A_16 = arith.constant 40 : i32
    %scan3A_17 = arith.addi %scan3A_15, %scan3A_16 : i32
    %scan3A_18 = arith.constant 1 : i32
    %scan3A_19 = scf.for %scan3A_63 = %scan3A_15 to %scan3A_17 step %scan3A_18 iter_args(%scan3A_64 = %scan3A_14) -> (i32)  : i32 {
      %broadcast_in_dim3A = arith.constant 0 : i32
      %broadcast_in_dim3A_65 = vector.broadcast %broadcast_in_dim3A : i32 to vector<16xi32>
      %mul3A_66 = arith.constant 16 : i32
      %mul3A_67 = arith.muli %scan3A_63, %mul3A_66 : i32
      %swap3A = arith.index_cast %mul3A_67 : i32 to index
      %swap3A_68 = tpu.vector_load %arg15[%swap3A] {strides = array<i32>} : memref<640xi32, #tpu.memory_space<vmem>>, vector<16xi32>,
      tpu.vector_store %arg15[%swap3A], %broadcast_in_dim3A_65 {strides = array<i32>} : memref<640xi32, #tpu.memory_space<vmem>>, vector<16xi32>,
      %scan3A_69 = arith.constant 0 : i32
      scf.yield %scan3A_69 : i32
    }
    %scan3A_20 = arith.constant 40 : i32
    "tpu.region"() ({
      %run_scoped3A = tpu.sem_alloc : memref<!tpu.dma_semaphore, #tpu.memory_space<semaphore_mem>>
      %dma_start3A_63 = tpu.memref_slice %arg19[%mul3A_0] : memref<10240xi32, #tpu.memory_space<vmem_shared>> -> memref<640xi32, #tpu.memory_space<vmem_shared>>
      %dma_start3A_64 = tpu.memref_slice %arg19[%mul3A_0] : memref<10240xi32, #tpu.memory_space<vmem_shared>> -> memref<640xi32, #tpu.memory_space<vmem_shared>>
      tpu.enqueue_dma source(%arg15 : memref<640xi32, #tpu.memory_space<vmem>>) target(%dma_start3A_64 : memref<640xi32, #tpu.memory_space<vmem_shared>>) target_semaphore(%run_scoped3A : memref<!tpu.dma_semaphore, #tpu.memory_space<semaphore_mem>>)
      %dma_wait3A_65 = tpu.memref_slice %arg19[%mul3A_0] : memref<10240xi32, #tpu.memory_space<vmem_shared>> -> memref<640xi32, #tpu.memory_space<vmem_shared>>
      %dma_wait3A_66 = tpu.memref_slice %arg19[%mul3A_0] : memref<10240xi32, #tpu.memory_space<vmem_shared>> -> memref<640xi32, #tpu.memory_space<vmem_shared>>
      tpu.wait_dma2 semaphore(%run_scoped3A : memref<!tpu.dma_semaphore, #tpu.memory_space<semaphore_mem>>) src(%arg15 : memref<640xi32, #tpu.memory_space<vmem>>) dst(%dma_wait3A_66 : memref<640xi32, #tpu.memory_space<vmem_shared>>)
      tpu.yield
    }) : () -> ()
    %dma_wait3A = tpu.memref_slice %arg2[%mul3A_2] : memref<160000xi32, #tpu.memory_space<hbm>> -> memref<10000xi32, #tpu.memory_space<hbm>>
    %dma_wait3A_21 = tpu.memref_slice %arg2[%mul3A_2] : memref<160000xi32, #tpu.memory_space<hbm>> -> memref<10000xi32, #tpu.memory_space<hbm>>
    tpu.wait_dma2 semaphore(%arg20 : memref<!tpu.dma_semaphore, #tpu.memory_space<semaphore_mem>>) src(%dma_wait3A_21 : memref<10000xi32, #tpu.memory_space<hbm>>) dst(%arg8 : memref<10000xi32, #tpu.memory_space<vmem>>)
    %dma_wait3A_22 = tpu.memref_slice %arg3[%mul3A_5] : memref<160000xi32, #tpu.memory_space<hbm>> -> memref<10000xi32, #tpu.memory_space<hbm>>
    %dma_wait3A_23 = tpu.memref_slice %arg3[%mul3A_5] : memref<160000xi32, #tpu.memory_space<hbm>> -> memref<10000xi32, #tpu.memory_space<hbm>>
    tpu.wait_dma2 semaphore(%arg20 : memref<!tpu.dma_semaphore, #tpu.memory_space<semaphore_mem>>) src(%dma_wait3A_23 : memref<10000xi32, #tpu.memory_space<hbm>>) dst(%arg9 : memref<10000xi32, #tpu.memory_space<vmem>>)
    tpu.wait_dma2 semaphore(%arg20 : memref<!tpu.dma_semaphore, #tpu.memory_space<semaphore_mem>>) src(%arg4 : memref<10240xi32, #tpu.memory_space<hbm>>) dst(%arg12 : memref<10240xi32, #tpu.memory_space<vmem>>)
    tpu.wait_dma2 semaphore(%arg20 : memref<!tpu.dma_semaphore, #tpu.memory_space<semaphore_mem>>) src(%arg5 : memref<10240xi32, #tpu.memory_space<hbm>>) dst(%arg13 : memref<10240xi32, #tpu.memory_space<vmem>>)
    %parallel_loop3A = arith.constant 0 : i32
    %parallel_loop3A_24 = arith.constant 625 : i32
    %parallel_loop3A_25 = arith.constant 1 : i32
    scf.for %parallel_loop3A_63 = %parallel_loop3A to %parallel_loop3A_24 step %parallel_loop3A_25  : i32 {
      %parallel_loop3A_64 = arith.constant 16 : i32
      %parallel_loop3A_65 = arith.muli %parallel_loop3A_63, %parallel_loop3A_64 : i32
      %parallel_loop3A_66 = arith.index_cast %parallel_loop3A_65 : i32 to index
      %parallel_loop3A_67 = tpu.vector_load %arg8[%parallel_loop3A_66] {strides = array<i32>} : memref<10000xi32, #tpu.memory_space<vmem>>, vector<16xi32>,
      %parallel_loop3A_68 = tpu.vector_load_idx %arg12[%parallel_loop3A_67] : memref<10240xi32, #tpu.memory_space<vmem>>[vector<16xi32>], vector<16xi32>,
      %parallel_loop3A_69 = arith.index_cast %parallel_loop3A_65 : i32 to index
      %parallel_loop3A_70 = tpu.vector_load %arg9[%parallel_loop3A_69] {strides = array<i32>} : memref<10000xi32, #tpu.memory_space<vmem>>, vector<16xi32>,
      %parallel_loop3A_71 = tpu.vector_load_idx %arg13[%parallel_loop3A_70] : memref<10240xi32, #tpu.memory_space<vmem>>[vector<16xi32>], vector<16xi32>,
      %parallel_loop3A_72 = arith.constant 2147483647 : i32
      %parallel_loop3A_73 = vector.broadcast %parallel_loop3A_72 : i32 to vector<16xi32>
      %parallel_loop3A_74 = arith.cmpi ne, %parallel_loop3A_68, %parallel_loop3A_73 : vector<16xi32>
      %parallel_loop3A_75 = arith.constant 0 : i32
      %parallel_loop3A_76 = vector.broadcast %parallel_loop3A_75 : i32 to vector<16xi32>
      %parallel_loop3A_77 = arith.cmpi ne, %parallel_loop3A_71, %parallel_loop3A_76 : vector<16xi32>
      %parallel_loop3A_78 = arith.andi %parallel_loop3A_74, %parallel_loop3A_77 : vector<16xi1>
      %parallel_loop3A_79 = arith.constant 10000 : i32
      %parallel_loop3A_80 = arith.muli %arg1, %parallel_loop3A_79 : i32
      %parallel_loop3A_81 = arith.constant 16 : i32
      %parallel_loop3A_82 = arith.muli %parallel_loop3A_63, %parallel_loop3A_81 : i32
      %parallel_loop3A_83 = arith.addi %parallel_loop3A_80, %parallel_loop3A_82 : i32
      %parallel_loop3A_84 = vector.broadcast %parallel_loop3A_83 : i32 to vector<16xi32>
      %parallel_loop3A_85 = arith.addi %parallel_loop3A_84, %iota3A : vector<16xi32>
      %parallel_loop3A_86 = arith.constant 160000 : i32
      %parallel_loop3A_87 = vector.broadcast %parallel_loop3A_86 : i32 to vector<16xi32>
      %parallel_loop3A_88 = arith.muli %parallel_loop3A_68, %parallel_loop3A_87 : vector<16xi32>
      %parallel_loop3A_89 = arith.addi %parallel_loop3A_88, %parallel_loop3A_85 : vector<16xi32>
      %parallel_loop3A_90 = arith.constant 2147483647 : i32
      %parallel_loop3A_91 = vector.broadcast %parallel_loop3A_90 : i32 to vector<16xi32>
      %parallel_loop3A_92 = arith.select %parallel_loop3A_78, %parallel_loop3A_89, %parallel_loop3A_91 : vector<16xi1>, vector<16xi32>
      %parallel_loop3A_93 = arith.index_cast %parallel_loop3A_65 : i32 to index
      %parallel_loop3A_94 = tpu.vector_load %arg10[%parallel_loop3A_93] {strides = array<i32>} : memref<10000xi32, #tpu.memory_space<vmem>>, vector<16xi32>,
      tpu.vector_store %arg10[%parallel_loop3A_93], %parallel_loop3A_92 {strides = array<i32>} : memref<10000xi32, #tpu.memory_space<vmem>>, vector<16xi32>,
    } {sc.loop_unroll_factor = 4 : i64, sc.parallel_access}
    %scan3A_26 = arith.constant 0 : i32
    %scan3A_27 = arith.constant 0 : i32
    %scan3A_28 = arith.constant 625 : i32
    %scan3A_29 = arith.addi %scan3A_27, %scan3A_28 : i32
    %scan3A_30 = arith.constant 1 : i32
    %scan3A_31 = scf.for %scan3A_63 = %scan3A_27 to %scan3A_29 step %scan3A_30 iter_args(%scan3A_64 = %scan3A_26) -> (i32)  : i32 {
      %mul3A_65 = arith.constant 16 : i32
      %mul3A_66 = arith.muli %scan3A_63, %mul3A_65 : i32
      %get3A = arith.index_cast %mul3A_66 : i32 to index
      %get3A_67 = tpu.vector_load %arg10[%get3A] {strides = array<i32>} : memref<10000xi32, #tpu.memory_space<vmem>>, vector<16xi32>,
      %reduce_min3A = arith.constant true
      %reduce_min3A_68 = vector.broadcast %reduce_min3A : i1 to vector<16xi1>
      %reduce_min3A_69 = arith.constant -2147483648 : i32
      %reduce_min3A_70 = vector.broadcast %reduce_min3A_69 : i32 to vector<16xi32>
      %reduce_min3A_71 = arith.xori %get3A_67, %reduce_min3A_70 : vector<16xi32>
      %reduce_min3A_72 = tpu.scan <min>, %reduce_min3A_71 masked %reduce_min3A_68 : vector<16xi32>, vector<16xi1> -> vector<16xi32>
      %reduce_min3A_73 = arith.xori %reduce_min3A_72, %reduce_min3A_70 : vector<16xi32>
      %reduce_min3A_74 = vector.extract %reduce_min3A_73[15] : i32 from vector<16xi32>
      %ne3A = arith.constant 2147483647 : i32
      %ne3A_75 = arith.cmpi ne, %reduce_min3A_74, %ne3A : i32
      %convert_element_type3A = arith.extui %ne3A_75 : i1 to i32
      %cond3A = arith.constant 0 : i32
      %cond3A_76 = arith.cmpi ne, %convert_element_type3A, %cond3A : i32
      scf.if %cond3A_76 {
        %get3A_78 = arith.index_cast %mul3A_66 : i32 to index
        %get3A_79 = tpu.vector_load %arg9[%get3A_78] {strides = array<i32>} : memref<10000xi32, #tpu.memory_space<vmem>>, vector<16xi32>,
        %masked_sort3A = arith.constant dense<true> : vector<16xi1>
        %masked_sort3A_80 = arith.constant -2147483648 : i32
        %masked_sort3A_81 = vector.broadcast %masked_sort3A_80 : i32 to vector<16xi32>
        %masked_sort3A_82 = arith.xori %get3A_79, %masked_sort3A_81 : vector<16xi32>
        %masked_sort3A_83, %masked_sort3A_84, %masked_sort3A_85 = tpu.sort %masked_sort3A_82, %get3A_67 masked %masked_sort3A : (vector<16xi32>, vector<16xi32>, vector<16xi1>) -> (vector<16xi1>, vector<16xi32>, vector<16xi32>)
        %masked_sort3A_86 = arith.xori %masked_sort3A_84, %masked_sort3A_81 : vector<16xi32>
        %sub3A = arith.constant 1 : i32
        %sub3A_87 = vector.broadcast %sub3A : i32 to vector<16xi32>
        %sub3A_88 = arith.subi %iota3A, %sub3A_87 : vector<16xi32>
        %max3A = arith.constant 0 : i32
        %max3A_89 = vector.broadcast %max3A : i32 to vector<16xi32>
        %max3A_90 = arith.maxsi %sub3A_88, %max3A_89 : vector<16xi32>
        %broadcast_in_dim3A = vector.shape_cast %max3A_90 : vector<16xi32> to vector<16x1xi32>
        %gather3A = vector.shape_cast %broadcast_in_dim3A : vector<16x1xi32> to vector<16xi32>
        %gather3A_91 = tpu.dynamic_gather %masked_sort3A_86[%gather3A] in [0] : vector<16xi32>, vector<16xi32> -> vector<16xi32>
        %broadcast_in_dim3A_92 = vector.shape_cast %max3A_90 : vector<16xi32> to vector<16x1xi32>
        %gather3A_93 = vector.shape_cast %broadcast_in_dim3A_92 : vector<16x1xi32> to vector<16xi32>
        %gather3A_94 = tpu.dynamic_gather %masked_sort3A_85[%gather3A_93] in [0] : vector<16xi32>, vector<16xi32> -> vector<16xi32>
        %ge3A = arith.constant 1 : i32
        %ge3A_95 = vector.broadcast %ge3A : i32 to vector<16xi32>
        %ge3A_96 = arith.cmpi sge, %iota3A, %ge3A_95 : vector<16xi32>
        %eq3A = arith.cmpi eq, %gather3A_91, %masked_sort3A_86 : vector<16xi32>
        %and3A = arith.andi %ge3A_96, %eq3A : vector<16xi1>
        %jit3A = arith.constant 2147483647 : i32
        %broadcast_in_dim3A_97 = vector.broadcast %jit3A : i32 to vector<16xi32>
        %select_n3A = arith.select %and3A, %gather3A_94, %broadcast_in_dim3A_97 : vector<16xi1>, vector<16xi32>
        %min3A = arith.minsi %masked_sort3A_85, %select_n3A : vector<16xi32>
        %sub3A_98 = arith.constant 2 : i32
        %sub3A_99 = vector.broadcast %sub3A_98 : i32 to vector<16xi32>
        %sub3A_100 = arith.subi %iota3A, %sub3A_99 : vector<16xi32>
        %max3A_101 = arith.constant 0 : i32
        %max3A_102 = vector.broadcast %max3A_101 : i32 to vector<16xi32>
        %max3A_103 = arith.maxsi %sub3A_100, %max3A_102 : vector<16xi32>
        %broadcast_in_dim3A_104 = vector.shape_cast %max3A_103 : vector<16xi32> to vector<16x1xi32>
        %gather3A_105 = vector.shape_cast %broadcast_in_dim3A_104 : vector<16x1xi32> to vector<16xi32>
        %gather3A_106 = tpu.dynamic_gather %masked_sort3A_86[%gather3A_105] in [0] : vector<16xi32>, vector<16xi32> -> vector<16xi32>
        %broadcast_in_dim3A_107 = vector.shape_cast %max3A_103 : vector<16xi32> to vector<16x1xi32>
        %gather3A_108 = vector.shape_cast %broadcast_in_dim3A_107 : vector<16x1xi32> to vector<16xi32>
        %gather3A_109 = tpu.dynamic_gather %min3A[%gather3A_108] in [0] : vector<16xi32>, vector<16xi32> -> vector<16xi32>
        %ge3A_110 = arith.constant 2 : i32
        %ge3A_111 = vector.broadcast %ge3A_110 : i32 to vector<16xi32>
        %ge3A_112 = arith.cmpi sge, %iota3A, %ge3A_111 : vector<16xi32>
        %eq3A_113 = arith.cmpi eq, %gather3A_106, %masked_sort3A_86 : vector<16xi32>
        %and3A_114 = arith.andi %ge3A_112, %eq3A_113 : vector<16xi1>
        %jit3A_115 = arith.constant 2147483647 : i32
        %broadcast_in_dim3A_116 = vector.broadcast %jit3A_115 : i32 to vector<16xi32>
        %select_n3A_117 = arith.select %and3A_114, %gather3A_109, %broadcast_in_dim3A_116 : vector<16xi1>, vector<16xi32>
        %min3A_118 = arith.minsi %min3A, %select_n3A_117 : vector<16xi32>
        %sub3A_119 = arith.constant 4 : i32
        %sub3A_120 = vector.broadcast %sub3A_119 : i32 to vector<16xi32>
        %sub3A_121 = arith.subi %iota3A, %sub3A_120 : vector<16xi32>
        %max3A_122 = arith.constant 0 : i32
        %max3A_123 = vector.broadcast %max3A_122 : i32 to vector<16xi32>
        %max3A_124 = arith.maxsi %sub3A_121, %max3A_123 : vector<16xi32>
        %broadcast_in_dim3A_125 = vector.shape_cast %max3A_124 : vector<16xi32> to vector<16x1xi32>
        %gather3A_126 = vector.shape_cast %broadcast_in_dim3A_125 : vector<16x1xi32> to vector<16xi32>
        %gather3A_127 = tpu.dynamic_gather %masked_sort3A_86[%gather3A_126] in [0] : vector<16xi32>, vector<16xi32> -> vector<16xi32>
        %broadcast_in_dim3A_128 = vector.shape_cast %max3A_124 : vector<16xi32> to vector<16x1xi32>
        %gather3A_129 = vector.shape_cast %broadcast_in_dim3A_128 : vector<16x1xi32> to vector<16xi32>
        %gather3A_130 = tpu.dynamic_gather %min3A_118[%gather3A_129] in [0] : vector<16xi32>, vector<16xi32> -> vector<16xi32>
        %ge3A_131 = arith.constant 4 : i32
        %ge3A_132 = vector.broadcast %ge3A_131 : i32 to vector<16xi32>
        %ge3A_133 = arith.cmpi sge, %iota3A, %ge3A_132 : vector<16xi32>
        %eq3A_134 = arith.cmpi eq, %gather3A_127, %masked_sort3A_86 : vector<16xi32>
        %and3A_135 = arith.andi %ge3A_133, %eq3A_134 : vector<16xi1>
        %jit3A_136 = arith.constant 2147483647 : i32
        %broadcast_in_dim3A_137 = vector.broadcast %jit3A_136 : i32 to vector<16xi32>
        %select_n3A_138 = arith.select %and3A_135, %gather3A_130, %broadcast_in_dim3A_137 : vector<16xi1>, vector<16xi32>
        %min3A_139 = arith.minsi %min3A_118, %select_n3A_138 : vector<16xi32>
        %sub3A_140 = arith.constant 8 : i32
        %sub3A_141 = vector.broadcast %sub3A_140 : i32 to vector<16xi32>
        %sub3A_142 = arith.subi %iota3A, %sub3A_141 : vector<16xi32>
        %max3A_143 = arith.constant 0 : i32
        %max3A_144 = vector.broadcast %max3A_143 : i32 to vector<16xi32>
        %max3A_145 = arith.maxsi %sub3A_142, %max3A_144 : vector<16xi32>
        %broadcast_in_dim3A_146 = vector.shape_cast %max3A_145 : vector<16xi32> to vector<16x1xi32>
        %gather3A_147 = vector.shape_cast %broadcast_in_dim3A_146 : vector<16x1xi32> to vector<16xi32>
        %gather3A_148 = tpu.dynamic_gather %masked_sort3A_86[%gather3A_147] in [0] : vector<16xi32>, vector<16xi32> -> vector<16xi32>
        %broadcast_in_dim3A_149 = vector.shape_cast %max3A_145 : vector<16xi32> to vector<16x1xi32>
        %gather3A_150 = vector.shape_cast %broadcast_in_dim3A_149 : vector<16x1xi32> to vector<16xi32>
        %gather3A_151 = tpu.dynamic_gather %min3A_139[%gather3A_150] in [0] : vector<16xi32>, vector<16xi32> -> vector<16xi32>
        %ge3A_152 = arith.constant 8 : i32
        %ge3A_153 = vector.broadcast %ge3A_152 : i32 to vector<16xi32>
        %ge3A_154 = arith.cmpi sge, %iota3A, %ge3A_153 : vector<16xi32>
        %eq3A_155 = arith.cmpi eq, %gather3A_148, %masked_sort3A_86 : vector<16xi32>
        %and3A_156 = arith.andi %ge3A_154, %eq3A_155 : vector<16xi1>
        %jit3A_157 = arith.constant 2147483647 : i32
        %broadcast_in_dim3A_158 = vector.broadcast %jit3A_157 : i32 to vector<16xi32>
        %select_n3A_159 = arith.select %and3A_156, %gather3A_151, %broadcast_in_dim3A_158 : vector<16xi1>, vector<16xi32>
        %min3A_160 = arith.minsi %min3A_139, %select_n3A_159 : vector<16xi32>
        %add3A_161 = arith.constant 1 : i32
        %add3A_162 = vector.broadcast %add3A_161 : i32 to vector<16xi32>
        %add3A_163 = arith.addi %iota3A, %add3A_162 : vector<16xi32>
        %min3A_164 = arith.constant 15 : i32
        %min3A_165 = vector.broadcast %min3A_164 : i32 to vector<16xi32>
        %min3A_166 = arith.minsi %add3A_163, %min3A_165 : vector<16xi32>
        %broadcast_in_dim3A_167 = vector.shape_cast %min3A_166 : vector<16xi32> to vector<16x1xi32>
        %gather3A_168 = vector.shape_cast %broadcast_in_dim3A_167 : vector<16x1xi32> to vector<16xi32>
        %gather3A_169 = tpu.dynamic_gather %masked_sort3A_86[%gather3A_168] in [0] : vector<16xi32>, vector<16xi32> -> vector<16xi32>
        %eq3A_170 = arith.constant 15 : i32
        %eq3A_171 = vector.broadcast %eq3A_170 : i32 to vector<16xi32>
        %eq3A_172 = arith.cmpi eq, %iota3A, %eq3A_171 : vector<16xi32>
        %ne3A_173 = arith.cmpi ne, %gather3A_169, %masked_sort3A_86 : vector<16xi32>
        %or3A = arith.ori %eq3A_172, %ne3A_173 : vector<16xi1>
        %gather3A_174 = tpu.vector_load_idx %arg14[%masked_sort3A_86] : memref<10240xi32, #tpu.memory_space<vmem>>[vector<16xi32>], vector<16xi32>,
        %min3A_175 = arith.minsi %gather3A_174, %min3A_160 : vector<16xi32>
        tpu.vector_store_idx %arg14[%masked_sort3A_86], %min3A_175 masked %or3A : memref<10240xi32, #tpu.memory_space<vmem>>[vector<16xi32>], vector<16xi32>, vector<16xi1>
      } else {
      }
      %scan3A_77 = arith.constant 0 : i32
      scf.yield %scan3A_77 : i32
    }
    %scan3A_32 = arith.constant 625 : i32
    "tpu.region"() ({
      %run_scoped3A = tpu.sem_alloc : memref<!tpu.dma_semaphore, #tpu.memory_space<semaphore_mem>>
      %dma_start3A_63 = arith.constant 0 : i32
      %dma_start3A_64 = tpu.memref_slice %arg17[%arg1, %dma_start3A_63] : memref<16x10240xi32, #tpu.memory_space<vmem_shared>> -> memref<1x10240xi32, #tpu.memory_space<vmem_shared>>
      %dma_start3A_65 = tpu.memref_squeeze %dma_start3A_64 : memref<1x10240xi32, #tpu.memory_space<vmem_shared>> -> memref<10240xi32, #tpu.memory_space<vmem_shared>>
      %dma_start3A_66 = arith.constant 0 : i32
      %dma_start3A_67 = tpu.memref_slice %arg17[%arg1, %dma_start3A_66] : memref<16x10240xi32, #tpu.memory_space<vmem_shared>> -> memref<1x10240xi32, #tpu.memory_space<vmem_shared>>
      %dma_start3A_68 = tpu.memref_squeeze %dma_start3A_67 : memref<1x10240xi32, #tpu.memory_space<vmem_shared>> -> memref<10240xi32, #tpu.memory_space<vmem_shared>>
      tpu.enqueue_dma source(%arg14 : memref<10240xi32, #tpu.memory_space<vmem>>) target(%dma_start3A_68 : memref<10240xi32, #tpu.memory_space<vmem_shared>>) target_semaphore(%run_scoped3A : memref<!tpu.dma_semaphore, #tpu.memory_space<semaphore_mem>>)
      %dma_wait3A_69 = arith.constant 0 : i32
      %dma_wait3A_70 = tpu.memref_slice %arg17[%arg1, %dma_wait3A_69] : memref<16x10240xi32, #tpu.memory_space<vmem_shared>> -> memref<1x10240xi32, #tpu.memory_space<vmem_shared>>
      %dma_wait3A_71 = tpu.memref_squeeze %dma_wait3A_70 : memref<1x10240xi32, #tpu.memory_space<vmem_shared>> -> memref<10240xi32, #tpu.memory_space<vmem_shared>>
      %dma_wait3A_72 = arith.constant 0 : i32
      %dma_wait3A_73 = tpu.memref_slice %arg17[%arg1, %dma_wait3A_72] : memref<16x10240xi32, #tpu.memory_space<vmem_shared>> -> memref<1x10240xi32, #tpu.memory_space<vmem_shared>>
      %dma_wait3A_74 = tpu.memref_squeeze %dma_wait3A_73 : memref<1x10240xi32, #tpu.memory_space<vmem_shared>> -> memref<10240xi32, #tpu.memory_space<vmem_shared>>
      tpu.wait_dma2 semaphore(%run_scoped3A : memref<!tpu.dma_semaphore, #tpu.memory_space<semaphore_mem>>) src(%arg14 : memref<10240xi32, #tpu.memory_space<vmem>>) dst(%dma_wait3A_74 : memref<10240xi32, #tpu.memory_space<vmem_shared>>)
      tpu.yield
    }) : () -> ()
    %barrier3A = arith.constant 0 : index
    tpu.barrier barrier_id(%barrier3A)
    "tpu.region"() ({
      %run_scoped3A = tpu.sem_alloc : memref<!tpu.dma_semaphore, #tpu.memory_space<semaphore_mem>>
      %dma_start3A_63 = arith.constant 0 : i32
      %dma_start3A_64 = tpu.memref_slice %arg17[%dma_start3A_63, %mul3A_0] : memref<16x10240xi32, #tpu.memory_space<vmem_shared>> -> memref<16x640xi32, #tpu.memory_space<vmem_shared>>
      %dma_start3A_65 = arith.constant 0 : i32
      %dma_start3A_66 = tpu.memref_slice %arg17[%dma_start3A_65, %mul3A_0] : memref<16x10240xi32, #tpu.memory_space<vmem_shared>> -> memref<16x640xi32, #tpu.memory_space<vmem_shared>>
      tpu.enqueue_dma source(%dma_start3A_66 : memref<16x640xi32, #tpu.memory_space<vmem_shared>>) target(%arg16 : memref<16x640xi32, #tpu.memory_space<vmem>>) target_semaphore(%run_scoped3A : memref<!tpu.dma_semaphore, #tpu.memory_space<semaphore_mem>>)
      %dma_wait3A_67 = arith.constant 0 : i32
      %dma_wait3A_68 = tpu.memref_slice %arg17[%dma_wait3A_67, %mul3A_0] : memref<16x10240xi32, #tpu.memory_space<vmem_shared>> -> memref<16x640xi32, #tpu.memory_space<vmem_shared>>
      %dma_wait3A_69 = arith.constant 0 : i32
      %dma_wait3A_70 = tpu.memref_slice %arg17[%dma_wait3A_69, %mul3A_0] : memref<16x10240xi32, #tpu.memory_space<vmem_shared>> -> memref<16x640xi32, #tpu.memory_space<vmem_shared>>
      tpu.wait_dma2 semaphore(%run_scoped3A : memref<!tpu.dma_semaphore, #tpu.memory_space<semaphore_mem>>) src(%dma_wait3A_70 : memref<16x640xi32, #tpu.memory_space<vmem_shared>>) dst(%arg16 : memref<16x640xi32, #tpu.memory_space<vmem>>)
      tpu.yield
    }) : () -> ()
    %scan3A_33 = arith.constant 0 : i32
    %scan3A_34 = arith.constant 0 : i32
    %scan3A_35 = arith.constant 40 : i32
    %scan3A_36 = arith.addi %scan3A_34, %scan3A_35 : i32
    %scan3A_37 = arith.constant 1 : i32
    %scan3A_38 = scf.for %scan3A_63 = %scan3A_34 to %scan3A_36 step %scan3A_37 iter_args(%scan3A_64 = %scan3A_33) -> (i32)  : i32 {
      %mul3A_65 = arith.constant 16 : i32
      %mul3A_66 = arith.muli %scan3A_63, %mul3A_65 : i32
      %get3A = arith.constant 0 : i32
      %get3A_67 = arith.index_cast %get3A : i32 to index
      %get3A_68 = arith.index_cast %mul3A_66 : i32 to index
      %get3A_69 = tpu.vector_load %arg16[%get3A_67, %get3A_68] {strides = array<i32>} : memref<16x640xi32, #tpu.memory_space<vmem>>, vector<16xi32>,
      %get3A_70 = arith.constant 1 : i32
      %get3A_71 = arith.index_cast %get3A_70 : i32 to index
      %get3A_72 = arith.index_cast %mul3A_66 : i32 to index
      %get3A_73 = tpu.vector_load %arg16[%get3A_71, %get3A_72] {strides = array<i32>} : memref<16x640xi32, #tpu.memory_space<vmem>>, vector<16xi32>,
      %min3A = arith.minsi %get3A_69, %get3A_73 : vector<16xi32>
      %get3A_74 = arith.constant 2 : i32
      %get3A_75 = arith.index_cast %get3A_74 : i32 to index
      %get3A_76 = arith.index_cast %mul3A_66 : i32 to index
      %get3A_77 = tpu.vector_load %arg16[%get3A_75, %get3A_76] {strides = array<i32>} : memref<16x640xi32, #tpu.memory_space<vmem>>, vector<16xi32>,
      %min3A_78 = arith.minsi %min3A, %get3A_77 : vector<16xi32>
      %get3A_79 = arith.constant 3 : i32
      %get3A_80 = arith.index_cast %get3A_79 : i32 to index
      %get3A_81 = arith.index_cast %mul3A_66 : i32 to index
      %get3A_82 = tpu.vector_load %arg16[%get3A_80, %get3A_81] {strides = array<i32>} : memref<16x640xi32, #tpu.memory_space<vmem>>, vector<16xi32>,
      %min3A_83 = arith.minsi %min3A_78, %get3A_82 : vector<16xi32>
      %get3A_84 = arith.constant 4 : i32
      %get3A_85 = arith.index_cast %get3A_84 : i32 to index
      %get3A_86 = arith.index_cast %mul3A_66 : i32 to index
      %get3A_87 = tpu.vector_load %arg16[%get3A_85, %get3A_86] {strides = array<i32>} : memref<16x640xi32, #tpu.memory_space<vmem>>, vector<16xi32>,
      %min3A_88 = arith.minsi %min3A_83, %get3A_87 : vector<16xi32>
      %get3A_89 = arith.constant 5 : i32
      %get3A_90 = arith.index_cast %get3A_89 : i32 to index
      %get3A_91 = arith.index_cast %mul3A_66 : i32 to index
      %get3A_92 = tpu.vector_load %arg16[%get3A_90, %get3A_91] {strides = array<i32>} : memref<16x640xi32, #tpu.memory_space<vmem>>, vector<16xi32>,
      %min3A_93 = arith.minsi %min3A_88, %get3A_92 : vector<16xi32>
      %get3A_94 = arith.constant 6 : i32
      %get3A_95 = arith.index_cast %get3A_94 : i32 to index
      %get3A_96 = arith.index_cast %mul3A_66 : i32 to index
      %get3A_97 = tpu.vector_load %arg16[%get3A_95, %get3A_96] {strides = array<i32>} : memref<16x640xi32, #tpu.memory_space<vmem>>, vector<16xi32>,
      %min3A_98 = arith.minsi %min3A_93, %get3A_97 : vector<16xi32>
      %get3A_99 = arith.constant 7 : i32
      %get3A_100 = arith.index_cast %get3A_99 : i32 to index
      %get3A_101 = arith.index_cast %mul3A_66 : i32 to index
      %get3A_102 = tpu.vector_load %arg16[%get3A_100, %get3A_101] {strides = array<i32>} : memref<16x640xi32, #tpu.memory_space<vmem>>, vector<16xi32>,
      %min3A_103 = arith.minsi %min3A_98, %get3A_102 : vector<16xi32>
      %get3A_104 = arith.constant 8 : i32
      %get3A_105 = arith.index_cast %get3A_104 : i32 to index
      %get3A_106 = arith.index_cast %mul3A_66 : i32 to index
      %get3A_107 = tpu.vector_load %arg16[%get3A_105, %get3A_106] {strides = array<i32>} : memref<16x640xi32, #tpu.memory_space<vmem>>, vector<16xi32>,
      %min3A_108 = arith.minsi %min3A_103, %get3A_107 : vector<16xi32>
      %get3A_109 = arith.constant 9 : i32
      %get3A_110 = arith.index_cast %get3A_109 : i32 to index
      %get3A_111 = arith.index_cast %mul3A_66 : i32 to index
      %get3A_112 = tpu.vector_load %arg16[%get3A_110, %get3A_111] {strides = array<i32>} : memref<16x640xi32, #tpu.memory_space<vmem>>, vector<16xi32>,
      %min3A_113 = arith.minsi %min3A_108, %get3A_112 : vector<16xi32>
      %get3A_114 = arith.constant 10 : i32
      %get3A_115 = arith.index_cast %get3A_114 : i32 to index
      %get3A_116 = arith.index_cast %mul3A_66 : i32 to index
      %get3A_117 = tpu.vector_load %arg16[%get3A_115, %get3A_116] {strides = array<i32>} : memref<16x640xi32, #tpu.memory_space<vmem>>, vector<16xi32>,
      %min3A_118 = arith.minsi %min3A_113, %get3A_117 : vector<16xi32>
      %get3A_119 = arith.constant 11 : i32
      %get3A_120 = arith.index_cast %get3A_119 : i32 to index
      %get3A_121 = arith.index_cast %mul3A_66 : i32 to index
      %get3A_122 = tpu.vector_load %arg16[%get3A_120, %get3A_121] {strides = array<i32>} : memref<16x640xi32, #tpu.memory_space<vmem>>, vector<16xi32>,
      %min3A_123 = arith.minsi %min3A_118, %get3A_122 : vector<16xi32>
      %get3A_124 = arith.constant 12 : i32
      %get3A_125 = arith.index_cast %get3A_124 : i32 to index
      %get3A_126 = arith.index_cast %mul3A_66 : i32 to index
      %get3A_127 = tpu.vector_load %arg16[%get3A_125, %get3A_126] {strides = array<i32>} : memref<16x640xi32, #tpu.memory_space<vmem>>, vector<16xi32>,
      %min3A_128 = arith.minsi %min3A_123, %get3A_127 : vector<16xi32>
      %get3A_129 = arith.constant 13 : i32
      %get3A_130 = arith.index_cast %get3A_129 : i32 to index
      %get3A_131 = arith.index_cast %mul3A_66 : i32 to index
      %get3A_132 = tpu.vector_load %arg16[%get3A_130, %get3A_131] {strides = array<i32>} : memref<16x640xi32, #tpu.memory_space<vmem>>, vector<16xi32>,
      %min3A_133 = arith.minsi %min3A_128, %get3A_132 : vector<16xi32>
      %get3A_134 = arith.constant 14 : i32
      %get3A_135 = arith.index_cast %get3A_134 : i32 to index
      %get3A_136 = arith.index_cast %mul3A_66 : i32 to index
      %get3A_137 = tpu.vector_load %arg16[%get3A_135, %get3A_136] {strides = array<i32>} : memref<16x640xi32, #tpu.memory_space<vmem>>, vector<16xi32>,
      %min3A_138 = arith.minsi %min3A_133, %get3A_137 : vector<16xi32>
      %get3A_139 = arith.constant 15 : i32
      %get3A_140 = arith.index_cast %get3A_139 : i32 to index
      %get3A_141 = arith.index_cast %mul3A_66 : i32 to index
      %get3A_142 = tpu.vector_load %arg16[%get3A_140, %get3A_141] {strides = array<i32>} : memref<16x640xi32, #tpu.memory_space<vmem>>, vector<16xi32>,
      %min3A_143 = arith.minsi %min3A_138, %get3A_142 : vector<16xi32>
      %swap3A = arith.index_cast %mul3A_66 : i32 to index
      %swap3A_144 = tpu.vector_load %arg15[%swap3A] {strides = array<i32>} : memref<640xi32, #tpu.memory_space<vmem>>, vector<16xi32>,
      tpu.vector_store %arg15[%swap3A], %min3A_143 {strides = array<i32>} : memref<640xi32, #tpu.memory_space<vmem>>, vector<16xi32>,
      %scan3A_145 = arith.constant 0 : i32
      scf.yield %scan3A_145 : i32
    }
    %scan3A_39 = arith.constant 40 : i32
    "tpu.region"() ({
      %run_scoped3A = tpu.sem_alloc : memref<!tpu.dma_semaphore, #tpu.memory_space<semaphore_mem>>
      %dma_start3A_63 = tpu.memref_slice %arg18[%mul3A_0] : memref<10240xi32, #tpu.memory_space<vmem_shared>> -> memref<640xi32, #tpu.memory_space<vmem_shared>>
      %dma_start3A_64 = tpu.memref_slice %arg18[%mul3A_0] : memref<10240xi32, #tpu.memory_space<vmem_shared>> -> memref<640xi32, #tpu.memory_space<vmem_shared>>
      tpu.enqueue_dma source(%arg15 : memref<640xi32, #tpu.memory_space<vmem>>) target(%dma_start3A_64 : memref<640xi32, #tpu.memory_space<vmem_shared>>) target_semaphore(%run_scoped3A : memref<!tpu.dma_semaphore, #tpu.memory_space<semaphore_mem>>)
      %dma_wait3A_65 = tpu.memref_slice %arg18[%mul3A_0] : memref<10240xi32, #tpu.memory_space<vmem_shared>> -> memref<640xi32, #tpu.memory_space<vmem_shared>>
      %dma_wait3A_66 = tpu.memref_slice %arg18[%mul3A_0] : memref<10240xi32, #tpu.memory_space<vmem_shared>> -> memref<640xi32, #tpu.memory_space<vmem_shared>>
      tpu.wait_dma2 semaphore(%run_scoped3A : memref<!tpu.dma_semaphore, #tpu.memory_space<semaphore_mem>>) src(%arg15 : memref<640xi32, #tpu.memory_space<vmem>>) dst(%dma_wait3A_66 : memref<640xi32, #tpu.memory_space<vmem_shared>>)
      tpu.yield
    }) : () -> ()
    %mul3A_40 = arith.constant 320 : i32
    %mul3A_41 = arith.muli %arg0, %mul3A_40 : i32
    %mul3A_42 = arith.constant 320 : i32
    %mul3A_43 = arith.muli %arg0, %mul3A_42 : i32
    %add3A = arith.addi %mul3A_0, %mul3A_43 : i32
    %dma_start3A_44 = tpu.memref_slice %arg15[%mul3A_41] : memref<640xi32, #tpu.memory_space<vmem>> -> memref<320xi32, #tpu.memory_space<vmem>>
    %dma_start3A_45 = tpu.memref_slice %arg6[%add3A] : memref<10240xi32, #tpu.memory_space<hbm>> -> memref<320xi32, #tpu.memory_space<hbm>>
    %dma_start3A_46 = tpu.memref_slice %arg6[%add3A] : memref<10240xi32, #tpu.memory_space<hbm>> -> memref<320xi32, #tpu.memory_space<hbm>>
    %dma_start3A_47 = tpu.memref_slice %arg15[%mul3A_41] : memref<640xi32, #tpu.memory_space<vmem>> -> memref<320xi32, #tpu.memory_space<vmem>>
    tpu.enqueue_dma source(%dma_start3A_47 : memref<320xi32, #tpu.memory_space<vmem>>) target(%dma_start3A_46 : memref<320xi32, #tpu.memory_space<hbm>>) target_semaphore(%arg20 : memref<!tpu.dma_semaphore, #tpu.memory_space<semaphore_mem>>)
    %barrier3A_48 = arith.constant 0 : index
    tpu.barrier barrier_id(%barrier3A_48)
    "tpu.region"() ({
      %run_scoped3A = tpu.sem_alloc : memref<!tpu.dma_semaphore, #tpu.memory_space<semaphore_mem>>
      tpu.enqueue_dma source(%arg18 : memref<10240xi32, #tpu.memory_space<vmem_shared>>) target(%arg14 : memref<10240xi32, #tpu.memory_space<vmem>>) target_semaphore(%run_scoped3A : memref<!tpu.dma_semaphore, #tpu.memory_space<semaphore_mem>>)
      tpu.wait_dma2 semaphore(%run_scoped3A : memref<!tpu.dma_semaphore, #tpu.memory_space<semaphore_mem>>) src(%arg18 : memref<10240xi32, #tpu.memory_space<vmem_shared>>) dst(%arg14 : memref<10240xi32, #tpu.memory_space<vmem>>)
      tpu.yield
    }) : () -> ()
    %parallel_loop3A_49 = arith.constant 0 : i32
    %parallel_loop3A_50 = arith.constant 625 : i32
    %parallel_loop3A_51 = arith.constant 1 : i32
    scf.for %parallel_loop3A_63 = %parallel_loop3A_49 to %parallel_loop3A_50 step %parallel_loop3A_51  : i32 {
      %parallel_loop3A_64 = arith.constant 16 : i32
      %parallel_loop3A_65 = arith.muli %parallel_loop3A_63, %parallel_loop3A_64 : i32
      %parallel_loop3A_66 = arith.index_cast %parallel_loop3A_65 : i32 to index
      %parallel_loop3A_67 = tpu.vector_load %arg10[%parallel_loop3A_66] {strides = array<i32>} : memref<10000xi32, #tpu.memory_space<vmem>>, vector<16xi32>,
      %parallel_loop3A_68 = arith.index_cast %parallel_loop3A_65 : i32 to index
      %parallel_loop3A_69 = tpu.vector_load %arg9[%parallel_loop3A_68] {strides = array<i32>} : memref<10000xi32, #tpu.memory_space<vmem>>, vector<16xi32>,
      %parallel_loop3A_70 = tpu.vector_load_idx %arg14[%parallel_loop3A_69] : memref<10240xi32, #tpu.memory_space<vmem>>[vector<16xi32>], vector<16xi32>,
      %parallel_loop3A_71 = arith.constant 2147483647 : i32
      %parallel_loop3A_72 = vector.broadcast %parallel_loop3A_71 : i32 to vector<16xi32>
      %parallel_loop3A_73 = arith.cmpi ne, %parallel_loop3A_67, %parallel_loop3A_72 : vector<16xi32>
      %parallel_loop3A_74 = arith.cmpi eq, %parallel_loop3A_67, %parallel_loop3A_70 : vector<16xi32>
      %parallel_loop3A_75 = arith.andi %parallel_loop3A_73, %parallel_loop3A_74 : vector<16xi1>
      %parallel_loop3A_76 = arith.index_cast %parallel_loop3A_65 : i32 to index
      %parallel_loop3A_77 = tpu.vector_load %arg8[%parallel_loop3A_76] {strides = array<i32>} : memref<10000xi32, #tpu.memory_space<vmem>>, vector<16xi32>,
      %parallel_loop3A_78 = arith.constant 1 : i32
      %parallel_loop3A_79 = vector.broadcast %parallel_loop3A_78 : i32 to vector<16xi32>
      %parallel_loop3A_80 = arith.addi %parallel_loop3A_77, %parallel_loop3A_79 : vector<16xi32>
      %parallel_loop3A_81 = arith.constant 0 : i32
      %parallel_loop3A_82 = vector.broadcast %parallel_loop3A_81 : i32 to vector<16xi32>
      %parallel_loop3A_83 = arith.select %parallel_loop3A_75, %parallel_loop3A_80, %parallel_loop3A_82 : vector<16xi1>, vector<16xi32>
      %parallel_loop3A_84 = arith.index_cast %parallel_loop3A_65 : i32 to index
      %parallel_loop3A_85 = tpu.vector_load %arg11[%parallel_loop3A_84] {strides = array<i32>} : memref<10000xi32, #tpu.memory_space<vmem>>, vector<16xi32>,
      tpu.vector_store %arg11[%parallel_loop3A_84], %parallel_loop3A_83 {strides = array<i32>} : memref<10000xi32, #tpu.memory_space<vmem>>, vector<16xi32>,
    } {sc.loop_unroll_factor = 2 : i64, sc.parallel_access}
    %dma_wait3A_52 = tpu.memref_slice %arg15[%mul3A_41] : memref<640xi32, #tpu.memory_space<vmem>> -> memref<320xi32, #tpu.memory_space<vmem>>
    %dma_wait3A_53 = tpu.memref_slice %arg6[%add3A] : memref<10240xi32, #tpu.memory_space<hbm>> -> memref<320xi32, #tpu.memory_space<hbm>>
    %dma_wait3A_54 = tpu.memref_slice %arg6[%add3A] : memref<10240xi32, #tpu.memory_space<hbm>> -> memref<320xi32, #tpu.memory_space<hbm>>
    %dma_wait3A_55 = tpu.memref_slice %arg15[%mul3A_41] : memref<640xi32, #tpu.memory_space<vmem>> -> memref<320xi32, #tpu.memory_space<vmem>>
    tpu.wait_dma2 semaphore(%arg20 : memref<!tpu.dma_semaphore, #tpu.memory_space<semaphore_mem>>) src(%dma_wait3A_55 : memref<320xi32, #tpu.memory_space<vmem>>) dst(%dma_wait3A_54 : memref<320xi32, #tpu.memory_space<hbm>>)
    "tpu.region"() ({
      %run_scoped3A = tpu.sem_alloc : memref<!tpu.dma_semaphore, #tpu.memory_space<semaphore_mem>>
      %dma_start3A_63 = arith.constant 0 : i32
      %dma_start3A_64 = tpu.memref_slice %arg19[%dma_start3A_63] : memref<10240xi32, #tpu.memory_space<vmem_shared>> -> memref<10240xi32, #tpu.memory_space<vmem_shared>>
      tpu.enqueue_indirect_dma source(%arg11 : memref<10000xi32, #tpu.memory_space<vmem>>) target(%dma_start3A_64 : memref<10240xi32, #tpu.memory_space<vmem_shared>>) offsets(%arg9 : memref<10000xi32, #tpu.memory_space<vmem>>) semaphore(%run_scoped3A : memref<!tpu.dma_semaphore, #tpu.memory_space<semaphore_mem>>) {add = true}
      %dma_wait3A_65 = arith.constant 0 : i32
      %dma_wait3A_66 = tpu.memref_slice %arg19[%dma_wait3A_65] : memref<10240xi32, #tpu.memory_space<vmem_shared>> -> memref<10240xi32, #tpu.memory_space<vmem_shared>>
      tpu.wait_indirect_dma semaphore(%run_scoped3A : memref<!tpu.dma_semaphore, #tpu.memory_space<semaphore_mem>>) src(%arg11 : memref<10000xi32, #tpu.memory_space<vmem>>) dst(%dma_wait3A_66 : memref<10240xi32, #tpu.memory_space<vmem_shared>>)
      tpu.yield
    }) : () -> ()
    %barrier3A_56 = arith.constant 0 : index
    tpu.barrier barrier_id(%barrier3A_56)
    %mul3A_57 = arith.constant 320 : i32
    %mul3A_58 = arith.muli %arg0, %mul3A_57 : i32
    %add3A_59 = arith.addi %mul3A_0, %mul3A_58 : i32
    "tpu.region"() ({
      %run_scoped3A = tpu.sem_alloc : memref<!tpu.dma_semaphore, #tpu.memory_space<semaphore_mem>>
      %dma_start3A_63 = arith.constant 0 : i32
      %dma_start3A_64 = tpu.memref_slice %arg15[%dma_start3A_63] : memref<640xi32, #tpu.memory_space<vmem>> -> memref<320xi32, #tpu.memory_space<vmem>>
      %dma_start3A_65 = tpu.memref_slice %arg19[%add3A_59] : memref<10240xi32, #tpu.memory_space<vmem_shared>> -> memref<320xi32, #tpu.memory_space<vmem_shared>>
      %dma_start3A_66 = arith.constant 0 : i32
      %dma_start3A_67 = tpu.memref_slice %arg15[%dma_start3A_66] : memref<640xi32, #tpu.memory_space<vmem>> -> memref<320xi32, #tpu.memory_space<vmem>>
      %dma_start3A_68 = tpu.memref_slice %arg19[%add3A_59] : memref<10240xi32, #tpu.memory_space<vmem_shared>> -> memref<320xi32, #tpu.memory_space<vmem_shared>>
      tpu.enqueue_dma source(%dma_start3A_68 : memref<320xi32, #tpu.memory_space<vmem_shared>>) target(%dma_start3A_67 : memref<320xi32, #tpu.memory_space<vmem>>) target_semaphore(%run_scoped3A : memref<!tpu.dma_semaphore, #tpu.memory_space<semaphore_mem>>)
      %dma_wait3A_69 = arith.constant 0 : i32
      %dma_wait3A_70 = tpu.memref_slice %arg15[%dma_wait3A_69] : memref<640xi32, #tpu.memory_space<vmem>> -> memref<320xi32, #tpu.memory_space<vmem>>
      %dma_wait3A_71 = tpu.memref_slice %arg19[%add3A_59] : memref<10240xi32, #tpu.memory_space<vmem_shared>> -> memref<320xi32, #tpu.memory_space<vmem_shared>>
      %dma_wait3A_72 = arith.constant 0 : i32
      %dma_wait3A_73 = tpu.memref_slice %arg15[%dma_wait3A_72] : memref<640xi32, #tpu.memory_space<vmem>> -> memref<320xi32, #tpu.memory_space<vmem>>
      %dma_wait3A_74 = tpu.memref_slice %arg19[%add3A_59] : memref<10240xi32, #tpu.memory_space<vmem_shared>> -> memref<320xi32, #tpu.memory_space<vmem_shared>>
      tpu.wait_dma2 semaphore(%run_scoped3A : memref<!tpu.dma_semaphore, #tpu.memory_space<semaphore_mem>>) src(%dma_wait3A_74 : memref<320xi32, #tpu.memory_space<vmem_shared>>) dst(%dma_wait3A_73 : memref<320xi32, #tpu.memory_space<vmem>>)
      tpu.yield
    }) : () -> ()
    %mul3A_60 = arith.constant 320 : i32
    %mul3A_61 = arith.muli %arg0, %mul3A_60 : i32
    %add3A_62 = arith.addi %mul3A_0, %mul3A_61 : i32
    "tpu.region"() ({
      %run_scoped3A = tpu.sem_alloc : memref<!tpu.dma_semaphore, #tpu.memory_space<semaphore_mem>>
      %dma_start3A_63 = arith.constant 0 : i32
      %dma_start3A_64 = tpu.memref_slice %arg15[%dma_start3A_63] : memref<640xi32, #tpu.memory_space<vmem>> -> memref<320xi32, #tpu.memory_space<vmem>>
      %dma_start3A_65 = tpu.memref_slice %arg7[%add3A_62] : memref<10240xi32, #tpu.memory_space<hbm>> -> memref<320xi32, #tpu.memory_space<hbm>>
      %dma_start3A_66 = tpu.memref_slice %arg7[%add3A_62] : memref<10240xi32, #tpu.memory_space<hbm>> -> memref<320xi32, #tpu.memory_space<hbm>>
      %dma_start3A_67 = arith.constant 0 : i32
      %dma_start3A_68 = tpu.memref_slice %arg15[%dma_start3A_67] : memref<640xi32, #tpu.memory_space<vmem>> -> memref<320xi32, #tpu.memory_space<vmem>>
      tpu.enqueue_dma source(%dma_start3A_68 : memref<320xi32, #tpu.memory_space<vmem>>) target(%dma_start3A_66 : memref<320xi32, #tpu.memory_space<hbm>>) target_semaphore(%run_scoped3A : memref<!tpu.dma_semaphore, #tpu.memory_space<semaphore_mem>>)
      %dma_wait3A_69 = arith.constant 0 : i32
      %dma_wait3A_70 = tpu.memref_slice %arg15[%dma_wait3A_69] : memref<640xi32, #tpu.memory_space<vmem>> -> memref<320xi32, #tpu.memory_space<vmem>>
      %dma_wait3A_71 = tpu.memref_slice %arg7[%add3A_62] : memref<10240xi32, #tpu.memory_space<hbm>> -> memref<320xi32, #tpu.memory_space<hbm>>
      %dma_wait3A_72 = tpu.memref_slice %arg7[%add3A_62] : memref<10240xi32, #tpu.memory_space<hbm>> -> memref<320xi32, #tpu.memory_space<hbm>>
      %dma_wait3A_73 = arith.constant 0 : i32
      %dma_wait3A_74 = tpu.memref_slice %arg15[%dma_wait3A_73] : memref<640xi32, #tpu.memory_space<vmem>> -> memref<320xi32, #tpu.memory_space<vmem>>
      tpu.wait_dma2 semaphore(%run_scoped3A : memref<!tpu.dma_semaphore, #tpu.memory_space<semaphore_mem>>) src(%dma_wait3A_74 : memref<320xi32, #tpu.memory_space<vmem>>) dst(%dma_wait3A_72 : memref<320xi32, #tpu.memory_space<hbm>>)
      tpu.yield
    }) : () -> ()
    return
  }
}

module attributes {stable_mosaic.version = 14 : i64} {
  func.func @_readout_body(%arg0: i32, %arg1: memref<1000x19xf32, #tpu.memory_space<vmem>>, %arg2: memref<1000x256xf32, #tpu.memory_space<vmem>>, %arg3: memref<19x64xf32, #tpu.memory_space<vmem>>, %arg4: memref<1x64xf32, #tpu.memory_space<vmem>>, %arg5: memref<64x1xf32, #tpu.memory_space<vmem>>, %arg6: memref<1x1xf32, #tpu.memory_space<smem>>, %arg7: memref<1x256xf32, #tpu.memory_space<vmem>>, %arg8: memref<1x1xf32, #tpu.memory_space<smem>>, %arg9: memref<1x1xf32, #tpu.memory_space<smem>>, %arg10: memref<1x256xf32, #tpu.memory_space<vmem>>) attributes {dimension_semantics = [#tpu.dimension_semantics<arbitrary>], iteration_bounds = array<i64: 10>, scalar_prefetch = 0 : i64, scratch_operands = 3 : i64, tpu.core_type = #tpu.core_type<tc>, window_params = [{transform_indices = @transform_0, window_bounds = array<i64: 1000, 19>}, {transform_indices = @transform_1, window_bounds = array<i64: 1000, 256>}, {pipeline_mode = #tpu.pipeline_mode<synchronous>, transform_indices = @transform_2, window_bounds = array<i64: 19, 64>}, {pipeline_mode = #tpu.pipeline_mode<synchronous>, transform_indices = @transform_3, window_bounds = array<i64: 1, 64>}, {pipeline_mode = #tpu.pipeline_mode<synchronous>, transform_indices = @transform_4, window_bounds = array<i64: 64, 1>}, {transform_indices = @transform_5, window_bounds = array<i64: 1, 1>}, {pipeline_mode = #tpu.pipeline_mode<synchronous>, transform_indices = @transform_6, window_bounds = array<i64: 1, 256>}]} {
    %eq3A = arith.constant 0 : i32
    %eq3A_0 = arith.cmpi eq, %arg0, %eq3A : i32
    %convert_element_type3A = arith.extui %eq3A_0 : i1 to i32
    %cond3A = arith.constant 0 : i32
    %cond3A_1 = arith.cmpi ne, %convert_element_type3A, %cond3A : i32
    scf.if %cond3A_1 {
      %swap3A_67 = arith.constant 0xFF800000 : f32
      %swap3A_68 = arith.constant 0 : index
      %swap3A_69 = arith.constant 0 : index
      %swap3A_70 = memref.load %arg8[%swap3A_68, %swap3A_69] : memref<1x1xf32, #tpu.memory_space<smem>>
      memref.store %swap3A_67, %arg8[%swap3A_68, %swap3A_69] : memref<1x1xf32, #tpu.memory_space<smem>>
      %swap3A_71 = arith.constant 0.000000e+00 : f32
      %swap3A_72 = arith.constant 0 : index
      %swap3A_73 = arith.constant 0 : index
      %swap3A_74 = memref.load %arg9[%swap3A_72, %swap3A_73] : memref<1x1xf32, #tpu.memory_space<smem>>
      memref.store %swap3A_71, %arg9[%swap3A_72, %swap3A_73] : memref<1x1xf32, #tpu.memory_space<smem>>
      %broadcast_in_dim3A_75 = arith.constant 0.000000e+00 : f32
      %broadcast_in_dim3A_76 = vector.broadcast %broadcast_in_dim3A_75 : f32 to vector<1x256xf32>
      %swap3A_77 = arith.constant 0 : index
      %swap3A_78 = arith.constant 0 : index
      %swap3A_79 = vector.load %arg10[%swap3A_77, %swap3A_78] : memref<1x256xf32, #tpu.memory_space<vmem>>, vector<1x256xf32>
      tpu.vector_store %arg10[%swap3A_77, %swap3A_78], %broadcast_in_dim3A_76 {strides = array<i32>} : memref<1x256xf32, #tpu.memory_space<vmem>>, vector<1x256xf32>,
    } else {
    }
    %get3A = arith.constant 0 : index
    %get3A_2 = arith.constant 0 : index
    %get3A_3 = vector.load %arg1[%get3A, %get3A_2] : memref<1000x19xf32, #tpu.memory_space<vmem>>, vector<1000x19xf32>
    %get3A_4 = arith.constant 0 : index
    %get3A_5 = arith.constant 0 : index
    %get3A_6 = vector.load %arg3[%get3A_4, %get3A_5] : memref<19x64xf32, #tpu.memory_space<vmem>>, vector<19x64xf32>
    %dot_general3A = arith.constant dense<0.000000e+00> : vector<1000x64xf32>
    %dot_general3A_7 = tpu.matmul %get3A_3, %get3A_6, %dot_general3A {dimension_numbers = #tpu.dot_dimension_numbers<[1], [0], [0], [1], [0, 0, 1, 1], [], []>, transpose_lhs_hint = false} : vector<1000x19xf32>, vector<19x64xf32>, vector<1000x64xf32> -> vector<1000x64xf32>
    %get3A_8 = arith.constant 0 : index
    %get3A_9 = arith.constant 0 : index
    %get3A_10 = vector.load %arg4[%get3A_8, %get3A_9] : memref<1x64xf32, #tpu.memory_space<vmem>>, vector<1x64xf32>
    %add3A = vector.broadcast %get3A_10 : vector<1x64xf32> to vector<1000x64xf32>
    %add3A_11 = arith.addf %dot_general3A_7, %add3A : vector<1000x64xf32>
    %max3A = arith.constant 0.000000e+00 : f32
    %max3A_12 = vector.broadcast %max3A : f32 to vector<1000x64xf32>
    %max3A_13 = arith.maximumf %add3A_11, %max3A_12 : vector<1000x64xf32>
    %get3A_14 = arith.constant 0 : index
    %get3A_15 = arith.constant 0 : index
    %get3A_16 = vector.load %arg5[%get3A_14, %get3A_15] : memref<64x1xf32, #tpu.memory_space<vmem>>, vector<64x1xf32>
    %dot_general3A_17 = arith.constant dense<0.000000e+00> : vector<1000x1xf32>
    %dot_general3A_18 = tpu.matmul %max3A_13, %get3A_16, %dot_general3A_17 {dimension_numbers = #tpu.dot_dimension_numbers<[1], [0], [0], [1], [0, 0, 1, 1], [], []>, transpose_lhs_hint = false} : vector<1000x64xf32>, vector<64x1xf32>, vector<1000x1xf32> -> vector<1000x1xf32>
    %get3A_19 = arith.constant 0 : index
    %get3A_20 = arith.constant 0 : index
    %get3A_21 = memref.load %arg6[%get3A_19, %get3A_20] : memref<1x1xf32, #tpu.memory_space<smem>>
    %add3A_22 = vector.broadcast %get3A_21 : f32 to vector<1000x1xf32>
    %add3A_23 = arith.addf %dot_general3A_18, %add3A_22 : vector<1000x1xf32>
    %squeeze3A = vector.shape_cast %add3A_23 : vector<1000x1xf32> to vector<1000xf32>
    %get3A_24 = arith.constant 0 : index
    %get3A_25 = arith.constant 0 : index
    %get3A_26 = memref.load %arg8[%get3A_24, %get3A_25] : memref<1x1xf32, #tpu.memory_space<smem>>
    %reduce_max3A = vector.shape_cast %squeeze3A : vector<1000xf32> to vector<1x1000xf32>
    %reduce_max3A_27 = arith.constant dense<0xFF800000> : vector<1xf32>
    %reduce_max3A_28 = vector.multi_reduction <maximumf>, %reduce_max3A, %reduce_max3A_27 [1] : vector<1x1000xf32> to vector<1xf32>
    %reduce_max3A_29 = vector.shape_cast %reduce_max3A_28 : vector<1xf32> to vector<1x1xf32>
    %reduce_max3A_30 = vector.extract %reduce_max3A_29[0, 0] : f32 from vector<1x1xf32>
    %max3A_31 = arith.maximumf %get3A_26, %reduce_max3A_30 : f32
    %sub3A = arith.subf %get3A_26, %max3A_31 : f32
    %exp3A = math.exp %sub3A : f32
    %sub3A_32 = vector.broadcast %max3A_31 : f32 to vector<1000xf32>
    %sub3A_33 = arith.subf %squeeze3A, %sub3A_32 : vector<1000xf32>
    %exp3A_34 = math.exp %sub3A_33 : vector<1000xf32>
    %get3A_35 = arith.constant 0 : index
    %get3A_36 = arith.constant 0 : index
    %get3A_37 = memref.load %arg9[%get3A_35, %get3A_36] : memref<1x1xf32, #tpu.memory_space<smem>>
    %mul3A = arith.mulf %get3A_37, %exp3A : f32
    %reduce_sum3A = vector.shape_cast %exp3A_34 : vector<1000xf32> to vector<1x1000xf32>
    %reduce_sum3A_38 = arith.constant dense<0.000000e+00> : vector<1xf32>
    %reduce_sum3A_39 = vector.multi_reduction <add>, %reduce_sum3A, %reduce_sum3A_38 [1] : vector<1x1000xf32> to vector<1xf32>
    %reduce_sum3A_40 = vector.shape_cast %reduce_sum3A_39 : vector<1xf32> to vector<1x1xf32>
    %reduce_sum3A_41 = vector.extract %reduce_sum3A_40[0, 0] : f32 from vector<1x1xf32>
    %add3A_42 = arith.addf %mul3A, %reduce_sum3A_41 : f32
    %swap3A = arith.constant 0 : index
    %swap3A_43 = arith.constant 0 : index
    %swap3A_44 = memref.load %arg9[%swap3A, %swap3A_43] : memref<1x1xf32, #tpu.memory_space<smem>>
    memref.store %add3A_42, %arg9[%swap3A, %swap3A_43] : memref<1x1xf32, #tpu.memory_space<smem>>
    %get3A_45 = arith.constant 0 : index
    %get3A_46 = arith.constant 0 : index
    %get3A_47 = vector.load %arg10[%get3A_45, %get3A_46] : memref<1x256xf32, #tpu.memory_space<vmem>>, vector<1x256xf32>
    %mul3A_48 = vector.broadcast %exp3A : f32 to vector<1x256xf32>
    %mul3A_49 = arith.mulf %get3A_47, %mul3A_48 : vector<1x256xf32>
    %broadcast_in_dim3A = vector.shape_cast %exp3A_34 : vector<1000xf32> to vector<1x1000xf32>
    %get3A_50 = arith.constant 0 : index
    %get3A_51 = arith.constant 0 : index
    %get3A_52 = vector.load %arg2[%get3A_50, %get3A_51] : memref<1000x256xf32, #tpu.memory_space<vmem>>, vector<1000x256xf32>
    %dot_general3A_53 = arith.constant dense<0.000000e+00> : vector<1x256xf32>
    %dot_general3A_54 = tpu.matmul %broadcast_in_dim3A, %get3A_52, %dot_general3A_53 {dimension_numbers = #tpu.dot_dimension_numbers<[1], [0], [0], [1], [0, 0, 1, 1], [], []>, transpose_lhs_hint = false} : vector<1x1000xf32>, vector<1000x256xf32>, vector<1x256xf32> -> vector<1x256xf32>
    %add3A_55 = arith.addf %mul3A_49, %dot_general3A_54 : vector<1x256xf32>
    %swap3A_56 = arith.constant 0 : index
    %swap3A_57 = arith.constant 0 : index
    %swap3A_58 = vector.load %arg10[%swap3A_56, %swap3A_57] : memref<1x256xf32, #tpu.memory_space<vmem>>, vector<1x256xf32>
    tpu.vector_store %arg10[%swap3A_56, %swap3A_57], %add3A_55 {strides = array<i32>} : memref<1x256xf32, #tpu.memory_space<vmem>>, vector<1x256xf32>,
    %swap3A_59 = arith.constant 0 : index
    %swap3A_60 = arith.constant 0 : index
    %swap3A_61 = memref.load %arg8[%swap3A_59, %swap3A_60] : memref<1x1xf32, #tpu.memory_space<smem>>
    memref.store %max3A_31, %arg8[%swap3A_59, %swap3A_60] : memref<1x1xf32, #tpu.memory_space<smem>>
    %eq3A_62 = arith.constant 9 : i32
    %eq3A_63 = arith.cmpi eq, %arg0, %eq3A_62 : i32
    %convert_element_type3A_64 = arith.extui %eq3A_63 : i1 to i32
    %cond3A_65 = arith.constant 0 : i32
    %cond3A_66 = arith.cmpi ne, %convert_element_type3A_64, %cond3A_65 : i32
    scf.if %cond3A_66 {
      %get3A_67 = arith.constant 0 : index
      %get3A_68 = arith.constant 0 : index
      %get3A_69 = vector.load %arg10[%get3A_67, %get3A_68] : memref<1x256xf32, #tpu.memory_space<vmem>>, vector<1x256xf32>
      %get3A_70 = arith.constant 0 : index
      %get3A_71 = arith.constant 0 : index
      %get3A_72 = memref.load %arg9[%get3A_70, %get3A_71] : memref<1x1xf32, #tpu.memory_space<smem>>
      %div3A = vector.broadcast %get3A_72 : f32 to vector<1x256xf32>
      %div3A_73 = arith.divf %get3A_69, %div3A : vector<1x256xf32>
      %swap3A_74 = arith.constant 0 : index
      %swap3A_75 = arith.constant 0 : index
      %swap3A_76 = vector.load %arg7[%swap3A_74, %swap3A_75] : memref<1x256xf32, #tpu.memory_space<vmem>>, vector<1x256xf32>
      tpu.vector_store %arg7[%swap3A_74, %swap3A_75], %div3A_73 {strides = array<i32>} : memref<1x256xf32, #tpu.memory_space<vmem>>, vector<1x256xf32>,
    } else {
    }
    return
  }
  func.func @transform_0(%arg0: i32) -> (i32, i32) {
    %c0_i32 = arith.constant 0 : i32
    %c0_i32_0 = arith.constant 0 : i32
    return %arg0, %c0_i32 : i32, i32
  }
  func.func @transform_1(%arg0: i32) -> (i32, i32) {
    %c0_i32 = arith.constant 0 : i32
    %c0_i32_0 = arith.constant 0 : i32
    return %arg0, %c0_i32 : i32, i32
  }
  func.func @transform_2(%arg0: i32) -> (i32, i32) {
    %c0_i32 = arith.constant 0 : i32
    %c0_i32_0 = arith.constant 0 : i32
    %c0_i32_1 = arith.constant 0 : i32
    return %c0_i32, %c0_i32_0 : i32, i32
  }
  func.func @transform_3(%arg0: i32) -> (i32, i32) {
    %c0_i32 = arith.constant 0 : i32
    %c0_i32_0 = arith.constant 0 : i32
    %c0_i32_1 = arith.constant 0 : i32
    return %c0_i32, %c0_i32_0 : i32, i32
  }
  func.func @transform_4(%arg0: i32) -> (i32, i32) {
    %c0_i32 = arith.constant 0 : i32
    %c0_i32_0 = arith.constant 0 : i32
    %c0_i32_1 = arith.constant 0 : i32
    return %c0_i32, %c0_i32_0 : i32, i32
  }
  func.func @transform_5(%arg0: i32) -> (i32, i32) {
    %c0_i32 = arith.constant 0 : i32
    %c0_i32_0 = arith.constant 0 : i32
    %c0_i32_1 = arith.constant 0 : i32
    return %c0_i32, %c0_i32_0 : i32, i32
  }
  func.func @transform_6(%arg0: i32) -> (i32, i32) {
    %c0_i32 = arith.constant 0 : i32
    %c0_i32_0 = arith.constant 0 : i32
    %c0_i32_1 = arith.constant 0 : i32
    return %c0_i32, %c0_i32_0 : i32, i32
  }
}

</mosaic_0001>

<sc_bundles>
// kernel: body.11.cloned.1.call-start
scs
__scs_entry_jumppad:
0x0: {  	(pc) =	sbr.rel $0x88, $3  }
0x1: {  	(tag) =	ssettag $0x0;
	lr =	simm.s32 $0x1  }
0x2: {  	[smem:$0x3F9A] =	sst lr;
	_ =	strace $0xD0000000  }
0x3: {  	_ = 	snop  }
0x4: {  	_ = 	snop  }
0x5: {  	_ = 	snop  }
0x6: {  	_ = 	snop  }
0x7: {  	_ = 	snop  }
__scs_overlays_trampoline_lowered:
0x8: {  	[smem:$0x3FA9] =	sst s0  }
0x9: {  	[smem:$0x3FAA] =	sst s1  }
0xa: {  	[smem:$0x3FAB] =	sst s2  }
0xb: {  	[smem:$0x3FAC] =	sst s3  }
0xc: {  	[smem:$0x3FAD] =	sst s4  }
0xd: {  	[smem:$0x3FAE] =	sst s5  }
0xe: {  	[smem:$0x3FAF] =	sst s6  }
0xf: {  	[smem:$0x3FB0] =	sst s7  }
0x10: {  	[smem:$0x3FB1] =	sst s8  }
0x11: {  	[smem:$0x3FB2] =	sst s9;
	s0 =	simm.s32 @!p0 $0x0  }
0x12: {  	s1 =	sld [smem:$0x3F98];
	s0 =	simm.s32 @p0 $0x1  }
0x13: {  	[smem:$0x3FB3] =	sst s0;
	s0 =	simm.s32 @!p1 $0x0  }
0x14: {  	s2 =	sld [smem:$0x3F97];
	s0 =	simm.s32 @p1 $0x1  }
0x15: {  	[smem:$0x3FB4] =	sst s0;
	s0 =	simm.s32 @!p2 $0x0  }
0x16: {  	s3 =	sld [smem:$0x3FDB];
	s0 =	simm.s32 @p2 $0x1  }
0x17: {  	s4 =	simm.s32 $0x1BF5;
	[smem:$0x3FB6] =	sst s0  }
0x18: {  	s0 =	sld [smem:$0x3F99];
	_ =	swait.ge [sflag:s4], $0x0  }
0x19: {  	s7 =	sld [smem:$0x3F9A]  }
0x1a: {  	s8 =	sadd.s32 $0xFFFFE003, lr  }
0x1b: {  	s9 =	sadd.s32 $0xFFFFFEF7, lr;
	s5 =	simm.s32 $0xFFFFFFFF;
	p2 =	slt.u32 s8, $0xFFFFF086  }
0x1c: {  	p1 =	slt.u32 s9, $0xF7A;
	s5 =	simm.s32 @!p2 $0x0  }
0x1d: {  	s5 =	simm.s32 @p1 $0x1;
	p0 =	seq.s32 s7, s2  }
0x1e: {  	s7 =	smul.u32 @!p0 $0xF7A, s2;
	p2 =	seq.s32 @!p0 s5, $0x0  }
0x1f: {  	s9 =	smul.u32 $0xF7A, s1;
	s8 =	simm.s32 @!p0 $0x1BF5;
	p2 =	por !p2, p0  }
0x20: {  	[sflag:s8] =	ssyncset.s32 @!p0 $0xFFFFF086;
	s6 =	sadd.s32 @!p0 s3, s7;
	s7 =	simm.s32 @!p0 $0x108  }
0x21: {  	s3 =	sadd.s32 s3, s9;
	s6 =	sadd.s32 @!p0 $0x88, s6;
	s7 =	simm.s32 @p2 $0x1082  }
0x22: {  	[simem:s7], [sflag:s8] =	dma.local @!p0 [hbm:s6], $0xF7A  }
0x23: {  	s9 =	sor.u32 $0xD0000000, s2;
	s6 =	simm.s32 $0x108;
	_ =	swait.ge @!p0 [sflag:s8], $0x0  }
0x24: {  	s3 =	sadd.s32 $0x88, s3;
	s6 =	simm.s32 @!p1 $0x1082;
	[sflag:s4] =	ssyncset.s32 $0xFFFFF086  }
0x25: {  	[simem:s6], [sflag:s4] =	dma.local [hbm:s3], $0xF7A  }
0x26: {  	[smem:$0x3F9A] =	sst s1;
	(tag) =	ssettag s2;
	_ =	strace s9  }
0x27: {  	s1 =	sld [smem:$0x3FAA]  }
0x28: {  	s2 =	sld [smem:$0x3FAB]  }
0x29: {  	s4 =	sld [smem:$0x3FAD]  }
0x2a: {  	p0 =	seq.s32 s5, $0x0;
	s5 =	sld [smem:$0x3FAE]  }
0x2b: {  	s6 =	sld [smem:$0x3FAF]  }
0x2c: {  	s7 =	sld [smem:$0x3FB0]  }
0x2d: {  	s3 =	simm.s32 $0x108;
	s8 =	sld [smem:$0x3FB1]  }
0x2e: {  	s3 =	simm.s32 @!p0 $0x1082;
	s9 =	sld [smem:$0x3FB2]  }
0x2f: {  	lr =	sadd.s32 s0, s3;
	s0 =	sld [smem:$0x3FA9]  }
0x30: {  	s3 =	sld [smem:$0x3FAC]  }
0x31: {  	[smem:$0x3FB5] =	sst s10  }
0x32: {  	s10 =	sld [smem:$0x3FB3];
	_ =	sdelay $0x3  }
0x33: {  	p0 =	seq.s32 s10, $0x1;
	s10 =	sld [smem:$0x3FB5];
	_ =	sdelay $0x3  }
0x34: {  	[smem:$0x3FB5] =	sst s10  }
0x35: {  	s10 =	sld [smem:$0x3FB4];
	_ =	sdelay $0x3  }
0x36: {  	p1 =	seq.s32 s10, $0x1;
	s10 =	sld [smem:$0x3FB5];
	_ =	sdelay $0x3  }
0x37: {  	[smem:$0x3FB5] =	sst s10  }
0x38: {  	s10 =	sld [smem:$0x3FB6]  }
0x39: {  	_ = 	snop;
	(pc) =	sbr.ind lr, $3  }
0x3a: {  	_ = 	snop  }
0x3b: {  	_ = 	snop  }
0x3c: {  	p2 =	seq.s32 s10, $0x1;
	s10 =	sld [smem:$0x3FB5]  }
0x3d: {  	_ =	shalt  }
0x3e: {  	_ =	shalt  }
0x3f: {  	_ =	shalt  }
0x40: {  	_ =	shalt  }
0x41: {  	_ =	shalt  }
0x42: {  	_ =	shalt  }
0x43: {  	_ =	shalt  }
0x44: {  	_ =	shalt  }
0x45: {  	_ =	shalt  }
0x46: {  	_ =	shalt  }
0x47: {  	_ =	shalt  }
0x48: {  	_ =	shalt  }
0x49: {  	_ =	shalt  }
0x4a: {  	_ =	shalt  }
0x4b: {  	_ =	shalt  }
0x4c: {  	_ =	shalt  }
0x4d: {  	_ =	shalt  }
0x4e: {  	_ =	shalt  }
0x4f: {  	_ =	shalt  }
0x50: {  	_ =	shalt  }
0x51: {  	_ =	shalt  }
0x52: {  	_ =	shalt  }
0x53: {  	_ =	shalt  }
0x54: {  	_ =	shalt  }
0x55: {  	_ =	shalt  }
0x56: {  	_ =	shalt  }
0x57: {  	_ =	shalt  }
0x58: {  	_ =	shalt  }
0x59: {  	_ =	shalt  }
0x5a: {  	_ =	shalt  }
0x5b: {  	_ =	shalt  }
0x5c: {  	_ =	shalt  }
0x5d: {  	_ =	shalt  }
0x5e: {  	_ =	shalt  }
0x5f: {  	_ =	shalt  }
0x60: {  	_ =	shalt  }
0x61: {  	_ =	shalt  }
0x62: {  	_ =	shalt  }
0x63: {  	_ =	shalt  }
0x64: {  	_ =	shalt  }
0x65: {  	_ =	shalt  }
0x66: {  	_ =	shalt  }
0x67: {  	_ =	shalt  }
0x68: {  	_ =	shalt  }
0x69: {  	_ =	shalt  }
0x6a: {  	_ =	shalt  }
0x6b: {  	_ =	shalt  }
0x6c: {  	_ =	shalt  }
0x6d: {  	_ =	shalt  }
0x6e: {  	_ =	shalt  }
0x6f: {  	_ =	shalt  }
0x70: {  	_ =	shalt  }
0x71: {  	_ =	shalt  }
0x72: {  	_ =	shalt  }
0x73: {  	_ =	shalt  }
0x74: {  	_ =	shalt  }
0x75: {  	_ =	shalt  }
0x76: {  	_ =	shalt  }
0x77: {  	_ =	shalt  }
0x78: {  	_ =	shalt  }
0x79: {  	_ =	shalt  }
0x7a: {  	_ =	shalt  }
0x7b: {  	_ =	shalt  }
0x7c: {  	_ =	shalt  }
0x7d: {  	_ =	shalt  }
0x7e: {  	_ =	shalt  }
0x7f: {  	_ =	shalt  }
0x80: {  	_ =	shalt  }
0x81: {  	_ =	shalt  }
0x82: {  	_ =	shalt  }
0x83: {  	_ =	shalt  }
0x84: {  	_ =	shalt  }
0x85: {  	_ =	shalt  }
0x86: {  	_ =	shalt  }
0x87: {  	_ =	shalt  }
.Lfunc_end0:
.L_simem_size_0:
called_computation_lowered:
.L_overlay_start_0:
0x88: {  	s2 =	sld [smem:$0x3FD9]  }
0x89: {  	s3 =	sld [smem:$0x3FFE];
	_ =	sdelay $0x1  }
0x8a: {  	s1 =	srdreg.scid  }
0x8b: {  	s0 =	sand.u32 $0x1, s1  }
0x8c: {  	s16 =	sshll.u32 s0, $0xA;
	s2 =	sadd.s32 s3, s2  }
0x8d: {  	s2 =	sadd.s32 s2, s16  }
0x8e: {  	[smem:$0x3FC1] =	sst s2  }
0x8f: {  	_ = 	snop  }
0x90: {  	(tm) =	ssettm $0x1  }
0x91: {  	s17 =	sld [smem:$0x3FFB];
	_ =	sdelay $0x3  }
0x92: {  	_ =	strace s17  }
0x93: {  	s2 =	sld [smem:$0x3FFC];
	_ =	sdelay $0x3  }
0x94: {  	_ =	strace s2  }
0x95: {  	s2 =	sld [smem:$0x3FFD];
	_ =	sdelay $0x3  }
0x96: {  	_ =	strace s2  }
0x97: {  	_ =	strace $0x8FFFFFFF  }
0x98: {  	s18 =	sld [smem:$0x3FDB];
	_ =	sdelay $0x1  }
0x99: {  	s19 =	simm.s32 $_scs_section_size  }
0x9a: {  	s4 =	simm.s32 $_size__tile_overlayer_lowered;
	s5 =	simm.s32 $_tile_overlayer_lowered  }
0x9b: {  	s22 =	simm.s32 $0x1BFF;
	s21 =	sshll.u32 s5, $0x1;
	s2 =	sadd.s32 s19, s18  }
0x9c: {  	s6 =	simm.s32 $0x0;
	s20 =	sshll.u32 s4, $0x1;
	s4 =	sadd.s32 s21, s2  }
0x9d: {  	[timem:s6], [sflag:s22] =	dma.local [hbm:s4], s20  }
0x9e: {  	_ =	swait.ge [sflag:s22], s20  }
0x9f: {  	s3 =	ssub.s32 $0x0, s20;
	[sflag:s22] =	ssyncset.done $0x0  }
0xa0: {  	[sflag:s22] =	ssyncadd.s32 s3;
	_ =	sdelay $0x1  }
0xa1: {  	s23 =	simm.s32 $0x1B8B  }
0xa2: {  	_ =	swait.ge [sflag:s23], $0x1  }
0xa3: {  	[sflag:s23] =	ssyncset.done $0x0  }
0xa4: {  	s25 =	simm.s32 $0x1B8E;
	s24 =	sld [smem:$0x3FFE];
	[sflag:s23] =	ssyncadd.s32 $0xFFFFFFFF  }
0xa5: {  	s26 =	simm.s32 $execute0_lowered;
	[smem:$0x3FD2] =	sst s25  }
0xa6: {  	s4 =	sshll.u32 s26, $0x1;
	_ =	strace $0x80000049;
	[dreg:$0x1] =	wrdreg $0xFFFFFFFF  }
0xa7: {  	s28 =	simm.s32 $_size_execute0_lowered;
	s2 =	sadd.s32 s2, s4;
	[dreg:$0x0] =	wrdreg $0x0  }
0xa8: {  	s4 =	sshll.u32 s28, $0x1;
	[dreg:$0x2] =	wrdreg s2  }
0xa9: {  	[dreg:$0x3] =	wrdreg s4  }
0xaa: {  	[dreg:$0x4] =	wrdreg $0xC0  }
0xab: {  	_ =	task [dreg:s6], $0x5FFFF  }
0xac: {  	[dreg:$0x1] =	wrdreg $0xFFFFFFFF  }
0xad: {  	[dreg:$0x0] =	wrdreg $0x60  }
0xae: {  	[dreg:$0x2] =	wrdreg s24  }
0xaf: {  	[dreg:$0x3] =	wrdreg $0xB100  }
0xb0: {  	[dreg:$0x4] =	wrdreg $0xD900  }
0xb1: {  	[dreg:$0x5] =	wrdreg $0x9  }
0xb2: {  	_ =	task.clear_ibuf [dreg:s6], $0x6FFFF;
	_ =	strace $0x90000049  }
0xb3: {  	s29 =	simm.s32 $0x9;
	_ =	strace $0x8000004B  }
0xb4: {  	_ =	swait.ge [sflag:s29], $0x1  }
0xb5: {  	[sflag:s29] =	ssyncadd.s32 $0xFFFFFFFF  }
0xb6: {  	_ =	strace $0x9000004B  }
0xb7: {  	_ =	sfence  }
0xb8: {  	s30 =	sld [smem:$0x0];
	_ =	sdelay $0x2  }
0xb9: {  	s31 =	sshll.u32 s1, $0xD;
	s1 =	sshrl.u32 s1, $0x2  }
0xba: {  	s3 =	sand.u32 $0x4000, s31;
	s1 =	sadd.s32 s1, s30  }
0xbb: {  	s0 =	sor.u32 s3, s0;
	s1 =	sshll.u32 s1, $0x11  }
0xbc: {  	s0 =	sor.u32 s1, s0  }
0xbd: {  	s0 =	sadd.s32 $0x8F2B, s0  }
0xbe: {  	[sflag:s0] =	ssyncadd.remote.s32 $0x1  }
0xbf: {  	_ =	sfence.sel $0xFFFF  }
0xc0: {  	[dreg:$0x0] =	wrdreg $0xFFFFFFFF;
	(pc) =	sbr.abs _section_cstart, $3  }
0xc1: {  	[dreg:$0x1] =	wrdreg $0xFFFFFFFF  }
0xc2: {  	_ =	task.clear_ibuf [dreg:s6], $0x2FFFF;
	_ =	strace $0x9FFFFFFF  }
0xc3: {  	(tm) =	ssettm $0x7FFFFFFF  }
tec
execute0_lowered:
.L_overlay_start_1:
0x0: {  	(tag) =	ssettag $0x1  }
0x1: {  	s4 =	rddreg [dreg:$0x0]  }
0x2: {  	s1 =	rddreg [dreg:$0x1]  }
0x3: {  	s2 =	rddreg [dreg:$0x2]  }
0x4: {  	s0 =	rddreg [dreg:$0x3]  }
0x5: {  	s17 =	stileid.u32;
	s5 =	srdreg.scid  }
0x6: {  	s3 =	simm.s32 $0x0;
	s15 =	simm.s32 $0x500;
	s16 =	simm.s32 $0x780  }
0x7: {  	s18 =	simm.s32 $0xA10;
	s19 =	simm.s32 $0x0;
	s7 =	smul.u32 $0x280, s17  }
0x8: {  	s5 =	sand.u32 $0x1, s5;
	[smem:$0x7FF] =	sst s3;
	s31 =	sshll.u32 s17, $0x4  }
0x9: {  	p0 =	sne.s32 s17, $0x0;
	s17 =	simm.s32 $0xA00;
	s11 =	smul.u32 $0x140, s5  }
0xa: {  	_ =	strace $0x8000004A;
	s9 =	ssub.s32 $0x2, s5;
	s13 =	sadd.s32 s5, s4  }
0xb: {  	s6 =	sshrl.u32 s7, $0x3;
	s10 =	sshrl.u32 s9, $0x1;
	s8 =	sadd.s32 s11, s7  }
0xc: {  	s6 =	sadd.s32 s6, s4;
	s14 =	ssub.s32 s9, s10;
	s7 =	sadd.s32 s7, s1  }
0xd: {  	s9 =	sadd.s32 $0x1A00, s13;
	s11 =	sadd.s32 $0x500, s11;
	s8 =	sshrl.u32 s8, $0x3  }
0xe: {  	s13 =	simm.s32 $0x1;
	s5 =	sadd.s32 $0x800, s6;
	s12 =	sadd.s32 s8, s4  }
0xf: {  	s4 =	sadd.s32 $0x200, s6;
	s6 =	sadd.s32 $0x1400, s6;
	s8 =	sadd.s32 s31, s2  }
0x10: {  	v0 =	vimm.s32 $0x0;
	s10 =	sadd.s32 $0xE00, s12;
	s12 =	smax.u32 s14, $0x1;
	s14 =	simm.s32 $0x280  }
.LBB2_1:
0x11: {  	[tilespmem:s3], [sflag:$0x1] =	stream.linear.gather [hbm4b:s4+s3], $0x280, $0x38;
	[tilespmem:$0xDA0] =	vst v63  }
0x12: {  	_ =	swait.ge [sflag:s13], $0x280  }
0x13: {  	[sflag:s13] =	ssyncset.done $0x0  }
0x14: {  	[sflag:s13] =	ssyncadd.s32 $0xFFFFFD80  }
0x15: {  	[tilespmem:s14], [sflag:$0x1] =	stream.linear.gather [hbm4b:s5+s3], $0x280, $0x38;
	[tilespmem:$0xDA0] =	vst v63  }
0x16: {  	_ =	swait.ge [sflag:s13], $0x280  }
0x17: {  	[sflag:s13] =	ssyncset.done $0x0  }
0x18: {  	[sflag:s13] =	ssyncadd.s32 $0xFFFFFD80  }
0x19: {  	[tilespmem:s15], [sflag:$0x1] =	stream.linear.gather [hbm4b:s6+s3], $0x280, $0x38;
	[tilespmem:$0xDA0] =	vst v63  }
0x1a: {  	_ =	swait.ge [sflag:s13], $0x280  }
0x1b: {  	[sflag:s13] =	ssyncset.done $0x0  }
0x1c: {  	[sflag:s13] =	ssyncadd.s32 $0xFFFFFD80  }
0x1d: {  	[tilespmem:$0x780] =	vst v0  }
0x1e: {  	[tilespmem:$0x790] =	vst v0  }
0x1f: {  	[tilespmem:$0x7A0] =	vst v0  }
0x20: {  	[tilespmem:$0x7B0] =	vst v0  }
0x21: {  	[tilespmem:$0x7C0] =	vst v0  }
0x22: {  	[tilespmem:$0x7D0] =	vst v0  }
0x23: {  	[tilespmem:$0x7E0] =	vst v0  }
0x24: {  	[tilespmem:$0x7F0] =	vst v0  }
0x25: {  	[tilespmem:$0x800] =	vst v0  }
0x26: {  	[tilespmem:$0x810] =	vst v0  }
0x27: {  	[tilespmem:$0x820] =	vst v0  }
0x28: {  	[tilespmem:$0x830] =	vst v0  }
0x29: {  	[tilespmem:$0x840] =	vst v0  }
0x2a: {  	[tilespmem:$0x850] =	vst v0  }
0x2b: {  	[tilespmem:$0x860] =	vst v0  }
0x2c: {  	[tilespmem:$0x870] =	vst v0  }
0x2d: {  	[tilespmem:$0x880] =	vst v0  }
0x2e: {  	[tilespmem:$0x890] =	vst v0  }
0x2f: {  	[tilespmem:$0x8A0] =	vst v0  }
0x30: {  	[tilespmem:$0x8B0] =	vst v0  }
0x31: {  	[tilespmem:$0x8C0] =	vst v0  }
0x32: {  	[tilespmem:$0x8D0] =	vst v0  }
0x33: {  	[tilespmem:$0x8E0] =	vst v0  }
0x34: {  	[tilespmem:$0x8F0] =	vst v0  }
0x35: {  	[tilespmem:$0x900] =	vst v0  }
0x36: {  	[tilespmem:$0x910] =	vst v0  }
0x37: {  	[tilespmem:$0x920] =	vst v0  }
0x38: {  	[tilespmem:$0x930] =	vst v0  }
0x39: {  	[tilespmem:$0x940] =	vst v0  }
0x3a: {  	[tilespmem:$0x950] =	vst v0  }
0x3b: {  	[tilespmem:$0x960] =	vst v0  }
0x3c: {  	[tilespmem:$0x970] =	vst v0  }
0x3d: {  	[tilespmem:$0x980] =	vst v0  }
0x3e: {  	[tilespmem:$0x990] =	vst v0  }
0x3f: {  	[tilespmem:$0x9A0] =	vst v0  }
0x40: {  	[tilespmem:$0x9B0] =	vst v0  }
0x41: {  	[tilespmem:$0x9C0] =	vst v0  }
0x42: {  	[tilespmem:$0x9D0] =	vst v0  }
0x43: {  	[tilespmem:$0x9E0] =	vst v0  }
0x44: {  	[tilespmem:$0x9F0] =	vst v0  }
0x45: {  	[spmem:s7] =	stream.linear.scatter [tilespmem:s16], [sflag:$0x1], $0x280, $0x38;
	[tilespmem:$0xDA0] =	vst v63  }
0x46: {  	_ =	swait.ge [sflag:s13], $0x280  }
0x47: {  	[sflag:s13] =	ssyncset.done $0x0  }
0x48: {  	[sflag:s13] =	ssyncadd.s32 $0xFFFFFD80  }
0x49: {  	s20 =	simm.s32 $0x0;
	[bflag:$0x0] =	sbarrier.arrive $0xFFFF  }
0x4a: {  	v1 =	vld [tilespmem:s20+$0x0]  }
0x4b: {  	s21 =	simm.s32 $0x40;
	v2 =	vld [tilespmem:s20+$0x500]  }
.LBB2_2:
0x4c: {  	_ = 	snop  }
0x4d: {  	p1 =	sne.s32 s21, $0x9C0  }
.Ltmp0:
0x4e: {  	_ = 	snop;
	(pc) =	sbr.rel @p1 .LBB2_2-.Ltmp0, $4  }
0x4f: {  	_ = 	snop  }
0x50: {  	s22 =	sshra.s32 s21, $0x2;
	v3 =	vmul.u32 v1, v2  }
0x51: {  	v1 =	vld [tilespmem:s22+$0x0]  }
0x52: {  	s21 =	sadd.s32 $0x40, s21;
	v2 =	vld [tilespmem:s22+$0x500];
	[tilespmem:s20+$0x780] =	vst v3;
	s20 =	smov.u32 s22  }
0x53: {  	_ =	sdelay $0x3  }
0x54: {  	v1 =	vmul.u32 v1, v2;
	_ =	sdelay $0x1  }
0x55: {  	[tilespmem:s20+$0x780] =	vst v1  }
0x56: {  	[spmem:s1] =	stream.indirect.scatter.add.s32 [tilespmem:s16], [sflag:$0x1], $0x1, s14, s14, $0xb8;
	[tilespmem:$0xDA0] =	vst v63  }
0x57: {  	_ =	swait.ge [sflag:s13], $0x280  }
0x58: {  	[sflag:s13] =	ssyncset.done $0x0  }
0x59: {  	[sflag:s13] =	ssyncadd.s32 $0xFFFFFD80  }
0x5a: {  	[bflag:$0x0] =	sbarrier.arrive $0xFFFF  }
0x5b: {  	[tilespmem:s16], [sflag:$0x1] =	stream.linear.gather [spmem:s7], $0x280, $0x38;
	[tilespmem:$0xDA0] =	vst v63  }
0x5c: {  	_ =	swait.ge [sflag:s13], $0x280  }
0x5d: {  	[sflag:s13] =	ssyncset.done $0x0  }
0x5e: {  	s20 =	simm.s32 $0x0;
	[sflag:s13] =	ssyncadd.s32 $0xFFFFFD80  }
0x5f: {  	s21 =	simm.s32 $0x40;
	v1 =	vld [tilespmem:s20+$0x780]  }
.LBB2_4:
0x60: {  	p1 =	sne.s32 s21, $0x9C0  }
.Ltmp1:
0x61: {  	_ = 	snop;
	(pc) =	sbr.rel @p1 .LBB2_4-.Ltmp1, $3  }
0x62: {  	_ =	sdelay $0x1  }
0x63: {  	s22 =	sshra.s32 s21, $0x2;
	s21 =	sadd.s32 $0x40, s21;
	v2 =	vadd.s32 $0x1, v1  }
0x64: {  	v1 =	vld [tilespmem:s22+$0x780];
	[tilespmem:s20+$0x500] =	vst v2;
	s20 =	smov.u32 s22  }
0x65: {  	_ =	sdelay $0x3  }
0x66: {  	v1 =	vadd.s32 $0x1, v1  }
0x67: {  	[tilespmem:s20+$0x500] =	vst v1  }
0x68: {  	[tilespmem:$0x780] =	vst v0  }
0x69: {  	[tilespmem:$0x790] =	vst v0  }
0x6a: {  	[tilespmem:$0x7A0] =	vst v0  }
0x6b: {  	[tilespmem:$0x7B0] =	vst v0  }
0x6c: {  	[tilespmem:$0x7C0] =	vst v0  }
0x6d: {  	[tilespmem:$0x7D0] =	vst v0  }
0x6e: {  	[tilespmem:$0x7E0] =	vst v0  }
0x6f: {  	[tilespmem:$0x7F0] =	vst v0  }
0x70: {  	[tilespmem:$0x800] =	vst v0  }
0x71: {  	[tilespmem:$0x810] =	vst v0  }
0x72: {  	[tilespmem:$0x820] =	vst v0  }
0x73: {  	[tilespmem:$0x830] =	vst v0  }
0x74: {  	[tilespmem:$0x840] =	vst v0  }
0x75: {  	[tilespmem:$0x850] =	vst v0  }
0x76: {  	[tilespmem:$0x860] =	vst v0  }
0x77: {  	[tilespmem:$0x870] =	vst v0  }
0x78: {  	[tilespmem:$0x880] =	vst v0  }
0x79: {  	[tilespmem:$0x890] =	vst v0  }
0x7a: {  	[tilespmem:$0x8A0] =	vst v0  }
0x7b: {  	[tilespmem:$0x8B0] =	vst v0  }
0x7c: {  	[tilespmem:$0x8C0] =	vst v0  }
0x7d: {  	[tilespmem:$0x8D0] =	vst v0  }
0x7e: {  	[tilespmem:$0x8E0] =	vst v0  }
0x7f: {  	[tilespmem:$0x8F0] =	vst v0  }
0x80: {  	[tilespmem:$0x900] =	vst v0  }
0x81: {  	[tilespmem:$0x910] =	vst v0  }
0x82: {  	[tilespmem:$0x920] =	vst v0  }
0x83: {  	[tilespmem:$0x930] =	vst v0  }
0x84: {  	[tilespmem:$0x940] =	vst v0  }
0x85: {  	[tilespmem:$0x950] =	vst v0  }
0x86: {  	[tilespmem:$0x960] =	vst v0  }
0x87: {  	[tilespmem:$0x970] =	vst v0  }
0x88: {  	[tilespmem:$0x980] =	vst v0  }
0x89: {  	[tilespmem:$0x990] =	vst v0  }
0x8a: {  	[tilespmem:$0x9A0] =	vst v0  }
0x8b: {  	[tilespmem:$0x9B0] =	vst v0  }
0x8c: {  	[tilespmem:$0x9C0] =	vst v0  }
0x8d: {  	[tilespmem:$0x9D0] =	vst v0  }
0x8e: {  	[tilespmem:$0x9E0] =	vst v0  }
0x8f: {  	[tilespmem:$0x9F0] =	vst v0  }
0x90: {  	[spmem:s7] =	stream.linear.scatter [tilespmem:s16], [sflag:$0x1], $0x280, $0x38;
	[tilespmem:$0xDA0] =	vst v63  }
0x91: {  	_ =	swait.ge [sflag:s13], $0x280  }
0x92: {  	[sflag:s13] =	ssyncset.done $0x0  }
0x93: {  	[sflag:s13] =	ssyncadd.s32 $0xFFFFFD80  }
0x94: {  	s20 =	simm.s32 $0x0;
	[bflag:$0x0] =	sbarrier.arrive $0xFFFF  }
0x95: {  	v1 =	vld [tilespmem:s20+$0x0]  }
0x96: {  	s21 =	simm.s32 $0x40;
	v2 =	vld [tilespmem:s20+$0x500]  }
.LBB2_6:
0x97: {  	_ = 	snop  }
0x98: {  	p1 =	sne.s32 s21, $0x9C0  }
.Ltmp2:
0x99: {  	_ = 	snop;
	(pc) =	sbr.rel @p1 .LBB2_6-.Ltmp2, $4  }
0x9a: {  	_ = 	snop  }
0x9b: {  	s22 =	sshra.s32 s21, $0x2;
	v3 =	vmul.u32 v1, v2  }
0x9c: {  	v1 =	vld [tilespmem:s22+$0x0]  }
0x9d: {  	s21 =	sadd.s32 $0x40, s21;
	v2 =	vld [tilespmem:s22+$0x500];
	[tilespmem:s20+$0x780] =	vst v3;
	s20 =	smov.u32 s22  }
0x9e: {  	_ =	sdelay $0x3  }
0x9f: {  	v1 =	vmul.u32 v1, v2;
	_ =	sdelay $0x1  }
0xa0: {  	[tilespmem:s20+$0x780] =	vst v1  }
0xa1: {  	[spmem:s1] =	stream.indirect.scatter.add.s32 [tilespmem:s16], [sflag:$0x1], $0x1, s14, s14, $0xb8;
	[tilespmem:$0xDA0] =	vst v63  }
0xa2: {  	_ =	swait.ge [sflag:s13], $0x280  }
0xa3: {  	[sflag:s13] =	ssyncset.done $0x0  }
0xa4: {  	[sflag:s13] =	ssyncadd.s32 $0xFFFFFD80  }
0xa5: {  	[bflag:$0x0] =	sbarrier.arrive $0xFFFF  }
0xa6: {  	[tilespmem:s16], [sflag:$0x1] =	stream.linear.gather [spmem:s7], $0x280, $0x38;
	[tilespmem:$0xDA0] =	vst v63  }
0xa7: {  	_ =	swait.ge [sflag:s13], $0x280  }
0xa8: {  	[sflag:s13] =	ssyncset.done $0x0  }
0xa9: {  	s20 =	simm.s32 $0x0;
	[sflag:s13] =	ssyncadd.s32 $0xFFFFFD80  }
0xaa: {  	s21 =	simm.s32 $0x40;
	v1 =	vld [tilespmem:s20+$0x780]  }
.LBB2_8:
0xab: {  	p1 =	sne.s32 s21, $0x9C0  }
.Ltmp3:
0xac: {  	_ = 	snop;
	(pc) =	sbr.rel @p1 .LBB2_8-.Ltmp3, $3  }
0xad: {  	_ =	sdelay $0x1  }
0xae: {  	s22 =	sshra.s32 s21, $0x2;
	s21 =	sadd.s32 $0x40, s21;
	v2 =	vadd.s32 $0x1, v1  }
0xaf: {  	v1 =	vld [tilespmem:s22+$0x780];
	[tilespmem:s20+$0x500] =	vst v2;
	s20 =	smov.u32 s22  }
0xb0: {  	_ =	sdelay $0x3  }
0xb1: {  	v1 =	vadd.s32 $0x1, v1  }
0xb2: {  	[tilespmem:s20+$0x500] =	vst v1  }
0xb3: {  	[tilespmem:$0x780] =	vst v0  }
0xb4: {  	[tilespmem:$0x790] =	vst v0  }
0xb5: {  	[tilespmem:$0x7A0] =	vst v0  }
0xb6: {  	[tilespmem:$0x7B0] =	vst v0  }
0xb7: {  	[tilespmem:$0x7C0] =	vst v0  }
0xb8: {  	[tilespmem:$0x7D0] =	vst v0  }
0xb9: {  	[tilespmem:$0x7E0] =	vst v0  }
0xba: {  	[tilespmem:$0x7F0] =	vst v0  }
0xbb: {  	[tilespmem:$0x800] =	vst v0  }
0xbc: {  	[tilespmem:$0x810] =	vst v0  }
0xbd: {  	[tilespmem:$0x820] =	vst v0  }
0xbe: {  	[tilespmem:$0x830] =	vst v0  }
0xbf: {  	[tilespmem:$0x840] =	vst v0  }
0xc0: {  	[tilespmem:$0x850] =	vst v0  }
0xc1: {  	[tilespmem:$0x860] =	vst v0  }
0xc2: {  	[tilespmem:$0x870] =	vst v0  }
0xc3: {  	[tilespmem:$0x880] =	vst v0  }
0xc4: {  	[tilespmem:$0x890] =	vst v0  }
0xc5: {  	[tilespmem:$0x8A0] =	vst v0  }
0xc6: {  	[tilespmem:$0x8B0] =	vst v0  }
0xc7: {  	[tilespmem:$0x8C0] =	vst v0  }
0xc8: {  	[tilespmem:$0x8D0] =	vst v0  }
0xc9: {  	[tilespmem:$0x8E0] =	vst v0  }
0xca: {  	[tilespmem:$0x8F0] =	vst v0  }
0xcb: {  	[tilespmem:$0x900] =	vst v0  }
0xcc: {  	[tilespmem:$0x910] =	vst v0  }
0xcd: {  	[tilespmem:$0x920] =	vst v0  }
0xce: {  	[tilespmem:$0x930] =	vst v0  }
0xcf: {  	[tilespmem:$0x940] =	vst v0  }
0xd0: {  	[tilespmem:$0x950] =	vst v0  }
0xd1: {  	[tilespmem:$0x960] =	vst v0  }
0xd2: {  	[tilespmem:$0x970] =	vst v0  }
0xd3: {  	[tilespmem:$0x980] =	vst v0  }
0xd4: {  	[tilespmem:$0x990] =	vst v0  }
0xd5: {  	[tilespmem:$0x9A0] =	vst v0  }
0xd6: {  	[tilespmem:$0x9B0] =	vst v0  }
0xd7: {  	[tilespmem:$0x9C0] =	vst v0  }
0xd8: {  	[tilespmem:$0x9D0] =	vst v0  }
0xd9: {  	[tilespmem:$0x9E0] =	vst v0  }
0xda: {  	[tilespmem:$0x9F0] =	vst v0  }
0xdb: {  	[spmem:s7] =	stream.linear.scatter [tilespmem:s16], [sflag:$0x1], $0x280, $0x38;
	[tilespmem:$0xDA0] =	vst v63  }
0xdc: {  	_ =	swait.ge [sflag:s13], $0x280  }
0xdd: {  	[sflag:s13] =	ssyncset.done $0x0  }
0xde: {  	[sflag:s13] =	ssyncadd.s32 $0xFFFFFD80  }
0xdf: {  	s20 =	simm.s32 $0x0;
	[bflag:$0x0] =	sbarrier.arrive $0xFFFF  }
0xe0: {  	v1 =	vld [tilespmem:s20+$0x0]  }
0xe1: {  	s21 =	simm.s32 $0x40;
	v2 =	vld [tilespmem:s20+$0x500]  }
.LBB2_10:
0xe2: {  	_ = 	snop  }
0xe3: {  	p1 =	sne.s32 s21, $0x9C0  }
.Ltmp4:
0xe4: {  	_ = 	snop;
	(pc) =	sbr.rel @p1 .LBB2_10-.Ltmp4, $4  }
0xe5: {  	_ = 	snop  }
0xe6: {  	s22 =	sshra.s32 s21, $0x2;
	v3 =	vmul.u32 v1, v2  }
0xe7: {  	v1 =	vld [tilespmem:s22+$0x0]  }
0xe8: {  	s21 =	sadd.s32 $0x40, s21;
	v2 =	vld [tilespmem:s22+$0x500];
	[tilespmem:s20+$0x780] =	vst v3;
	s20 =	smov.u32 s22  }
0xe9: {  	_ =	sdelay $0x3  }
0xea: {  	v1 =	vmul.u32 v1, v2;
	_ =	sdelay $0x1  }
0xeb: {  	[tilespmem:s20+$0x780] =	vst v1  }
0xec: {  	[spmem:s1] =	stream.indirect.scatter.add.s32 [tilespmem:s16], [sflag:$0x1], $0x1, s14, s14, $0xb8;
	[tilespmem:$0xDA0] =	vst v63  }
0xed: {  	_ =	swait.ge [sflag:s13], $0x280  }
0xee: {  	[sflag:s13] =	ssyncset.done $0x0  }
0xef: {  	[sflag:s13] =	ssyncadd.s32 $0xFFFFFD80  }
0xf0: {  	[bflag:$0x0] =	sbarrier.arrive $0xFFFF  }
0xf1: {  	[tilespmem:s16], [sflag:$0x1] =	stream.linear.gather [spmem:s7], $0x280, $0x38;
	[tilespmem:$0xDA0] =	vst v63  }
0xf2: {  	_ =	swait.ge [sflag:s13], $0x280  }
0xf3: {  	[sflag:s13] =	ssyncset.done $0x0  }
0xf4: {  	s20 =	simm.s32 $0x0;
	[sflag:s13] =	ssyncadd.s32 $0xFFFFFD80  }
0xf5: {  	s21 =	simm.s32 $0x40;
	v1 =	vld [tilespmem:s20+$0x780]  }
.LBB2_12:
0xf6: {  	p1 =	sne.s32 s21, $0x9C0  }
.Ltmp5:
0xf7: {  	_ = 	snop;
	(pc) =	sbr.rel @p1 .LBB2_12-.Ltmp5, $3  }
0xf8: {  	_ =	sdelay $0x1  }
0xf9: {  	s22 =	sshra.s32 s21, $0x2;
	s21 =	sadd.s32 $0x40, s21;
	v2 =	vadd.s32 $0x1, v1  }
0xfa: {  	v1 =	vld [tilespmem:s22+$0x780];
	[tilespmem:s20+$0x500] =	vst v2;
	s20 =	smov.u32 s22  }
0xfb: {  	_ =	sdelay $0x3  }
0xfc: {  	v1 =	vadd.s32 $0x1, v1  }
0xfd: {  	[tilespmem:s20+$0x500] =	vst v1  }
0xfe: {  	[tilespmem:$0x780] =	vst v0  }
0xff: {  	[tilespmem:$0x790] =	vst v0  }
0x100: {  	[tilespmem:$0x7A0] =	vst v0  }
0x101: {  	[tilespmem:$0x7B0] =	vst v0  }
0x102: {  	[tilespmem:$0x7C0] =	vst v0  }
0x103: {  	[tilespmem:$0x7D0] =	vst v0  }
0x104: {  	[tilespmem:$0x7E0] =	vst v0  }
0x105: {  	[tilespmem:$0x7F0] =	vst v0  }
0x106: {  	[tilespmem:$0x800] =	vst v0  }
0x107: {  	[tilespmem:$0x810] =	vst v0  }
0x108: {  	[tilespmem:$0x820] =	vst v0  }
0x109: {  	[tilespmem:$0x830] =	vst v0  }
0x10a: {  	[tilespmem:$0x840] =	vst v0  }
0x10b: {  	[tilespmem:$0x850] =	vst v0  }
0x10c: {  	[tilespmem:$0x860] =	vst v0  }
0x10d: {  	[tilespmem:$0x870] =	vst v0  }
0x10e: {  	[tilespmem:$0x880] =	vst v0  }
0x10f: {  	[tilespmem:$0x890] =	vst v0  }
0x110: {  	[tilespmem:$0x8A0] =	vst v0  }
0x111: {  	[tilespmem:$0x8B0] =	vst v0  }
0x112: {  	[tilespmem:$0x8C0] =	vst v0  }
0x113: {  	[tilespmem:$0x8D0] =	vst v0  }
0x114: {  	[tilespmem:$0x8E0] =	vst v0  }
0x115: {  	[tilespmem:$0x8F0] =	vst v0  }
0x116: {  	[tilespmem:$0x900] =	vst v0  }
0x117: {  	[tilespmem:$0x910] =	vst v0  }
0x118: {  	[tilespmem:$0x920] =	vst v0  }
0x119: {  	[tilespmem:$0x930] =	vst v0  }
0x11a: {  	[tilespmem:$0x940] =	vst v0  }
0x11b: {  	[tilespmem:$0x950] =	vst v0  }
0x11c: {  	[tilespmem:$0x960] =	vst v0  }
0x11d: {  	[tilespmem:$0x970] =	vst v0  }
0x11e: {  	[tilespmem:$0x980] =	vst v0  }
0x11f: {  	[tilespmem:$0x990] =	vst v0  }
0x120: {  	[tilespmem:$0x9A0] =	vst v0  }
0x121: {  	[tilespmem:$0x9B0] =	vst v0  }
0x122: {  	[tilespmem:$0x9C0] =	vst v0  }
0x123: {  	[tilespmem:$0x9D0] =	vst v0  }
0x124: {  	[tilespmem:$0x9E0] =	vst v0  }
0x125: {  	[tilespmem:$0x9F0] =	vst v0  }
0x126: {  	[spmem:s7] =	stream.linear.scatter [tilespmem:s16], [sflag:$0x1], $0x280, $0x38;
	[tilespmem:$0xDA0] =	vst v63  }
0x127: {  	_ =	swait.ge [sflag:s13], $0x280  }
0x128: {  	[sflag:s13] =	ssyncset.done $0x0  }
0x129: {  	[sflag:s13] =	ssyncadd.s32 $0xFFFFFD80  }
0x12a: {  	s20 =	simm.s32 $0x0;
	[bflag:$0x0] =	sbarrier.arrive $0xFFFF  }
0x12b: {  	v1 =	vld [tilespmem:s20+$0x0]  }
0x12c: {  	s21 =	simm.s32 $0x40;
	v2 =	vld [tilespmem:s20+$0x500]  }
.LBB2_14:
0x12d: {  	_ = 	snop  }
0x12e: {  	p1 =	sne.s32 s21, $0x9C0  }
.Ltmp6:
0x12f: {  	_ = 	snop;
	(pc) =	sbr.rel @p1 .LBB2_14-.Ltmp6, $4  }
0x130: {  	_ = 	snop  }
0x131: {  	s22 =	sshra.s32 s21, $0x2;
	v3 =	vmul.u32 v1, v2  }
0x132: {  	v1 =	vld [tilespmem:s22+$0x0]  }
0x133: {  	s21 =	sadd.s32 $0x40, s21;
	v2 =	vld [tilespmem:s22+$0x500];
	[tilespmem:s20+$0x780] =	vst v3;
	s20 =	smov.u32 s22  }
0x134: {  	_ =	sdelay $0x3  }
0x135: {  	v1 =	vmul.u32 v1, v2;
	_ =	sdelay $0x1  }
0x136: {  	[tilespmem:s20+$0x780] =	vst v1  }
0x137: {  	[spmem:s1] =	stream.indirect.scatter.add.s32 [tilespmem:s16], [sflag:$0x1], $0x1, s14, s14, $0xb8;
	[tilespmem:$0xDA0] =	vst v63  }
0x138: {  	_ =	swait.ge [sflag:s13], $0x280  }
0x139: {  	[sflag:s13] =	ssyncset.done $0x0  }
0x13a: {  	[sflag:s13] =	ssyncadd.s32 $0xFFFFFD80  }
0x13b: {  	[bflag:$0x0] =	sbarrier.arrive $0xFFFF  }
0x13c: {  	[tilespmem:s16], [sflag:$0x1] =	stream.linear.gather [spmem:s7], $0x280, $0x38;
	[tilespmem:$0xDA0] =	vst v63  }
0x13d: {  	_ =	swait.ge [sflag:s13], $0x280  }
0x13e: {  	[sflag:s13] =	ssyncset.done $0x0  }
0x13f: {  	s20 =	simm.s32 $0x0;
	[sflag:s13] =	ssyncadd.s32 $0xFFFFFD80  }
0x140: {  	s21 =	simm.s32 $0x40;
	v1 =	vld [tilespmem:s20+$0x780]  }
.LBB2_16:
0x141: {  	p1 =	sne.s32 s21, $0x9C0  }
.Ltmp7:
0x142: {  	_ = 	snop;
	(pc) =	sbr.rel @p1 .LBB2_16-.Ltmp7, $3  }
0x143: {  	_ =	sdelay $0x1  }
0x144: {  	s22 =	sshra.s32 s21, $0x2;
	s21 =	sadd.s32 $0x40, s21;
	v2 =	vadd.s32 $0x1, v1  }
0x145: {  	v1 =	vld [tilespmem:s22+$0x780];
	[tilespmem:s20+$0x500] =	vst v2;
	s20 =	smov.u32 s22  }
0x146: {  	_ =	sdelay $0x3  }
0x147: {  	v1 =	vadd.s32 $0x1, v1  }
0x148: {  	[tilespmem:s20+$0x500] =	vst v1  }
0x149: {  	[tilespmem:$0x780] =	vst v0  }
0x14a: {  	[tilespmem:$0x790] =	vst v0  }
0x14b: {  	[tilespmem:$0x7A0] =	vst v0  }
0x14c: {  	[tilespmem:$0x7B0] =	vst v0  }
0x14d: {  	[tilespmem:$0x7C0] =	vst v0  }
0x14e: {  	[tilespmem:$0x7D0] =	vst v0  }
0x14f: {  	[tilespmem:$0x7E0] =	vst v0  }
0x150: {  	[tilespmem:$0x7F0] =	vst v0  }
0x151: {  	[tilespmem:$0x800] =	vst v0  }
0x152: {  	[tilespmem:$0x810] =	vst v0  }
0x153: {  	[tilespmem:$0x820] =	vst v0  }
0x154: {  	[tilespmem:$0x830] =	vst v0  }
0x155: {  	[tilespmem:$0x840] =	vst v0  }
0x156: {  	[tilespmem:$0x850] =	vst v0  }
0x157: {  	[tilespmem:$0x860] =	vst v0  }
0x158: {  	[tilespmem:$0x870] =	vst v0  }
0x159: {  	[tilespmem:$0x880] =	vst v0  }
0x15a: {  	[tilespmem:$0x890] =	vst v0  }
0x15b: {  	[tilespmem:$0x8A0] =	vst v0  }
0x15c: {  	[tilespmem:$0x8B0] =	vst v0  }
0x15d: {  	[tilespmem:$0x8C0] =	vst v0  }
0x15e: {  	[tilespmem:$0x8D0] =	vst v0  }
0x15f: {  	[tilespmem:$0x8E0] =	vst v0  }
0x160: {  	[tilespmem:$0x8F0] =	vst v0  }
0x161: {  	[tilespmem:$0x900] =	vst v0  }
0x162: {  	[tilespmem:$0x910] =	vst v0  }
0x163: {  	[tilespmem:$0x920] =	vst v0  }
0x164: {  	[tilespmem:$0x930] =	vst v0  }
0x165: {  	[tilespmem:$0x940] =	vst v0  }
0x166: {  	[tilespmem:$0x950] =	vst v0  }
0x167: {  	[tilespmem:$0x960] =	vst v0  }
0x168: {  	[tilespmem:$0x970] =	vst v0  }
0x169: {  	[tilespmem:$0x980] =	vst v0  }
0x16a: {  	[tilespmem:$0x990] =	vst v0  }
0x16b: {  	[tilespmem:$0x9A0] =	vst v0  }
0x16c: {  	[tilespmem:$0x9B0] =	vst v0  }
0x16d: {  	[tilespmem:$0x9C0] =	vst v0  }
0x16e: {  	[tilespmem:$0x9D0] =	vst v0  }
0x16f: {  	[tilespmem:$0x9E0] =	vst v0  }
0x170: {  	[tilespmem:$0x9F0] =	vst v0  }
0x171: {  	[spmem:s7] =	stream.linear.scatter [tilespmem:s16], [sflag:$0x1], $0x280, $0x38;
	[tilespmem:$0xDA0] =	vst v63  }
0x172: {  	_ =	swait.ge [sflag:s13], $0x280  }
0x173: {  	[sflag:s13] =	ssyncset.done $0x0  }
0x174: {  	[sflag:s13] =	ssyncadd.s32 $0xFFFFFD80  }
0x175: {  	s20 =	simm.s32 $0x0;
	[bflag:$0x0] =	sbarrier.arrive $0xFFFF  }
0x176: {  	v1 =	vld [tilespmem:s20+$0x0]  }
0x177: {  	s21 =	simm.s32 $0x40;
	v2 =	vld [tilespmem:s20+$0x500]  }
.LBB2_18:
0x178: {  	_ = 	snop  }
0x179: {  	p1 =	sne.s32 s21, $0x9C0  }
.Ltmp8:
0x17a: {  	_ = 	snop;
	(pc) =	sbr.rel @p1 .LBB2_18-.Ltmp8, $4  }
0x17b: {  	_ = 	snop  }
0x17c: {  	s22 =	sshra.s32 s21, $0x2;
	v3 =	vmul.u32 v1, v2  }
0x17d: {  	v1 =	vld [tilespmem:s22+$0x0]  }
0x17e: {  	s21 =	sadd.s32 $0x40, s21;
	v2 =	vld [tilespmem:s22+$0x500];
	[tilespmem:s20+$0x780] =	vst v3;
	s20 =	smov.u32 s22  }
0x17f: {  	_ =	sdelay $0x3  }
0x180: {  	v1 =	vmul.u32 v1, v2;
	_ =	sdelay $0x1  }
0x181: {  	[tilespmem:s20+$0x780] =	vst v1  }
0x182: {  	[spmem:s1] =	stream.indirect.scatter.add.s32 [tilespmem:s16], [sflag:$0x1], $0x1, s14, s14, $0xb8;
	[tilespmem:$0xDA0] =	vst v63  }
0x183: {  	_ =	swait.ge [sflag:s13], $0x280  }
0x184: {  	[sflag:s13] =	ssyncset.done $0x0  }
0x185: {  	[sflag:s13] =	ssyncadd.s32 $0xFFFFFD80  }
0x186: {  	[bflag:$0x0] =	sbarrier.arrive $0xFFFF  }
0x187: {  	[tilespmem:s16], [sflag:$0x1] =	stream.linear.gather [spmem:s7], $0x280, $0x38;
	[tilespmem:$0xDA0] =	vst v63  }
0x188: {  	_ =	swait.ge [sflag:s13], $0x280  }
0x189: {  	[sflag:s13] =	ssyncset.done $0x0  }
0x18a: {  	s20 =	simm.s32 $0x0;
	[sflag:s13] =	ssyncadd.s32 $0xFFFFFD80  }
0x18b: {  	s21 =	simm.s32 $0x40;
	v1 =	vld [tilespmem:s20+$0x780]  }
.LBB2_20:
0x18c: {  	p1 =	sne.s32 s21, $0x9C0  }
.Ltmp9:
0x18d: {  	_ = 	snop;
	(pc) =	sbr.rel @p1 .LBB2_20-.Ltmp9, $3  }
0x18e: {  	_ =	sdelay $0x1  }
0x18f: {  	s22 =	sshra.s32 s21, $0x2;
	s21 =	sadd.s32 $0x40, s21;
	v2 =	vadd.s32 $0x1, v1  }
0x190: {  	v1 =	vld [tilespmem:s22+$0x780];
	[tilespmem:s20+$0x500] =	vst v2;
	s20 =	smov.u32 s22  }
0x191: {  	_ =	sdelay $0x3  }
0x192: {  	v1 =	vadd.s32 $0x1, v1  }
0x193: {  	[tilespmem:s20+$0x500] =	vst v1  }
0x194: {  	[tilespmem:$0x780] =	vst v0  }
0x195: {  	[tilespmem:$0x790] =	vst v0  }
0x196: {  	[tilespmem:$0x7A0] =	vst v0  }
0x197: {  	[tilespmem:$0x7B0] =	vst v0  }
0x198: {  	[tilespmem:$0x7C0] =	vst v0  }
0x199: {  	[tilespmem:$0x7D0] =	vst v0  }
0x19a: {  	[tilespmem:$0x7E0] =	vst v0  }
0x19b: {  	[tilespmem:$0x7F0] =	vst v0  }
0x19c: {  	[tilespmem:$0x800] =	vst v0  }
0x19d: {  	[tilespmem:$0x810] =	vst v0  }
0x19e: {  	[tilespmem:$0x820] =	vst v0  }
0x19f: {  	[tilespmem:$0x830] =	vst v0  }
0x1a0: {  	[tilespmem:$0x840] =	vst v0  }
0x1a1: {  	[tilespmem:$0x850] =	vst v0  }
0x1a2: {  	[tilespmem:$0x860] =	vst v0  }
0x1a3: {  	[tilespmem:$0x870] =	vst v0  }
0x1a4: {  	[tilespmem:$0x880] =	vst v0  }
0x1a5: {  	[tilespmem:$0x890] =	vst v0  }
0x1a6: {  	[tilespmem:$0x8A0] =	vst v0  }
0x1a7: {  	[tilespmem:$0x8B0] =	vst v0  }
0x1a8: {  	[tilespmem:$0x8C0] =	vst v0  }
0x1a9: {  	[tilespmem:$0x8D0] =	vst v0  }
0x1aa: {  	[tilespmem:$0x8E0] =	vst v0  }
0x1ab: {  	[tilespmem:$0x8F0] =	vst v0  }
0x1ac: {  	[tilespmem:$0x900] =	vst v0  }
0x1ad: {  	[tilespmem:$0x910] =	vst v0  }
0x1ae: {  	[tilespmem:$0x920] =	vst v0  }
0x1af: {  	[tilespmem:$0x930] =	vst v0  }
0x1b0: {  	[tilespmem:$0x940] =	vst v0  }
0x1b1: {  	[tilespmem:$0x950] =	vst v0  }
0x1b2: {  	[tilespmem:$0x960] =	vst v0  }
0x1b3: {  	[tilespmem:$0x970] =	vst v0  }
0x1b4: {  	[tilespmem:$0x980] =	vst v0  }
0x1b5: {  	[tilespmem:$0x990] =	vst v0  }
0x1b6: {  	[tilespmem:$0x9A0] =	vst v0  }
0x1b7: {  	[tilespmem:$0x9B0] =	vst v0  }
0x1b8: {  	[tilespmem:$0x9C0] =	vst v0  }
0x1b9: {  	[tilespmem:$0x9D0] =	vst v0  }
0x1ba: {  	[tilespmem:$0x9E0] =	vst v0  }
0x1bb: {  	[tilespmem:$0x9F0] =	vst v0  }
0x1bc: {  	[spmem:s7] =	stream.linear.scatter [tilespmem:s16], [sflag:$0x1], $0x280, $0x38;
	[tilespmem:$0xDA0] =	vst v63  }
0x1bd: {  	_ =	swait.ge [sflag:s13], $0x280  }
0x1be: {  	[sflag:s13] =	ssyncset.done $0x0  }
0x1bf: {  	[sflag:s13] =	ssyncadd.s32 $0xFFFFFD80  }
0x1c0: {  	s20 =	simm.s32 $0x0;
	[bflag:$0x0] =	sbarrier.arrive $0xFFFF  }
0x1c1: {  	v1 =	vld [tilespmem:s20+$0x0]  }
0x1c2: {  	s21 =	simm.s32 $0x40;
	v2 =	vld [tilespmem:s20+$0x500]  }
.LBB2_22:
0x1c3: {  	_ = 	snop  }
0x1c4: {  	p1 =	sne.s32 s21, $0x9C0  }
.Ltmp10:
0x1c5: {  	_ = 	snop;
	(pc) =	sbr.rel @p1 .LBB2_22-.Ltmp10, $4  }
0x1c6: {  	_ = 	snop  }
0x1c7: {  	s22 =	sshra.s32 s21, $0x2;
	v3 =	vmul.u32 v1, v2  }
0x1c8: {  	v1 =	vld [tilespmem:s22+$0x0]  }
0x1c9: {  	s21 =	sadd.s32 $0x40, s21;
	v2 =	vld [tilespmem:s22+$0x500];
	[tilespmem:s20+$0x780] =	vst v3;
	s20 =	smov.u32 s22  }
0x1ca: {  	_ =	sdelay $0x3  }
0x1cb: {  	v1 =	vmul.u32 v1, v2;
	_ =	sdelay $0x1  }
0x1cc: {  	[tilespmem:s20+$0x780] =	vst v1  }
0x1cd: {  	[spmem:s1] =	stream.indirect.scatter.add.s32 [tilespmem:s16], [sflag:$0x1], $0x1, s14, s14, $0xb8;
	[tilespmem:$0xDA0] =	vst v63  }
0x1ce: {  	_ =	swait.ge [sflag:s13], $0x280  }
0x1cf: {  	[sflag:s13] =	ssyncset.done $0x0  }
0x1d0: {  	[sflag:s13] =	ssyncadd.s32 $0xFFFFFD80  }
0x1d1: {  	[bflag:$0x0] =	sbarrier.arrive $0xFFFF  }
0x1d2: {  	[tilespmem:s16], [sflag:$0x1] =	stream.linear.gather [spmem:s7], $0x280, $0x38;
	[tilespmem:$0xDA0] =	vst v63  }
0x1d3: {  	_ =	swait.ge [sflag:s13], $0x280  }
0x1d4: {  	[sflag:s13] =	ssyncset.done $0x0  }
0x1d5: {  	s20 =	simm.s32 $0x0;
	[sflag:s13] =	ssyncadd.s32 $0xFFFFFD80  }
0x1d6: {  	s21 =	simm.s32 $0x40;
	v1 =	vld [tilespmem:s20+$0x780]  }
.LBB2_24:
0x1d7: {  	p1 =	sne.s32 s21, $0x9C0  }
.Ltmp11:
0x1d8: {  	_ = 	snop;
	(pc) =	sbr.rel @p1 .LBB2_24-.Ltmp11, $3  }
0x1d9: {  	_ =	sdelay $0x1  }
0x1da: {  	s22 =	sshra.s32 s21, $0x2;
	s21 =	sadd.s32 $0x40, s21;
	v2 =	vadd.s32 $0x1, v1  }
0x1db: {  	v1 =	vld [tilespmem:s22+$0x780];
	[tilespmem:s20+$0x500] =	vst v2;
	s20 =	smov.u32 s22  }
0x1dc: {  	_ =	sdelay $0x3  }
0x1dd: {  	v1 =	vadd.s32 $0x1, v1  }
0x1de: {  	[tilespmem:s20+$0x500] =	vst v1  }
0x1df: {  	[tilespmem:$0x780] =	vst v0  }
0x1e0: {  	[tilespmem:$0x790] =	vst v0  }
0x1e1: {  	[tilespmem:$0x7A0] =	vst v0  }
0x1e2: {  	[tilespmem:$0x7B0] =	vst v0  }
0x1e3: {  	[tilespmem:$0x7C0] =	vst v0  }
0x1e4: {  	[tilespmem:$0x7D0] =	vst v0  }
0x1e5: {  	[tilespmem:$0x7E0] =	vst v0  }
0x1e6: {  	[tilespmem:$0x7F0] =	vst v0  }
0x1e7: {  	[tilespmem:$0x800] =	vst v0  }
0x1e8: {  	[tilespmem:$0x810] =	vst v0  }
0x1e9: {  	[tilespmem:$0x820] =	vst v0  }
0x1ea: {  	[tilespmem:$0x830] =	vst v0  }
0x1eb: {  	[tilespmem:$0x840] =	vst v0  }
0x1ec: {  	[tilespmem:$0x850] =	vst v0  }
0x1ed: {  	[tilespmem:$0x860] =	vst v0  }
0x1ee: {  	[tilespmem:$0x870] =	vst v0  }
0x1ef: {  	[tilespmem:$0x880] =	vst v0  }
0x1f0: {  	[tilespmem:$0x890] =	vst v0  }
0x1f1: {  	[tilespmem:$0x8A0] =	vst v0  }
0x1f2: {  	[tilespmem:$0x8B0] =	vst v0  }
0x1f3: {  	[tilespmem:$0x8C0] =	vst v0  }
0x1f4: {  	[tilespmem:$0x8D0] =	vst v0  }
0x1f5: {  	[tilespmem:$0x8E0] =	vst v0  }
0x1f6: {  	[tilespmem:$0x8F0] =	vst v0  }
0x1f7: {  	[tilespmem:$0x900] =	vst v0  }
0x1f8: {  	[tilespmem:$0x910] =	vst v0  }
0x1f9: {  	[tilespmem:$0x920] =	vst v0  }
0x1fa: {  	[tilespmem:$0x930] =	vst v0  }
0x1fb: {  	[tilespmem:$0x940] =	vst v0  }
0x1fc: {  	[tilespmem:$0x950] =	vst v0  }
0x1fd: {  	[tilespmem:$0x960] =	vst v0  }
0x1fe: {  	[tilespmem:$0x970] =	vst v0  }
0x1ff: {  	[tilespmem:$0x980] =	vst v0  }
0x200: {  	[tilespmem:$0x990] =	vst v0  }
0x201: {  	[tilespmem:$0x9A0] =	vst v0  }
0x202: {  	[tilespmem:$0x9B0] =	vst v0  }
0x203: {  	[tilespmem:$0x9C0] =	vst v0  }
0x204: {  	[tilespmem:$0x9D0] =	vst v0  }
0x205: {  	[tilespmem:$0x9E0] =	vst v0  }
0x206: {  	[tilespmem:$0x9F0] =	vst v0  }
0x207: {  	[spmem:s7] =	stream.linear.scatter [tilespmem:s16], [sflag:$0x1], $0x280, $0x38;
	[tilespmem:$0xDA0] =	vst v63  }
0x208: {  	_ =	swait.ge [sflag:s13], $0x280  }
0x209: {  	[sflag:s13] =	ssyncset.done $0x0  }
0x20a: {  	[sflag:s13] =	ssyncadd.s32 $0xFFFFFD80  }
0x20b: {  	s20 =	simm.s32 $0x0;
	[bflag:$0x0] =	sbarrier.arrive $0xFFFF  }
0x20c: {  	v1 =	vld [tilespmem:s20+$0x0]  }
0x20d: {  	s21 =	simm.s32 $0x40;
	v2 =	vld [tilespmem:s20+$0x500]  }
.LBB2_26:
0x20e: {  	_ = 	snop  }
0x20f: {  	p1 =	sne.s32 s21, $0x9C0  }
.Ltmp12:
0x210: {  	_ = 	snop;
	(pc) =	sbr.rel @p1 .LBB2_26-.Ltmp12, $4  }
0x211: {  	_ = 	snop  }
0x212: {  	s22 =	sshra.s32 s21, $0x2;
	v3 =	vmul.u32 v1, v2  }
0x213: {  	v1 =	vld [tilespmem:s22+$0x0]  }
0x214: {  	s21 =	sadd.s32 $0x40, s21;
	v2 =	vld [tilespmem:s22+$0x500];
	[tilespmem:s20+$0x780] =	vst v3;
	s20 =	smov.u32 s22  }
0x215: {  	_ =	sdelay $0x3  }
0x216: {  	v1 =	vmul.u32 v1, v2;
	_ =	sdelay $0x1  }
0x217: {  	[tilespmem:s20+$0x780] =	vst v1  }
0x218: {  	[spmem:s1] =	stream.indirect.scatter.add.s32 [tilespmem:s16], [sflag:$0x1], $0x1, s14, s14, $0xb8;
	[tilespmem:$0xDA0] =	vst v63  }
0x219: {  	_ =	swait.ge [sflag:s13], $0x280  }
0x21a: {  	[sflag:s13] =	ssyncset.done $0x0  }
0x21b: {  	[sflag:s13] =	ssyncadd.s32 $0xFFFFFD80  }
0x21c: {  	[bflag:$0x0] =	sbarrier.arrive $0xFFFF  }
0x21d: {  	[tilespmem:s16], [sflag:$0x1] =	stream.linear.gather [spmem:s7], $0x280, $0x38;
	[tilespmem:$0xDA0] =	vst v63  }
0x21e: {  	_ =	swait.ge [sflag:s13], $0x280  }
0x21f: {  	[sflag:s13] =	ssyncset.done $0x0  }
0x220: {  	s20 =	simm.s32 $0x0;
	[sflag:s13] =	ssyncadd.s32 $0xFFFFFD80  }
0x221: {  	s21 =	simm.s32 $0x40;
	v1 =	vld [tilespmem:s20+$0x780]  }
.LBB2_28:
0x222: {  	p1 =	sne.s32 s21, $0x9C0  }
.Ltmp13:
0x223: {  	_ = 	snop;
	(pc) =	sbr.rel @p1 .LBB2_28-.Ltmp13, $3  }
0x224: {  	_ =	sdelay $0x1  }
0x225: {  	s22 =	sshra.s32 s21, $0x2;
	s21 =	sadd.s32 $0x40, s21;
	v2 =	vadd.s32 $0x1, v1  }
0x226: {  	v1 =	vld [tilespmem:s22+$0x780];
	[tilespmem:s20+$0x500] =	vst v2;
	s20 =	smov.u32 s22  }
0x227: {  	_ =	sdelay $0x3  }
0x228: {  	v1 =	vadd.s32 $0x1, v1  }
0x229: {  	[tilespmem:s20+$0x500] =	vst v1  }
0x22a: {  	[tilespmem:$0x780] =	vst v0  }
0x22b: {  	[tilespmem:$0x790] =	vst v0  }
0x22c: {  	[tilespmem:$0x7A0] =	vst v0  }
0x22d: {  	[tilespmem:$0x7B0] =	vst v0  }
0x22e: {  	[tilespmem:$0x7C0] =	vst v0  }
0x22f: {  	[tilespmem:$0x7D0] =	vst v0  }
0x230: {  	[tilespmem:$0x7E0] =	vst v0  }
0x231: {  	[tilespmem:$0x7F0] =	vst v0  }
0x232: {  	[tilespmem:$0x800] =	vst v0  }
0x233: {  	[tilespmem:$0x810] =	vst v0  }
0x234: {  	[tilespmem:$0x820] =	vst v0  }
0x235: {  	[tilespmem:$0x830] =	vst v0  }
0x236: {  	[tilespmem:$0x840] =	vst v0  }
0x237: {  	[tilespmem:$0x850] =	vst v0  }
0x238: {  	[tilespmem:$0x860] =	vst v0  }
0x239: {  	[tilespmem:$0x870] =	vst v0  }
0x23a: {  	[tilespmem:$0x880] =	vst v0  }
0x23b: {  	[tilespmem:$0x890] =	vst v0  }
0x23c: {  	[tilespmem:$0x8A0] =	vst v0  }
0x23d: {  	[tilespmem:$0x8B0] =	vst v0  }
0x23e: {  	[tilespmem:$0x8C0] =	vst v0  }
0x23f: {  	[tilespmem:$0x8D0] =	vst v0  }
0x240: {  	[tilespmem:$0x8E0] =	vst v0  }
0x241: {  	[tilespmem:$0x8F0] =	vst v0  }
0x242: {  	[tilespmem:$0x900] =	vst v0  }
0x243: {  	[tilespmem:$0x910] =	vst v0  }
0x244: {  	[tilespmem:$0x920] =	vst v0  }
0x245: {  	[tilespmem:$0x930] =	vst v0  }
0x246: {  	[tilespmem:$0x940] =	vst v0  }
0x247: {  	[tilespmem:$0x950] =	vst v0  }
0x248: {  	[tilespmem:$0x960] =	vst v0  }
0x249: {  	[tilespmem:$0x970] =	vst v0  }
0x24a: {  	[tilespmem:$0x980] =	vst v0  }
0x24b: {  	[tilespmem:$0x990] =	vst v0  }
0x24c: {  	[tilespmem:$0x9A0] =	vst v0  }
0x24d: {  	[tilespmem:$0x9B0] =	vst v0  }
0x24e: {  	[tilespmem:$0x9C0] =	vst v0  }
0x24f: {  	[tilespmem:$0x9D0] =	vst v0  }
0x250: {  	[tilespmem:$0x9E0] =	vst v0  }
0x251: {  	[tilespmem:$0x9F0] =	vst v0  }
0x252: {  	[spmem:s7] =	stream.linear.scatter [tilespmem:s16], [sflag:$0x1], $0x280, $0x38;
	[tilespmem:$0xDA0] =	vst v63  }
0x253: {  	_ =	swait.ge [sflag:s13], $0x280  }
0x254: {  	[sflag:s13] =	ssyncset.done $0x0  }
0x255: {  	[sflag:s13] =	ssyncadd.s32 $0xFFFFFD80  }
0x256: {  	s20 =	simm.s32 $0x0;
	[bflag:$0x0] =	sbarrier.arrive $0xFFFF  }
0x257: {  	v1 =	vld [tilespmem:s20+$0x0]  }
0x258: {  	s21 =	simm.s32 $0x40;
	v2 =	vld [tilespmem:s20+$0x500]  }
.LBB2_30:
0x259: {  	_ = 	snop  }
0x25a: {  	p1 =	sne.s32 s21, $0x9C0  }
.Ltmp14:
0x25b: {  	_ = 	snop;
	(pc) =	sbr.rel @p1 .LBB2_30-.Ltmp14, $4  }
0x25c: {  	_ = 	snop  }
0x25d: {  	s22 =	sshra.s32 s21, $0x2;
	v3 =	vmul.u32 v1, v2  }
0x25e: {  	v1 =	vld [tilespmem:s22+$0x0]  }
0x25f: {  	s21 =	sadd.s32 $0x40, s21;
	v2 =	vld [tilespmem:s22+$0x500];
	[tilespmem:s20+$0x780] =	vst v3;
	s20 =	smov.u32 s22  }
0x260: {  	_ =	sdelay $0x3  }
0x261: {  	v1 =	vmul.u32 v1, v2;
	_ =	sdelay $0x1  }
0x262: {  	[tilespmem:s20+$0x780] =	vst v1  }
0x263: {  	[spmem:s1] =	stream.indirect.scatter.add.s32 [tilespmem:s16], [sflag:$0x1], $0x1, s14, s14, $0xb8;
	[tilespmem:$0xDA0] =	vst v63  }
0x264: {  	_ =	swait.ge [sflag:s13], $0x280  }
0x265: {  	[sflag:s13] =	ssyncset.done $0x0  }
0x266: {  	[sflag:s13] =	ssyncadd.s32 $0xFFFFFD80  }
0x267: {  	[bflag:$0x0] =	sbarrier.arrive $0xFFFF  }
0x268: {  	[tilespmem:s16], [sflag:$0x1] =	stream.linear.gather [spmem:s7], $0x280, $0x38;
	[tilespmem:$0xDA0] =	vst v63  }
0x269: {  	_ =	swait.ge [sflag:s13], $0x280  }
0x26a: {  	[sflag:s13] =	ssyncset.done $0x0  }
0x26b: {  	s29 =	simm.s32 $0x0;
	[sflag:s13] =	ssyncadd.s32 $0xFFFFFD80  }
0x26c: {  	v1 =	vld [tilespmem:s29+$0x780]  }
0x26d: {  	v2 =	vld [tilespmem:s29+$0x500];
	_ =	sdelay $0x3  }
0x26e: {  	v1 =	vadd.s32 $0x1, v1  }
0x26f: {  	vm0 =	vne.s32 v1, v2  }
0x270: {  	s21 =	simm.s32 $0x10;
	v2 =	vsel vm0, $0x1, v0  }
0x271: {  	(xrf0) =	vadd.scan.msk.s32 $0xffff, v2;
	v2 =	vld [tilespmem:s21+$0x780];
	_ =	sdelay $0x3  }
0x272: {  	[tilespmem:s29+$0x500] =	vst v1  }
0x273: {  	s30 =	simm.s32 $0x20;
	v1 =	vld [tilespmem:s21+$0x500];
	v2 =	vadd.s32 $0x1, v2  }
0x274: {  	v3 =	vld [tilespmem:s30+$0x780];
	[tilespmem:s21+$0x500] =	vst v2  }
0x275: {  	v60 =	vld [tilespmem:s30+$0x500];
	_ =	sdelay $0x3  }
0x276: {  	vm0 =	vne.s32 v2, v1;
	v1 =	vadd.s32 $0x1, v3  }
0x277: {  	v4, _, _ =	vpop (xrf0);
	v2 =	vsel vm0, $0x1, v0;
	vm0 =	vne.s32 v1, v60  }
0x278: {  	(v2sf) =	vpush v4, $0xF;
	(xrf0) =	vadd.scan.msk.s32 $0xffff, v2;
	v2 =	vsel vm0, $0x1, v0  }
0x279: {  	(xrf0) =	vadd.scan.msk.s32 $0xffff, v2  }
0x27a: {  	s31 =	simm.s32 $0x30  }
0x27b: {  	v5 =	vld [tilespmem:s31+$0x780]  }
0x27c: {  	[tilespmem:s30+$0x500] =	vst v1  }
0x27d: {  	v1 =	vld [tilespmem:s31+$0x500]  }
0x27e: {  	v62, _, _ =	vpop (xrf0)  }
0x27f: {  	(v2sf) =	vpush v62, $0xF;
	v63, _, _ =	vpop (xrf0)  }
0x280: {  	s23 =	simm.s32 $0x40;
	v2 =	vadd.s32 $0x1, v5;
	(v2sf) =	vpush v63, $0xF  }
0x281: {  	v3 =	vld [tilespmem:s23+$0x780];
	[tilespmem:s31+$0x500] =	vst v2  }
0x282: {  	v61 =	vld [tilespmem:s23+$0x500];
	vm0 =	vne.s32 v2, v1  }
0x283: {  	v2 =	vsel vm0, $0x1, v0  }
0x284: {  	(xrf0) =	vadd.scan.msk.s32 $0xffff, v2;
	_ =	sdelay $0x1  }
0x285: {  	s20 =	simm.s32 $0x50;
	v3 =	vadd.s32 $0x1, v3  }
0x286: {  	s22 =	simm.s32 $0x180;
	s21 =	simm.s32 $0x0;
	v1 =	vld [tilespmem:s20+$0x780];
	[tilespmem:s23+$0x500] =	vst v3;
	vm0 =	vne.s32 v3, v61;
	s23 =	spop (v2sf)  }
.LBB2_32:
0x287: {  	p1 =	sne.s32 s22, $0x9C0  }
0x288: {  	v2 =	vld [tilespmem:s20+$0x500];
	v4 =	vsel vm0, $0x1, v0;
	s21 =	sadd.s32 s21, s23;
	s23 =	smov.u32 s22;
	s22 =	sadd.s32 $0x40, s22  }
.Ltmp15:
0x289: {  	(xrf0) =	vadd.scan.msk.s32 $0xffff, v4;
	v3, _, _ =	vpop (xrf0);
	(pc) =	sbr.rel @p1 .LBB2_32-.Ltmp15, $3  }
0x28a: {  	(v2sf) =	vpush v3, $0xF;
	_ =	sdelay $0x1  }
0x28b: {  	s24 =	sshra.s32 s23, $0x2;
	v3 =	vadd.s32 $0x1, v1;
	_ =	sdelay $0x1  }
0x28c: {  	v1 =	vld [tilespmem:s24+$0x780];
	vm0 =	vne.s32 v3, v2;
	[tilespmem:s20+$0x500] =	vst v3;
	s23 =	spop (v2sf);
	s20 =	smov.u32 s24  }
0x28d: {  	v2 =	vld [tilespmem:s20+$0x500];
	_ =	sdelay $0x3  }
0x28e: {  	v1 =	vadd.s32 $0x1, v1  }
0x28f: {  	v3 =	vsel vm0, $0x1, v0;
	vm15 =	vne.s32 v1, v2  }
0x290: {  	(xrf0) =	vadd.scan.msk.s32 $0xffff, v3;
	v2 =	vsel vm15, $0x1, v0  }
0x291: {  	(xrf0) =	vadd.scan.msk.s32 $0xffff, v2;
	_ =	sdelay $0x3  }
0x292: {  	v2, _, _ =	vpop (xrf0)  }
0x293: {  	(v2sf) =	vpush v2, $0xF;
	v2, _, _ =	vpop (xrf0)  }
0x294: {  	(v2sf) =	vpush v2, $0xF;
	v2, _, _ =	vpop (xrf0)  }
0x295: {  	(v2sf) =	vpush v2, $0xF;
	_ =	sdelay $0xa  }
0x296: {  	s21 =	sadd.s32 s21, s23;
	s22 =	spop (v2sf)  }
0x297: {  	s21 =	sadd.s32 s21, s22;
	s28 =	spop (v2sf)  }
0x298: {  	s21 =	sadd.s32 s21, s28;
	s29 =	spop (v2sf)  }
0x299: {  	s21 =	sadd.s32 s21, s29;
	s30 =	spop (v2sf)  }
0x29a: {  	s21 =	sadd.s32 s21, s30;
	s31 =	spop (v2sf)  }
0x29b: {  	s21 =	sadd.s32 s21, s31  }
0x29c: {  	[tilespmem:s20+$0x500] =	vst v1;
	v1 =	vmov s21  }
0x29d: {  	[tilespmem:$0xA00] =	vst v1  }
0x29e: {  	[spmem:s8] =	stream.linear.scatter [tilespmem:s17], [sflag:$0x1], $0x10, $0x38;
	[tilespmem:$0xDA0] =	vst v63  }
0x29f: {  	_ =	swait.ge [sflag:s13], $0x10  }
0x2a0: {  	[sflag:s13] =	ssyncset.done $0x0  }
0x2a1: {  	[sflag:s13] =	ssyncadd.s32 $0xFFFFFFF0  }
0x2a2: {  	[bflag:$0x0] =	sbarrier.arrive $0xFFFF  }
0x2a3: {  	[tilespmem:s18], [sflag:$0x1] =	stream.linear.gather [spmem:s2], $0x100, $0x38;
	[tilespmem:$0xDA0] =	vst v63  }
0x2a4: {  	_ =	swait.ge [sflag:s13], $0x100  }
0x2a5: {  	[sflag:s13] =	ssyncset.done $0x0  }
0x2a6: {  	[sflag:s13] =	ssyncadd.s32 $0xFFFFFF00  }
0x2a7: {  	v1 =	vld [tilespmem:$0xA10]  }
0x2a8: {  	v2 =	vld [tilespmem:$0xA20]  }
0x2a9: {  	v3 =	vld [tilespmem:$0xA30]  }
0x2aa: {  	v4 =	vld [tilespmem:$0xA40]  }
0x2ab: {  	v5 =	vld [tilespmem:$0xA50]  }
0x2ac: {  	(xrf0) =	vadd.scan.msk.s32 $0xffff, v1;
	v1 =	vld [tilespmem:$0xA60]  }
0x2ad: {  	(xrf0) =	vadd.scan.msk.s32 $0xffff, v2;
	v2 =	vld [tilespmem:$0xA70]  }
0x2ae: {  	(xrf0) =	vadd.scan.msk.s32 $0xffff, v3;
	v3 =	vld [tilespmem:$0xA80]  }
0x2af: {  	v55 =	vld [tilespmem:$0xA90];
	(xrf0) =	vadd.scan.msk.s32 $0xffff, v4  }
0x2b0: {  	v56 =	vld [tilespmem:$0xAA0];
	(xrf0) =	vadd.scan.msk.s32 $0xffff, v5  }
0x2b1: {  	(xrf0) =	vadd.scan.msk.s32 $0xffff, v1;
	v1 =	vld [tilespmem:$0xAB0]  }
0x2b2: {  	v6, _, _ =	vpop (xrf0);
	(xrf0) =	vadd.scan.msk.s32 $0xffff, v2;
	v2 =	vld [tilespmem:$0xAC0]  }
0x2b3: {  	(v2sf) =	vpush v6, $0xF;
	v57, _, _ =	vpop (xrf0);
	(xrf0) =	vadd.scan.msk.s32 $0xffff, v3;
	v3 =	vld [tilespmem:$0xAD0]  }
0x2b4: {  	v59 =	vld [tilespmem:$0xAE0];
	(v2sf) =	vpush v57, $0xF;
	v58, _, _ =	vpop (xrf0);
	(xrf0) =	vadd.scan.msk.s32 $0xffff, v55  }
0x2b5: {  	v61 =	vld [tilespmem:$0xAF0];
	(v2sf) =	vpush v58, $0xF;
	v60, _, _ =	vpop (xrf0);
	(xrf0) =	vadd.scan.msk.s32 $0xffff, v56  }
0x2b6: {  	(v2sf) =	vpush v60, $0xF;
	v62, _, _ =	vpop (xrf0);
	(xrf0) =	vadd.scan.msk.s32 $0xffff, v1;
	v1 =	vld [tilespmem:$0xB00]  }
0x2b7: {  	(v2sf) =	vpush v62, $0xF;
	v63, _, _ =	vpop (xrf0);
	(xrf0) =	vadd.scan.msk.s32 $0xffff, v2  }
0x2b8: {  	(v2sf) =	vpush v63, $0xF;
	v2, _, _ =	vpop (xrf0);
	(xrf0) =	vadd.scan.msk.s32 $0xffff, v3  }
0x2b9: {  	(v2sf) =	vpush v2, $0xF;
	v2, _, _ =	vpop (xrf0);
	(xrf0) =	vadd.scan.msk.s32 $0xffff, v59  }
0x2ba: {  	(v2sf) =	vpush v2, $0xF;
	v2, _, _ =	vpop (xrf0);
	(xrf0) =	vadd.scan.msk.s32 $0xffff, v61  }
0x2bb: {  	(v2sf) =	vpush v2, $0xF;
	v2, _, _ =	vpop (xrf0);
	(xrf0) =	vadd.scan.msk.s32 $0xffff, v1  }
0x2bc: {  	v1, _, _ =	vpop (xrf0);
	(v2sf) =	vpush v2, $0xF  }
0x2bd: {  	v2, _, _ =	vpop (xrf0);
	(v2sf) =	vpush v1, $0xF  }
0x2be: {  	v1, _, _ =	vpop (xrf0);
	(v2sf) =	vpush v2, $0xF  }
0x2bf: {  	v2, _, _ =	vpop (xrf0);
	(v2sf) =	vpush v1, $0xF  }
0x2c0: {  	(v2sf) =	vpush v2, $0xF;
	v1, _, _ =	vpop (xrf0)  }
0x2c1: {  	(v2sf) =	vpush v1, $0xF;
	v1, _, _ =	vpop (xrf0)  }
0x2c2: {  	s23 =	spop (v2sf);
	(v2sf) =	vpush v1, $0xF  }
0x2c3: {  	s24 =	spop (v2sf)  }
0x2c4: {  	s25 =	spop (v2sf);
	s20 =	sadd.s32 s23, s24  }
0x2c5: {  	s26 =	spop (v2sf);
	s20 =	sadd.s32 s20, s25  }
0x2c6: {  	s28 =	spop (v2sf);
	s20 =	sadd.s32 s20, s26  }
0x2c7: {  	s29 =	spop (v2sf);
	s20 =	sadd.s32 s20, s28  }
0x2c8: {  	s30 =	spop (v2sf);
	s20 =	sadd.s32 s20, s29  }
0x2c9: {  	s31 =	spop (v2sf);
	s20 =	sadd.s32 s20, s30  }
0x2ca: {  	s23 =	spop (v2sf);
	s20 =	sadd.s32 s20, s31  }
0x2cb: {  	s24 =	spop (v2sf);
	s20 =	sadd.s32 s20, s23  }
0x2cc: {  	s25 =	spop (v2sf);
	s20 =	sadd.s32 s20, s24  }
0x2cd: {  	s26 =	spop (v2sf);
	s20 =	sadd.s32 s20, s25  }
0x2ce: {  	s28 =	spop (v2sf);
	s20 =	sadd.s32 s20, s26  }
0x2cf: {  	s20 =	sadd.s32 s20, s28;
	s29 =	spop (v2sf)  }
0x2d0: {  	s20 =	sadd.s32 s20, s29;
	s30 =	spop (v2sf)  }
0x2d1: {  	s20 =	sadd.s32 s20, s30;
	s31 =	spop (v2sf)  }
0x2d2: {  	s20 =	sadd.s32 s20, s31  }
0x2d3: {  	v1 =	vmov s20  }
0x2d4: {  	s21 =	simm.s32 @!p0 $0xA00;
	s20 =	simm.s32 @!p0 $0x0;
	[tilespmem:$0xA00] =	vst v1  }
0x2d5: {  	[hbm4b:s9+s20] =	stream.linear.scatter @!p0 [tilespmem:s21], [sflag:$0x1], $0x8, $0x38;
	[tilespmem:$0xDA0] =	vst v63  }
0x2d6: {  	s20 =	simm.s32 @!p0 $0x1  }
0x2d7: {  	s19 =	sadd.s32 $0x1, s19;
	_ =	swait.ge @!p0 [sflag:s20], $0x8  }
0x2d8: {  	p1 =	sne.s32 s19, s12;
	[sflag:s20] =	ssyncset.done @!p0 $0x0  }
.Ltmp16:
0x2d9: {  	[sflag:s20] =	ssyncadd.s32 @!p0 $0xFFFFFFF8;
	(pc) =	sbr.rel @p1 .LBB2_1-.Ltmp16, $4  }
0x2da: {  	[hbm4b:s10+s3] =	stream.linear.scatter [tilespmem:s11], [sflag:$0x1], $0x140, $0x38;
	[tilespmem:$0xDA0] =	vst v63  }
0x2db: {  	_ =	swait.ge [sflag:s13], $0x140  }
0x2dc: {  	[sflag:s13] =	ssyncset.done $0x0  }
0x2dd: {  	[sflag:s13] =	ssyncadd.s32 $0xFFFFFEC0  }
0x2de: {  	_ =	sfence.sel $0x180000  }
0x2df: {  	[bflag:$0x0] =	sbarrier.arrive $0xFFFF  }
0x2e0: {  	_ =	strace $0x9000004A  }
0x2e1: {  	s0 =	sadd.s32 @!p0 $0x100000, s0;
	[bflag:$0x2] =	sbarrier.arrive $0xFFFF  }
0x2e2: {  	[sflag:s0] =	ssyncadd.tile.s32 @!p0 $0x1;
	_ =	shalt  }
.Lfunc_end2:
_tile_overlayer_lowered:
.L_overlay_start_2:
0x2e3: {  	(tag) =	ssettag $0x2  }
0x2e4: {  	s0 =	rddreg [dreg:$0x0];
	s2 =	stileid.u32  }
0x2e5: {  	s1 =	rddreg [dreg:$0x1];
	p0 =	sne.s32 s2, $0x0  }
0x2e6: {  	s3 =	rddreg [dreg:$0x2];
	[bflag:$0x3] =	sbarrier.arrive $0xFFFF;
	s2 =	simm.s32 @!p0 $0x1C01  }
0x2e7: {  	[timem:s3], [sflag:s2] =	dma.local @!p0 [hbm:s0], s1  }
0x2e8: {  	s0 =	simm.s32 @!p0 $0x1  }
0x2e9: {  	_ =	swait.ge @!p0 [sflag:s0], s1  }
0x2ea: {  	s1 =	ssub.s32 @!p0 $0x0, s1;
	[sflag:s0] =	ssyncset.done @!p0 $0x0  }
0x2eb: {  	[sflag:s0] =	ssyncadd.s32 @!p0 s1  }
0x2ec: {  	[bflag:$0x3] =	sbarrier.arrive $0xFFFF  }
0x2ed: {  	_ =	shalt  }

// kernel: body.14.cloned.1.call-start
scs
__scs_entry_jumppad:
0x0: {  	(pc) =	sbr.rel $0x88, $3  }
0x1: {  	(tag) =	ssettag $0x0;
	lr =	simm.s32 $0x1  }
0x2: {  	[smem:$0x3F9A] =	sst lr;
	_ =	strace $0xD0000000  }
0x3: {  	_ = 	snop  }
0x4: {  	_ = 	snop  }
0x5: {  	_ = 	snop  }
0x6: {  	_ = 	snop  }
0x7: {  	_ = 	snop  }
__scs_overlays_trampoline_lowered:
0x8: {  	[smem:$0x3FA9] =	sst s0  }
0x9: {  	[smem:$0x3FAA] =	sst s1  }
0xa: {  	[smem:$0x3FAB] =	sst s2  }
0xb: {  	[smem:$0x3FAC] =	sst s3  }
0xc: {  	[smem:$0x3FAD] =	sst s4  }
0xd: {  	[smem:$0x3FAE] =	sst s5  }
0xe: {  	[smem:$0x3FAF] =	sst s6  }
0xf: {  	[smem:$0x3FB0] =	sst s7  }
0x10: {  	[smem:$0x3FB1] =	sst s8  }
0x11: {  	[smem:$0x3FB2] =	sst s9;
	s0 =	simm.s32 @!p0 $0x0  }
0x12: {  	s1 =	sld [smem:$0x3F98];
	s0 =	simm.s32 @p0 $0x1  }
0x13: {  	[smem:$0x3FB3] =	sst s0;
	s0 =	simm.s32 @!p1 $0x0  }
0x14: {  	s2 =	sld [smem:$0x3F97];
	s0 =	simm.s32 @p1 $0x1  }
0x15: {  	[smem:$0x3FB4] =	sst s0;
	s0 =	simm.s32 @!p2 $0x0  }
0x16: {  	s3 =	sld [smem:$0x3FDB];
	s0 =	simm.s32 @p2 $0x1  }
0x17: {  	s4 =	simm.s32 $0x1BF5;
	[smem:$0x3FB6] =	sst s0  }
0x18: {  	s0 =	sld [smem:$0x3F99];
	_ =	swait.ge [sflag:s4], $0x0  }
0x19: {  	s7 =	sld [smem:$0x3F9A]  }
0x1a: {  	s8 =	sadd.s32 $0xFFFFE003, lr  }
0x1b: {  	s9 =	sadd.s32 $0xFFFFFEF7, lr;
	s5 =	simm.s32 $0xFFFFFFFF;
	p2 =	slt.u32 s8, $0xFFFFF086  }
0x1c: {  	p1 =	slt.u32 s9, $0xF7A;
	s5 =	simm.s32 @!p2 $0x0  }
0x1d: {  	s5 =	simm.s32 @p1 $0x1;
	p0 =	seq.s32 s7, s2  }
0x1e: {  	s7 =	smul.u32 @!p0 $0xF7A, s2;
	p2 =	seq.s32 @!p0 s5, $0x0  }
0x1f: {  	s9 =	smul.u32 $0xF7A, s1;
	s8 =	simm.s32 @!p0 $0x1BF5;
	p2 =	por !p2, p0  }
0x20: {  	[sflag:s8] =	ssyncset.s32 @!p0 $0xFFFFF086;
	s6 =	sadd.s32 @!p0 s3, s7;
	s7 =	simm.s32 @!p0 $0x108  }
0x21: {  	s3 =	sadd.s32 s3, s9;
	s6 =	sadd.s32 @!p0 $0x88, s6;
	s7 =	simm.s32 @p2 $0x1082  }
0x22: {  	[simem:s7], [sflag:s8] =	dma.local @!p0 [hbm:s6], $0xF7A  }
0x23: {  	s9 =	sor.u32 $0xD0000000, s2;
	s6 =	simm.s32 $0x108;
	_ =	swait.ge @!p0 [sflag:s8], $0x0  }
0x24: {  	s3 =	sadd.s32 $0x88, s3;
	s6 =	simm.s32 @!p1 $0x1082;
	[sflag:s4] =	ssyncset.s32 $0xFFFFF086  }
0x25: {  	[simem:s6], [sflag:s4] =	dma.local [hbm:s3], $0xF7A  }
0x26: {  	[smem:$0x3F9A] =	sst s1;
	(tag) =	ssettag s2;
	_ =	strace s9  }
0x27: {  	s1 =	sld [smem:$0x3FAA]  }
0x28: {  	s2 =	sld [smem:$0x3FAB]  }
0x29: {  	s4 =	sld [smem:$0x3FAD]  }
0x2a: {  	p0 =	seq.s32 s5, $0x0;
	s5 =	sld [smem:$0x3FAE]  }
0x2b: {  	s6 =	sld [smem:$0x3FAF]  }
0x2c: {  	s7 =	sld [smem:$0x3FB0]  }
0x2d: {  	s3 =	simm.s32 $0x108;
	s8 =	sld [smem:$0x3FB1]  }
0x2e: {  	s3 =	simm.s32 @!p0 $0x1082;
	s9 =	sld [smem:$0x3FB2]  }
0x2f: {  	lr =	sadd.s32 s0, s3;
	s0 =	sld [smem:$0x3FA9]  }
0x30: {  	s3 =	sld [smem:$0x3FAC]  }
0x31: {  	[smem:$0x3FB5] =	sst s10  }
0x32: {  	s10 =	sld [smem:$0x3FB3];
	_ =	sdelay $0x3  }
0x33: {  	p0 =	seq.s32 s10, $0x1;
	s10 =	sld [smem:$0x3FB5];
	_ =	sdelay $0x3  }
0x34: {  	[smem:$0x3FB5] =	sst s10  }
0x35: {  	s10 =	sld [smem:$0x3FB4];
	_ =	sdelay $0x3  }
0x36: {  	p1 =	seq.s32 s10, $0x1;
	s10 =	sld [smem:$0x3FB5];
	_ =	sdelay $0x3  }
0x37: {  	[smem:$0x3FB5] =	sst s10  }
0x38: {  	s10 =	sld [smem:$0x3FB6]  }
0x39: {  	_ = 	snop;
	(pc) =	sbr.ind lr, $3  }
0x3a: {  	_ = 	snop  }
0x3b: {  	_ = 	snop  }
0x3c: {  	p2 =	seq.s32 s10, $0x1;
	s10 =	sld [smem:$0x3FB5]  }
0x3d: {  	_ =	shalt  }
0x3e: {  	_ =	shalt  }
0x3f: {  	_ =	shalt  }
0x40: {  	_ =	shalt  }
0x41: {  	_ =	shalt  }
0x42: {  	_ =	shalt  }
0x43: {  	_ =	shalt  }
0x44: {  	_ =	shalt  }
0x45: {  	_ =	shalt  }
0x46: {  	_ =	shalt  }
0x47: {  	_ =	shalt  }
0x48: {  	_ =	shalt  }
0x49: {  	_ =	shalt  }
0x4a: {  	_ =	shalt  }
0x4b: {  	_ =	shalt  }
0x4c: {  	_ =	shalt  }
0x4d: {  	_ =	shalt  }
0x4e: {  	_ =	shalt  }
0x4f: {  	_ =	shalt  }
0x50: {  	_ =	shalt  }
0x51: {  	_ =	shalt  }
0x52: {  	_ =	shalt  }
0x53: {  	_ =	shalt  }
0x54: {  	_ =	shalt  }
0x55: {  	_ =	shalt  }
0x56: {  	_ =	shalt  }
0x57: {  	_ =	shalt  }
0x58: {  	_ =	shalt  }
0x59: {  	_ =	shalt  }
0x5a: {  	_ =	shalt  }
0x5b: {  	_ =	shalt  }
0x5c: {  	_ =	shalt  }
0x5d: {  	_ =	shalt  }
0x5e: {  	_ =	shalt  }
0x5f: {  	_ =	shalt  }
0x60: {  	_ =	shalt  }
0x61: {  	_ =	shalt  }
0x62: {  	_ =	shalt  }
0x63: {  	_ =	shalt  }
0x64: {  	_ =	shalt  }
0x65: {  	_ =	shalt  }
0x66: {  	_ =	shalt  }
0x67: {  	_ =	shalt  }
0x68: {  	_ =	shalt  }
0x69: {  	_ =	shalt  }
0x6a: {  	_ =	shalt  }
0x6b: {  	_ =	shalt  }
0x6c: {  	_ =	shalt  }
0x6d: {  	_ =	shalt  }
0x6e: {  	_ =	shalt  }
0x6f: {  	_ =	shalt  }
0x70: {  	_ =	shalt  }
0x71: {  	_ =	shalt  }
0x72: {  	_ =	shalt  }
0x73: {  	_ =	shalt  }
0x74: {  	_ =	shalt  }
0x75: {  	_ =	shalt  }
0x76: {  	_ =	shalt  }
0x77: {  	_ =	shalt  }
0x78: {  	_ =	shalt  }
0x79: {  	_ =	shalt  }
0x7a: {  	_ =	shalt  }
0x7b: {  	_ =	shalt  }
0x7c: {  	_ =	shalt  }
0x7d: {  	_ =	shalt  }
0x7e: {  	_ =	shalt  }
0x7f: {  	_ =	shalt  }
0x80: {  	_ =	shalt  }
0x81: {  	_ =	shalt  }
0x82: {  	_ =	shalt  }
0x83: {  	_ =	shalt  }
0x84: {  	_ =	shalt  }
0x85: {  	_ =	shalt  }
0x86: {  	_ =	shalt  }
0x87: {  	_ =	shalt  }
.Lfunc_end0:
.L_simem_size_0:
called_computation.1_lowered:
.L_overlay_start_0:
0x88: {  	s2 =	sld [smem:$0x3FD9]  }
0x89: {  	s3 =	sld [smem:$0x3FFE];
	_ =	sdelay $0x1  }
0x8a: {  	s1 =	srdreg.scid  }
0x8b: {  	s0 =	sand.u32 $0x1, s1  }
0x8c: {  	s16 =	sshll.u32 s0, $0xA;
	s2 =	sadd.s32 s3, s2  }
0x8d: {  	s2 =	sadd.s32 s2, s16  }
0x8e: {  	[smem:$0x3FC1] =	sst s2  }
0x8f: {  	_ = 	snop  }
0x90: {  	(tm) =	ssettm $0x1  }
0x91: {  	s17 =	sld [smem:$0x3FFB];
	_ =	sdelay $0x3  }
0x92: {  	_ =	strace s17  }
0x93: {  	s2 =	sld [smem:$0x3FFC];
	_ =	sdelay $0x3  }
0x94: {  	_ =	strace s2  }
0x95: {  	s2 =	sld [smem:$0x3FFD];
	_ =	sdelay $0x3  }
0x96: {  	_ =	strace s2  }
0x97: {  	_ =	strace $0x8FFFFFFF  }
0x98: {  	s18 =	sld [smem:$0x3FDB];
	_ =	sdelay $0x1  }
0x99: {  	s19 =	simm.s32 $_scs_section_size  }
0x9a: {  	s4 =	simm.s32 $_size__tile_overlayer_lowered;
	s5 =	simm.s32 $_tile_overlayer_lowered  }
0x9b: {  	s22 =	simm.s32 $0x1BFF;
	s21 =	sshll.u32 s5, $0x1;
	s2 =	sadd.s32 s19, s18  }
0x9c: {  	s6 =	simm.s32 $0x0;
	s20 =	sshll.u32 s4, $0x1;
	s4 =	sadd.s32 s21, s2  }
0x9d: {  	[timem:s6], [sflag:s22] =	dma.local [hbm:s4], s20  }
0x9e: {  	_ =	swait.ge [sflag:s22], s20  }
0x9f: {  	s3 =	ssub.s32 $0x0, s20;
	[sflag:s22] =	ssyncset.done $0x0  }
0xa0: {  	[sflag:s22] =	ssyncadd.s32 s3;
	_ =	sdelay $0x1  }
0xa1: {  	s23 =	simm.s32 $0x1B8B  }
0xa2: {  	_ =	swait.ge [sflag:s23], $0x1  }
0xa3: {  	[sflag:s23] =	ssyncset.done $0x0  }
0xa4: {  	s25 =	simm.s32 $0x1B8E;
	s24 =	sld [smem:$0x3FFE];
	[sflag:s23] =	ssyncadd.s32 $0xFFFFFFFF  }
0xa5: {  	s26 =	simm.s32 $execute0_lowered;
	[smem:$0x3FD2] =	sst s25  }
0xa6: {  	s4 =	sshll.u32 s26, $0x1;
	_ =	strace $0x8000004C;
	[dreg:$0x1] =	wrdreg $0xFFFFFFFF  }
0xa7: {  	s28 =	simm.s32 $_size_execute0_lowered;
	s2 =	sadd.s32 s2, s4;
	[dreg:$0x0] =	wrdreg $0x0  }
0xa8: {  	s4 =	sshll.u32 s28, $0x1;
	[dreg:$0x2] =	wrdreg s2  }
0xa9: {  	[dreg:$0x3] =	wrdreg s4  }
0xaa: {  	[dreg:$0x4] =	wrdreg $0xC0  }
0xab: {  	_ =	task [dreg:s6], $0x5FFFF  }
0xac: {  	[dreg:$0x1] =	wrdreg $0xFFFFFFFF  }
0xad: {  	[dreg:$0x0] =	wrdreg $0x60  }
0xae: {  	[dreg:$0x2] =	wrdreg s24  }
0xaf: {  	[dreg:$0x3] =	wrdreg $0x169400  }
0xb0: {  	[dreg:$0x4] =	wrdreg $0x13EC00  }
0xb1: {  	[dreg:$0x5] =	wrdreg $0x166C00  }
0xb2: {  	[dreg:$0x6] =	wrdreg $0x9  }
0xb3: {  	_ =	task.clear_ibuf [dreg:s6], $0x7FFFF;
	_ =	strace $0x9000004C  }
0xb4: {  	s29 =	simm.s32 $0x9;
	_ =	strace $0x8000004E  }
0xb5: {  	_ =	swait.ge [sflag:s29], $0x1  }
0xb6: {  	[sflag:s29] =	ssyncadd.s32 $0xFFFFFFFF  }
0xb7: {  	_ =	strace $0x9000004E  }
0xb8: {  	_ =	sfence  }
0xb9: {  	s30 =	sld [smem:$0x0];
	_ =	sdelay $0x2  }
0xba: {  	s31 =	sshll.u32 s1, $0xD;
	s1 =	sshrl.u32 s1, $0x2  }
0xbb: {  	s3 =	sand.u32 $0x4000, s31;
	s1 =	sadd.s32 s1, s30  }
0xbc: {  	s0 =	sor.u32 s3, s0;
	s1 =	sshll.u32 s1, $0x11  }
0xbd: {  	s0 =	sor.u32 s1, s0  }
0xbe: {  	s0 =	sadd.s32 $0x8F2B, s0  }
0xbf: {  	[sflag:s0] =	ssyncadd.remote.s32 $0x1  }
0xc0: {  	_ =	sfence.sel $0xFFFF  }
0xc1: {  	[dreg:$0x0] =	wrdreg $0xFFFFFFFF;
	(pc) =	sbr.abs _section_cstart, $3  }
0xc2: {  	[dreg:$0x1] =	wrdreg $0xFFFFFFFF  }
0xc3: {  	_ =	task.clear_ibuf [dreg:s6], $0x2FFFF;
	_ =	strace $0x9FFFFFFF  }
0xc4: {  	(tm) =	ssettm $0x7FFFFFFF  }
0xc5: {  	_ =	shalt  }
tec
execute0_lowered:
.L_overlay_start_1:
0x0: {  	(tag) =	ssettag $0x1  }
0x1: {  	v0 =	vimm.s32 $0xEDCBA987  }
0x2: {  	s0 =	rddreg [dreg:$0x0];
	v2 =	vimm.s32 $0x65432100;
	v4 =	vimm.s32 $0xDCBA9876;
	v5 =	vimm.s32 $0x54321000  }
0x3: {  	s10 =	stileid.u32;
	s18 =	rddreg [dreg:$0x1];
	v6 =	vimm.s32 $0xE40000;
	v7 =	vimm.s32 $0xBA987654;
	v1 =	vunpack.c.l.s4.s8 v0  }
0x4: {  	s2 =	rddreg [dreg:$0x2];
	s3 =	srdreg.scid;
	v9 =	vimm.s32 $0x87654321;
	vm0 =	vcmask $0x3F30;
	v2 =	vunpack.c.l.s4.s8 v2  }
0x5: {  	s14 =	rddreg [dreg:$0x3];
	s5 =	simm.s32 $0x0;
	s19 =	simm.s32 $0x2710;
	vm1 =	vcmask $0x3F08;
	vm2 =	vcmask $0x3F10;
	v3 =	vunpack.c.0.s8.s32 v1  }
0x6: {  	s20 =	simm.s32 $0x9C40;
	s21 =	simm.s32 $0xC440;
	s22 =	simm.s32 $0x11440;
	v4 =	vunpack.c.l.s4.s8 v4;
	v6 =	vunpack.c.l.s2.s4 v6;
	v2 =	vunpack.c.0.s8.s32 v2  }
0x7: {  	s23 =	simm.s32 $0x2;
	s24 =	simm.s32 $0x1;
	vm3 =	vcmask $0x3F20;
	s1 =	smul.u32 $0x2710, s10;
	v5 =	vunpack.c.l.s4.s8 v5;
	v3 =	vand.u32 $0xF, v3  }
0x8: {  	s25 =	simm.s32 $0xEC40;
	s31 =	simm.s32 $0x0;
	s13 =	smul.u32 $0x280, s10;
	v6 =	vunpack.c.l.s4.s8 v6;
	v2 =	vcombine.low v2, v3;
	v3 =	vunpack.c.0.s8.s32 v4  }
0x9: {  	vm4 =	vcmask $0x3F3C;
	s3 =	sand.u32 $0x1, s3;
	[smem:$0x7FF] =	sst s5;
	s10 =	smul.u32 $0xA000, s10;
	v9 =	vunpack.c.l.s4.s8 v9;
	v5 =	vunpack.c.0.s8.s32 v5  }
0xa: {  	s6 =	sadd.s32 $0xB200, s0;
	s7 =	sadd.s32 $0xAC00, s0;
	s28 =	smul.u32 $0x140, s3;
	v6 =	vunpack.c.0.s8.s32 v6;
	v4 =	vunpack.c.l.s4.s8 v7;
	v3 =	vand.u32 $0xF, v3  }
0xb: {  	_ =	strace $0x8000004D;
	s3 =	ssub.s32 $0x2, s3;
	s4 =	sadd.s32 $0x2700, s1;
	v7 =	vimm.s32 $0x32100000;
	v3 =	vcombine.low v5, v3;
	v5 =	vimm.s32 $0x7060504  }
0xc: {  	s9 =	sshrl.u32 s1, $0x3;
	s11 =	sshrl.u32 s3, $0x1;
	s30 =	sshrl.u32 s10, $0x2;
	v7 =	vunpack.c.l.s4.s8 v7;
	v8 =	vunpack.c.0.s8.s32 v5;
	v5 =	vimm.s32 $0xFFEDCBA9  }
0xd: {  	v0 =	vlaneseq.u32;
	s10 =	sadd.s32 s13, s18;
	s12 =	sadd.s32 s13, s2;
	s16 =	sadd.s32 s28, s13;
	v4 =	vunpack.c.0.s8.s32 v4;
	v10 =	vunpack.c.l.s4.s8 v5  }
0xe: {  	v9 =	vunpack.c.0.s8.s32 v9;
	s29 =	ssub.s32 s3, s11;
	s11 =	sadd.s32 s30, s2;
	s13 =	sadd.s32 s13, s14;
	v6 =	vand.u32 $0x3, v6;
	v7 =	vunpack.c.0.s8.s32 v7  }
0xf: {  	s15 =	sadd.s32 $0x11440, s28;
	s8 =	sshrl.u32 s16, $0x3;
	s16 =	sadd.s32 s16, s18;
	v4 =	vand.u32 $0xF, v4;
	v6 =	vsel vm0, v8, v6;
	v8 =	vunpack.c.0.s8.s32 v10  }
0x10: {  	v1 =	vor.u32 s4, v0;
	s18 =	smax.u32 s29, $0x1;
	s17 =	sadd.s32 s8, s0;
	s8 =	sadd.s32 s0, s9;
	v4 =	vcombine.low v7, v4;
	v5 =	vimm.s32 $0x7FFFFFFF  }
0x11: {  	s9 =	sadd.s32 $0x5000, s8;
	s14 =	sadd.s32 $0xB800, s17;
	s17 =	sadd.s32 $0xBE00, s17;
	v7 =	vimm.s32 $0x0;
	vm0 =	vcmask $0x3F04;
	v8 =	vcombine.low v9, v8  }
.LBB2_1:
0x12: {  	[tilespmem:s5], [sflag:$0x1] =	stream.linear.gather [hbm4b:s9+s5], $0x2710, $0x38;
	[tilespmem:$0x16BC0] =	vst v63  }
0x13: {  	_ = 	snop  }
0x14: {  	[tilespmem:s19], [sflag:$0x1] =	stream.linear.gather [hbm4b:s8+s5], $0x2710, $0x38;
	[tilespmem:$0x16BC0] =	vst v63  }
0x15: {  	_ = 	snop  }
0x16: {  	[tilespmem:s20], [sflag:$0x1] =	stream.linear.gather [hbm4b:s6+s5], $0x2800, $0x38;
	[tilespmem:$0x16BC0] =	vst v63  }
0x17: {  	s0 =	simm.s32 $0x40;
	s2 =	simm.s32 $0x0  }
0x18: {  	[tilespmem:s21], [sflag:$0x1] =	stream.linear.gather [hbm4b:s7+s5], $0x2800, $0x38;
	[tilespmem:$0x16BC0] =	vst v63  }
.LBB2_2:
0x19: {  	p0 =	sne.s32 s0, $0x9FC0;
	[tilespmem:s2+$0xEC40] =	vst v5;
	s2 =	smov.u32 s0;
	s0 =	sadd.s32 $0x40, s0  }
.Ltmp0:
0x1a: {  	(pc) =	sbr.rel @p0 .LBB2_2-.Ltmp0, $2  }
0x1b: {  	_ =	sdelay $0x2  }
0x1c: {  	s2 =	sshra.s32 s2, $0x2  }
0x1d: {  	[tilespmem:s2+$0xEC40] =	vst v5  }
0x1e: {  	[tilespmem:$0x11440] =	vst v7  }
0x1f: {  	[tilespmem:$0x11450] =	vst v7  }
0x20: {  	[tilespmem:$0x11460] =	vst v7  }
0x21: {  	[tilespmem:$0x11470] =	vst v7  }
0x22: {  	[tilespmem:$0x11480] =	vst v7  }
0x23: {  	[tilespmem:$0x11490] =	vst v7  }
0x24: {  	[tilespmem:$0x114A0] =	vst v7  }
0x25: {  	[tilespmem:$0x114B0] =	vst v7  }
0x26: {  	[tilespmem:$0x114C0] =	vst v7  }
0x27: {  	[tilespmem:$0x114D0] =	vst v7  }
0x28: {  	[tilespmem:$0x114E0] =	vst v7  }
0x29: {  	[tilespmem:$0x114F0] =	vst v7  }
0x2a: {  	[tilespmem:$0x11500] =	vst v7  }
0x2b: {  	[tilespmem:$0x11510] =	vst v7  }
0x2c: {  	[tilespmem:$0x11520] =	vst v7  }
0x2d: {  	[tilespmem:$0x11530] =	vst v7  }
0x2e: {  	[tilespmem:$0x11540] =	vst v7  }
0x2f: {  	[tilespmem:$0x11550] =	vst v7  }
0x30: {  	[tilespmem:$0x11560] =	vst v7  }
0x31: {  	[tilespmem:$0x11570] =	vst v7  }
0x32: {  	[tilespmem:$0x11580] =	vst v7  }
0x33: {  	[tilespmem:$0x11590] =	vst v7  }
0x34: {  	[tilespmem:$0x115A0] =	vst v7  }
0x35: {  	[tilespmem:$0x115B0] =	vst v7  }
0x36: {  	[tilespmem:$0x115C0] =	vst v7  }
0x37: {  	[tilespmem:$0x115D0] =	vst v7  }
0x38: {  	[tilespmem:$0x115E0] =	vst v7  }
0x39: {  	[tilespmem:$0x115F0] =	vst v7  }
0x3a: {  	[tilespmem:$0x11600] =	vst v7  }
0x3b: {  	[tilespmem:$0x11610] =	vst v7  }
0x3c: {  	[tilespmem:$0x11620] =	vst v7  }
0x3d: {  	[tilespmem:$0x11630] =	vst v7  }
0x3e: {  	[tilespmem:$0x11640] =	vst v7  }
0x3f: {  	[tilespmem:$0x11650] =	vst v7  }
0x40: {  	[tilespmem:$0x11660] =	vst v7  }
0x41: {  	[tilespmem:$0x11670] =	vst v7  }
0x42: {  	[tilespmem:$0x11680] =	vst v7  }
0x43: {  	[tilespmem:$0x11690] =	vst v7  }
0x44: {  	[tilespmem:$0x116A0] =	vst v7  }
0x45: {  	[tilespmem:$0x116B0] =	vst v7  }
0x46: {  	[spmem:s10] =	stream.linear.scatter [tilespmem:s22], [sflag:$0x2], $0x280, $0x38;
	[tilespmem:$0x16BC0] =	vst v63  }
0x47: {  	_ =	swait.ge [sflag:s23], $0x280  }
0x48: {  	[sflag:s23] =	ssyncset.done $0x0  }
0x49: {  	[sflag:s23] =	ssyncadd.s32 $0xFFFFFD80  }
0x4a: {  	_ =	swait.ge [sflag:s24], $0x2710  }
0x4b: {  	[sflag:s24] =	ssyncset.done $0x0  }
0x4c: {  	[sflag:s24] =	ssyncadd.s32 $0xFFFFD8F0  }
0x4d: {  	_ =	swait.ge [sflag:s24], $0x2710  }
0x4e: {  	[sflag:s24] =	ssyncset.done $0x0  }
0x4f: {  	[sflag:s24] =	ssyncadd.s32 $0xFFFFD8F0  }
0x50: {  	_ =	swait.ge [sflag:s24], $0x2800  }
0x51: {  	[sflag:s24] =	ssyncset.done $0x0  }
0x52: {  	[sflag:s24] =	ssyncadd.s32 $0xFFFFD800  }
0x53: {  	_ =	swait.ge [sflag:s24], $0x2800  }
0x54: {  	[sflag:s24] =	ssyncset.done $0x0  }
0x55: {  	s0 =	simm.s32 $0x20;
	[sflag:s24] =	ssyncadd.s32 $0xFFFFD800  }
0x56: {  	v9 =	vld [tilespmem:s0+$0x10]  }
0x57: {  	s3 =	simm.s32 $0x2730;
	v10 =	vld [tilespmem:s0+$0xFFFFFFF0]  }
0x58: {  	v11 =	vld [tilespmem:s3+$0x10]  }
0x59: {  	v12 =	vld [tilespmem:s0+$0x0]  }
0x5a: {  	v13 =	vld [tilespmem:s0+$0xFFFFFFE0]  }
0x5b: {  	v14 =	vld [tilespmem:s3+$0xFFFFFFE0]  }
0x5c: {  	v15 =	vld [tilespmem:s3+$0xFFFFFFF0]  }
0x5d: {  	s4 =	simm.s32 $0x60;
	v16 =	vld [tilespmem:s3+$0x0]  }
0x5e: {  	v17 =	vld [tilespmem:s4+$0x10]  }
0x5f: {  	v18 =	vld [tilespmem:s4+$0xFFFFFFF0]  }
0x60: {  	v20 =	vld [tilespmem:s4+$0x0]  }
0x61: {  	s0 =	simm.s32 $0x2770;
	v21 =	vld [tilespmem:s4+$0xFFFFFFE0]  }
0x62: {  	v19 =	vld [tilespmem:s0+$0x10]  }
0x63: {  	v9 =	vld.idx.msk [tilespmem:v9+s20+$0x0], $0xffff  }
0x64: {  	v10 =	vld.idx.msk [tilespmem:v10+s20+$0x0], $0xffff  }
0x65: {  	v11 =	vld.idx.msk [tilespmem:v11+s21+$0x0], $0xffff  }
0x66: {  	v13 =	vld.idx.msk [tilespmem:v13+s20+$0x0], $0xffff  }
0x67: {  	v14 =	vld.idx.msk [tilespmem:v14+s21+$0x0], $0xffff  }
0x68: {  	v16 =	vld.idx.msk [tilespmem:v16+s21+$0x0], $0xffff  }
0x69: {  	v15 =	vld.idx.msk [tilespmem:v15+s21+$0x0], $0xffff  }
0x6a: {  	v22 =	vld [tilespmem:s0+$0xFFFFFFE0]  }
0x6b: {  	v12 =	vld.idx.msk [tilespmem:v12+s20+$0x0], $0xffff;
	vm5 =	vne.s32 v9, $0x7FFFFFFF;
	v9 =	vmul.u32 $0x27100, v9;
	vm6 =	vne.s32 v11, $0x0  }
0x6c: {  	v23 =	vld [tilespmem:s0+$0xFFFFFFF0];
	vm7 =	vne.s32 v10, $0x7FFFFFFF;
	v11 =	vmul.u32 $0x27100, v10;
	vm8 =	vne.s32 v14, $0x0  }
0x6d: {  	s26 =	sadd.s32 $0x30, s1;
	v24 =	vld [tilespmem:s0+$0x0];
	vm9 =	vne.s32 v13, $0x7FFFFFFF;
	v13 =	vmul.u32 $0x27100, v13;
	vm15 =	vne.s32 v16, $0x0  }
0x6e: {  	s30 =	sadd.s32 $0x10, s1;
	v18 =	vld.idx.msk [tilespmem:v18+s20+$0x0], $0xffff;
	vm5 =	vmand vm5, vm6;
	vm6 =	vne.s32 v15, $0x0;
	v9 =	vadd.s32 s26, v9  }
0x6f: {  	v10 =	vld.idx.msk [tilespmem:v17+s20+$0x0], $0xffff;
	vm8 =	vmand vm9, vm8;
	v11 =	vadd.s32 s30, v11;
	v9 =	vadd.s32 v0, v9  }
0x70: {  	v15 =	vld.idx.msk [tilespmem:v19+s21+$0x0], $0xffff;
	vm6 =	vmand vm7, vm6;
	v14 =	vnsel vm5, $0x7FFFFFFF, v9;
	v9 =	vmul.u32 $0x27100, v12  }
0x71: {  	s4 =	sadd.s32 $0x20, s1;
	s3 =	simm.s32 $0x4E40;
	v17 =	vadd.s32 v0, v11;
	v11 =	vld.idx.msk [tilespmem:v21+s20+$0x0], $0xffff;
	vm5 =	vne.s32 v12, $0x7FFFFFFF;
	v12 =	vadd.s32 s1, v13  }
0x72: {  	v16 =	vnsel vm6, $0x7FFFFFFF, v17;
	v12 =	vadd.s32 v0, v12;
	[tilespmem:s3+$0x10] =	vst v14;
	v13 =	vadd.s32 s4, v9;
	v9 =	vld.idx.msk [tilespmem:v20+s20+$0x0], $0xffff  }
0x73: {  	vm5 =	vmand vm5, vm15;
	v14 =	vld.idx.msk [tilespmem:v22+s21+$0x0], $0xffff;
	[tilespmem:s3+$0xFFFFFFF0] =	vst v16;
	v12 =	vnsel vm8, $0x7FFFFFFF, v12;
	v13 =	vadd.s32 v0, v13  }
0x74: {  	s2 =	simm.s32 $0x4;
	v17 =	vmul.u32 $0x27100, v10;
	s4 =	sadd.s32 $0x40, s1;
	[tilespmem:s3+$0xFFFFFFE0] =	vst v12;
	v12 =	vld.idx.msk [tilespmem:v23+s21+$0x0], $0xffff;
	v13 =	vnsel vm5, $0x7FFFFFFF, v13  }
0x75: {  	s26 =	simm.s32 $0xA0;
	v16 =	vmul.u32 $0x27100, v18;
	s28 =	sadd.s32 $0x10, s4;
	s29 =	sadd.s32 $0x30, s4;
	vm5 =	vne.s32 v18, $0x7FFFFFFF;
	[tilespmem:s3+$0x0] =	vst v13;
	v13 =	vld.idx.msk [tilespmem:v24+s21+$0x0], $0xffff  }
.LBB2_4:
0x76: {  	v18 =	vld [tilespmem:s26+$0x10];
	s2 =	sadd.s32 $0x4, s2;
	s30 =	sadd.s32 $0x20, s4;
	vm6 =	vne.s32 v10, $0x7FFFFFFF;
	vm7 =	vne.s32 v15, $0x0;
	v10 =	vadd.s32 s29, v17  }
0x77: {  	v17 =	vmul.u32 $0x27100, v9;
	s0 =	sadd.s32 $0x40, s0;
	v15 =	vld [tilespmem:s26+$0xFFFFFFF0];
	p0 =	slt.u32 s2, $0x26C;
	vm6 =	vmand vm6, vm7;
	v10 =	vadd.s32 v0, v10  }
0x78: {  	s3 =	sadd.s32 $0x40, s3;
	v20 =	vmul.u32 $0x27100, v11;
	v16 =	vadd.s32 s28, v16;
	v19 =	vld [tilespmem:s0+$0x10];
	v10 =	vnsel vm6, $0x7FFFFFFF, v10  }
0x79: {  	vm6 =	vne.s32 v11, $0x7FFFFFFF;
	vm7 =	vne.s32 v14, $0x0;
	v11 =	vadd.s32 s30, v17;
	v21 =	vld [tilespmem:s26+$0x0];
	[tilespmem:s3+$0x10] =	vst v10  }
0x7a: {  	vm9 =	vne.s32 v9, $0x7FFFFFFF;
	v10 =	vadd.s32 s4, v20;
	vm8 =	vne.s32 v12, $0x0;
	v14 =	vld [tilespmem:s26+$0xFFFFFFE0]  }
0x7b: {  	v9 =	vadd.s32 v0, v10;
	v10 =	vadd.s32 v0, v16;
	vm10 =	vne.s32 v13, $0x0;
	v12 =	vld [tilespmem:s0+$0xFFFFFFE0]  }
0x7c: {  	vm6 =	vmand vm6, vm7;
	v11 =	vadd.s32 v0, v11;
	vm5 =	vmand vm5, vm8;
	v13 =	vld [tilespmem:s0+$0xFFFFFFF0]  }
0x7d: {  	v9 =	vnsel vm6, $0x7FFFFFFF, v9;
	v16 =	vnsel vm5, $0x7FFFFFFF, v10;
	vm5 =	vmand vm9, vm10;
	v20 =	vld [tilespmem:s0+$0x0]  }
0x7e: {  	v10 =	vld.idx.msk [tilespmem:v18+s20+$0x0], $0xffff;
	[tilespmem:s3+$0xFFFFFFE0] =	vst v9;
	v9 =	vnsel vm5, $0x7FFFFFFF, v11  }
0x7f: {  	v18 =	vld.idx.msk [tilespmem:v15+s20+$0x0], $0xffff;
	[tilespmem:s3+$0xFFFFFFF0] =	vst v16  }
0x80: {  	v15 =	vld.idx.msk [tilespmem:v19+s21+$0x0], $0xffff;
	[tilespmem:s3+$0x0] =	vst v9  }
.Ltmp1:
0x81: {  	v9 =	vld.idx.msk [tilespmem:v21+s20+$0x0], $0xffff;
	(pc) =	sbr.rel @p0 .LBB2_4-.Ltmp1, $4  }
0x82: {  	v11 =	vld.idx.msk [tilespmem:v14+s20+$0x0], $0xffff  }
0x83: {  	v14 =	vld.idx.msk [tilespmem:v12+s21+$0x0], $0xffff  }
0x84: {  	s4 =	sadd.s32 $0x40, s4;
	v17 =	vmul.u32 $0x27100, v10;
	v12 =	vld.idx.msk [tilespmem:v13+s21+$0x0], $0xffff  }
0x85: {  	s28 =	sadd.s32 $0x10, s4;
	s29 =	sadd.s32 $0x30, s4;
	s26 =	sadd.s32 $0x40, s26;
	vm5 =	vne.s32 v18, $0x7FFFFFFF;
	v16 =	vmul.u32 $0x27100, v18;
	v13 =	vld.idx.msk [tilespmem:v20+s21+$0x0], $0xffff  }
0x86: {  	vm6 =	vne.s32 v10, $0x7FFFFFFF;
	vm7 =	vne.s32 v15, $0x0;
	v10 =	vadd.s32 s29, v17  }
0x87: {  	v60 =	vmul.u32 $0x27100, v9;
	vm9 =	vne.s32 v9, $0x7FFFFFFF;
	vm6 =	vmand vm6, vm7  }
0x88: {  	v10 =	vadd.s32 v0, v10;
	v61 =	vmul.u32 $0x27100, v11;
	v16 =	vadd.s32 s28, v16  }
0x89: {  	s0 =	sadd.s32 $0x20, s4;
	v10 =	vnsel vm6, $0x7FFFFFFF, v10;
	vm6 =	vne.s32 v11, $0x7FFFFFFF;
	vm7 =	vne.s32 v14, $0x0  }
0x8a: {  	v11 =	vadd.s32 s0, v60;
	v63 =	vadd.s32 v0, v16;
	v62 =	vadd.s32 s4, v61  }
0x8b: {  	s30 =	sadd.s32 $0x40, s3;
	vm8 =	vne.s32 v12, $0x0;
	vm6 =	vmand vm6, vm7;
	v9 =	vadd.s32 v0, v62  }
0x8c: {  	[tilespmem:s30+$0x10] =	vst v10;
	vm7 =	vne.s32 v13, $0x0;
	vm5 =	vmand vm5, vm8;
	v9 =	vnsel vm6, $0x7FFFFFFF, v9  }
0x8d: {  	v10 =	vadd.s32 v0, v11;
	v11 =	vnsel vm5, $0x7FFFFFFF, v63;
	vm5 =	vmand vm9, vm7;
	[tilespmem:s30+$0xFFFFFFE0] =	vst v9  }
0x8e: {  	v9 =	vnsel vm5, $0x7FFFFFFF, v10;
	[tilespmem:s30+$0xFFFFFFF0] =	vst v11  }
0x8f: {  	[tilespmem:s30+$0x0] =	vst v9  }
0x90: {  	v9 =	vld [tilespmem:$0x2700]  }
0x91: {  	v10 =	vld [tilespmem:$0x4E10];
	_ =	sdelay $0x6  }
0x92: {  	v9 =	vld.idx.msk [tilespmem:v9+s20+$0x0], $0xffff  }
0x93: {  	v10 =	vld.idx.msk [tilespmem:v10+s21+$0x0], $0xffff;
	_ =	sdelay $0x3  }
0x94: {  	v11 =	vmul.u32 $0x27100, v9  }
0x95: {  	vm5 =	vne.s32 v9, $0x7FFFFFFF;
	vm6 =	vne.s32 v10, $0x0  }
0x96: {  	vm5 =	vmand vm5, vm6;
	v9 =	vadd.s32 v11, v1  }
0x97: {  	v9 =	vnsel vm5, $0x7FFFFFFF, v9  }
0x98: {  	s0 =	simm.s32 $0x0;
	[tilespmem:$0x7520] =	vst v9  }
.LBB2_6:
0x99: {  	s2 =	sshra.s32 s0, $0x2  }
0x9a: {  	v9 =	vld [tilespmem:s2+$0x4E20];
	_ =	sdelay $0x4  }
0x9b: {  	v10 =	vxor.u32 $0x80000000, v9  }
0x9c: {  	(xrf0) =	vmin.scan.msk.u32 $0xffff, v10;
	_ =	sdelay $0x5  }
0x9d: {  	v10, _, _ =	vpop (xrf0)  }
0x9e: {  	(v2sf) =	vpush v10, $0xF;
	_ =	sdelay $0xe  }
0x9f: {  	s3 =	spop (v2sf)  }
0xa0: {  	p0 =	seq.s32 s3, $0xFFFFFFFF  }
0xa1: {  	v10 =	vld @!p0 [tilespmem:s2+$0x2710];
	_ =	sdelay $0x4  }
0xa2: {  	v10 =	vxor.u32 @!p0 $0x80000000, v10  }
0xa3: {  	(xrf1) =	vsort.ascd.msk.u32 @!p0 $0xffff, v10, v9;
	_ =	sdelay $0xd  }
0xa4: {  	v9, v10, _ =	vpop @!p0 (xrf1)  }
0xa5: {  	v9 =	vxor.u32 @!p0 $0x80000000, v9  }
0xa6: {  	v12 =	vperm.xlane @!p0 v10, v2;
	v11 =	vperm.xlane @!p0 v9, v2;
	_ =	sdelay $0x1  }
0xa7: {  	vm6 =	vlt.s32 @!p0 v10, v12;
	vm5 =	veq.s32 @!p0 v11, v9  }
0xa8: {  	v11 =	vsel @!p0 vm6, v10, v12;
	vm5 =	vmand @!p0 vm5, vm0  }
0xa9: {  	v10 =	vsel @!p0 vm5, v11, v10  }
0xaa: {  	v11 =	vperm.xlane @!p0 v9, v3;
	v12 =	vperm.xlane @!p0 v10, v3;
	_ =	sdelay $0x1  }
0xab: {  	vm5 =	veq.s32 @!p0 v11, v9;
	vm6 =	vlt.s32 @!p0 v10, v12  }
0xac: {  	vm5 =	vmand @!p0 vm5, vm1;
	v11 =	vsel @!p0 vm6, v10, v12  }
0xad: {  	v10 =	vsel @!p0 vm5, v11, v10  }
0xae: {  	v11 =	vperm.xlane @!p0 v9, v4;
	v12 =	vperm.xlane @!p0 v10, v4;
	_ =	sdelay $0x1  }
0xaf: {  	vm5 =	veq.s32 @!p0 v11, v9;
	vm6 =	vlt.s32 @!p0 v10, v12  }
0xb0: {  	vm5 =	vmand @!p0 vm5, vm2;
	v11 =	vsel @!p0 vm6, v10, v12;
	v12 =	vperm.xlane @!p0 v9, v8  }
0xb1: {  	v10 =	vsel @!p0 vm5, v11, v10  }
0xb2: {  	v11 =	vperm.xlane @!p0 v9, v6;
	v13 =	vperm.xlane @!p0 v10, v6;
	vm5 =	vne.s32 @!p0 v12, v9;
	v12 =	vld.idx.msk @!p0 [tilespmem:v9+s25+$0x0], $0xffff  }
0xb3: {  	vm5 =	vmor @!p0 vm5, vm4  }
0xb4: {  	vm6 =	veq.s32 @!p0 v11, v9;
	vm7 =	vlt.s32 @!p0 v10, v13  }
0xb5: {  	vm6 =	vmand @!p0 vm6, vm3;
	v11 =	vsel @!p0 vm7, v10, v13  }
0xb6: {  	v10 =	vsel @!p0 vm6, v11, v10  }
0xb7: {  	vm6 =	vlt.s32 @!p0 v12, v10  }
0xb8: {  	s0 =	sadd.s32 $0x40, s0;
	v10 =	vsel @!p0 vm6, v12, v10  }
0xb9: {  	[tilespmem:v9+s25+$0x0] =	vst.idx.msk @!p0 vm5, v10;
	p0 =	sne.s32 s0, $0x9C40  }
.Ltmp2:
0xba: {  	_ = 	snop;
	(pc) =	sbr.rel @p0 .LBB2_6-.Ltmp2, $1  }
0xbb: {  	_ =	sdelay $0x3  }
0xbc: {  	[spmem:s11] =	stream.linear.scatter [tilespmem:s25], [sflag:$0x2], $0x2800, $0x38;
	[tilespmem:$0x16BC0] =	vst v63  }
0xbd: {  	_ =	swait.ge [sflag:s23], $0x2800  }
0xbe: {  	[sflag:s23] =	ssyncset.done $0x0  }
0xbf: {  	s0 =	simm.s32 $0x280;
	[sflag:s23] =	ssyncadd.s32 $0xFFFFD800  }
0xc0: {  	s2 =	simm.s32 $0x2800;
	s3 =	simm.s32 $0x116C0;
	[bflag:$0x0] =	sbarrier.arrive $0xFFFF  }
0xc1: {  	[tilespmem:s3], [sflag:$0x2] =	stream.strided.gather [spmem:s12], $0x2800, s2, s0, $0x38;
	[tilespmem:$0x16BC0] =	vst v63  }
0xc2: {  	_ =	swait.ge [sflag:s23], $0x2800  }
0xc3: {  	[sflag:s23] =	ssyncset.done $0x0  }
0xc4: {  	s0 =	simm.s32 $0x0;
	[sflag:s23] =	ssyncadd.s32 $0xFFFFD800  }
0xc5: {  	v9 =	vld [tilespmem:s0+$0x116C0]  }
0xc6: {  	v10 =	vld [tilespmem:s0+$0x11940];
	_ =	sdelay $0x1  }
0xc7: {  	v11 =	vld [tilespmem:s0+$0x11BC0];
	_ =	sdelay $0x1  }
0xc8: {  	v12 =	vld [tilespmem:s0+$0x11E40]  }
0xc9: {  	vm5 =	vlt.s32 v9, v10  }
0xca: {  	v9 =	vsel vm5, v9, v10;
	v10 =	vld [tilespmem:s0+$0x120C0]  }
0xcb: {  	vm5 =	vlt.s32 v9, v11  }
0xcc: {  	v9 =	vsel vm5, v9, v11;
	v11 =	vld [tilespmem:s0+$0x12340]  }
0xcd: {  	vm5 =	vlt.s32 v9, v12  }
0xce: {  	v9 =	vsel vm5, v9, v12;
	v12 =	vld [tilespmem:s0+$0x125C0]  }
0xcf: {  	vm5 =	vlt.s32 v9, v10  }
0xd0: {  	v9 =	vsel vm5, v9, v10;
	v10 =	vld [tilespmem:s0+$0x12840]  }
0xd1: {  	v13 =	vld [tilespmem:s0+$0x12D40];
	vm5 =	vlt.s32 v9, v11  }
0xd2: {  	s3 =	simm.s32 $0x10;
	v9 =	vsel vm5, v9, v11;
	v11 =	vld [tilespmem:s0+$0x12AC0]  }
0xd3: {  	v14 =	vld [tilespmem:s3+$0x116C0];
	vm5 =	vlt.s32 v9, v12  }
0xd4: {  	v15 =	vld [tilespmem:s3+$0x11940];
	v9 =	vsel vm5, v9, v12  }
0xd5: {  	v16 =	vld [tilespmem:s3+$0x11BC0];
	vm5 =	vlt.s32 v9, v10  }
0xd6: {  	v12 =	vld [tilespmem:s0+$0x12FC0];
	v9 =	vsel vm5, v9, v10  }
0xd7: {  	v17 =	vld [tilespmem:s0+$0x13240];
	vm5 =	vlt.s32 v9, v11  }
0xd8: {  	v18 =	vld [tilespmem:s3+$0x11E40];
	v9 =	vsel vm5, v9, v11  }
0xd9: {  	v19 =	vld [tilespmem:s0+$0x134C0];
	vm5 =	vlt.s32 v14, v15;
	vm6 =	vlt.s32 v9, v13  }
0xda: {  	v10 =	vsel vm5, v14, v15;
	v14 =	vld [tilespmem:s3+$0x120C0];
	v9 =	vsel vm6, v9, v13  }
0xdb: {  	v20 =	vld [tilespmem:s0+$0x13740];
	vm5 =	vlt.s32 v10, v16;
	vm6 =	vlt.s32 v9, v12  }
0xdc: {  	v15 =	vld [tilespmem:s3+$0x12340];
	v11 =	vsel vm5, v10, v16;
	v9 =	vsel vm6, v9, v12  }
0xdd: {  	v10 =	vld [tilespmem:s0+$0x139C0];
	vm5 =	vlt.s32 v11, v18;
	vm6 =	vlt.s32 v9, v17  }
0xde: {  	v12 =	vld [tilespmem:s3+$0x125C0];
	v13 =	vsel vm5, v11, v18;
	v9 =	vsel vm6, v9, v17  }
0xdf: {  	v11 =	vld [tilespmem:s0+$0x13C40];
	vm5 =	vlt.s32 v13, v14;
	vm6 =	vlt.s32 v9, v19  }
0xe0: {  	v14 =	vsel vm5, v13, v14;
	v13 =	vld [tilespmem:s3+$0x12840];
	v17 =	vsel vm6, v9, v19  }
0xe1: {  	vm5 =	vlt.s32 v14, v15;
	v9 =	vld [tilespmem:s3+$0x12D40];
	vm6 =	vlt.s32 v17, v20  }
0xe2: {  	s4 =	simm.s32 $0x20;
	v16 =	vsel vm5, v14, v15;
	v15 =	vld [tilespmem:s3+$0x12AC0];
	v17 =	vsel vm6, v17, v20  }
0xe3: {  	s2 =	simm.s32 $0xC0;
	v14 =	vld [tilespmem:s4+$0x116C0];
	vm5 =	vlt.s32 v16, v12;
	vm6 =	vlt.s32 v17, v10  }
.LBB2_8:
0xe4: {  	p0 =	sne.s32 s2, $0x9C0;
	v18 =	vld [tilespmem:s4+$0x11940];
	v12 =	vsel vm5, v16, v12;
	v10 =	vsel vm6, v17, v10  }
0xe5: {  	vm5 =	vlt.s32 v12, v13;
	v16 =	vld [tilespmem:s3+$0x12FC0];
	vm6 =	vlt.s32 v10, v11  }
0xe6: {  	v17 =	vld [tilespmem:s4+$0x11BC0];
	v12 =	vsel vm5, v12, v13;
	v10 =	vsel vm6, v10, v11  }
0xe7: {  	vm5 =	vlt.s32 v12, v15;
	v11 =	vld [tilespmem:s3+$0x13240];
	[tilespmem:s0+$0x11440] =	vst v10;
	s0 =	smov.u32 s3;
	s3 =	smov.u32 s4  }
0xe8: {  	v13 =	vld [tilespmem:s3+$0x11E40];
	v10 =	vsel vm5, v12, v15  }
0xe9: {  	vm5 =	vlt.s32 v14, v18;
	vm6 =	vlt.s32 v10, v9;
	v15 =	vld [tilespmem:s0+$0x134C0]  }
0xea: {  	v12 =	vsel vm5, v14, v18;
	v14 =	vld [tilespmem:s3+$0x120C0];
	v9 =	vsel vm6, v10, v9  }
0xeb: {  	vm5 =	vlt.s32 v12, v17;
	vm6 =	vlt.s32 v9, v16;
	v18 =	vld [tilespmem:s0+$0x13740]  }
0xec: {  	v12 =	vsel vm5, v12, v17;
	v17 =	vld [tilespmem:s3+$0x12340];
	v9 =	vsel vm6, v9, v16  }
0xed: {  	vm5 =	vlt.s32 v12, v13;
	vm6 =	vlt.s32 v9, v11;
	v10 =	vld [tilespmem:s0+$0x139C0]  }
0xee: {  	v13 =	vsel vm5, v12, v13;
	v12 =	vld [tilespmem:s3+$0x125C0];
	v9 =	vsel vm6, v9, v11  }
.Ltmp3:
0xef: {  	vm5 =	vlt.s32 v13, v14;
	vm6 =	vlt.s32 v9, v15;
	v11 =	vld [tilespmem:s0+$0x13C40];
	(pc) =	sbr.rel @p0 .LBB2_8-.Ltmp3, $4  }
0xf0: {  	v14 =	vsel vm5, v13, v14;
	v13 =	vld [tilespmem:s3+$0x12840];
	v19 =	vsel vm6, v9, v15  }
0xf1: {  	vm5 =	vlt.s32 v14, v17;
	v9 =	vld [tilespmem:s3+$0x12D40];
	vm6 =	vlt.s32 v19, v18  }
0xf2: {  	s4 =	sshra.s32 s2, $0x2;
	v16 =	vsel vm5, v14, v17;
	v15 =	vld [tilespmem:s3+$0x12AC0];
	v17 =	vsel vm6, v19, v18  }
0xf3: {  	s2 =	sadd.s32 $0x40, s2;
	v14 =	vld [tilespmem:s4+$0x116C0];
	vm5 =	vlt.s32 v16, v12;
	vm6 =	vlt.s32 v17, v10  }
0xf4: {  	v18 =	vld [tilespmem:s4+$0x11940];
	v10 =	vsel vm6, v17, v10  }
0xf5: {  	v60 =	vld [tilespmem:s3+$0x12FC0];
	vm6 =	vlt.s32 v10, v11  }
0xf6: {  	v19 =	vld [tilespmem:s4+$0x11BC0];
	v12 =	vsel vm5, v16, v12;
	v10 =	vsel vm6, v10, v11  }
0xf7: {  	vm5 =	vlt.s32 v12, v13;
	v11 =	vld [tilespmem:s3+$0x13240];
	[tilespmem:s0+$0x11440] =	vst v10  }
0xf8: {  	v10 =	vsel vm5, v12, v13;
	v12 =	vld [tilespmem:s4+$0x11E40]  }
0xf9: {  	vm5 =	vlt.s32 v10, v15;
	vm6 =	vlt.s32 v14, v18  }
0xfa: {  	v10 =	vsel vm5, v10, v15;
	v13 =	vsel vm6, v14, v18;
	v14 =	vld [tilespmem:s4+$0x120C0]  }
0xfb: {  	v15 =	vld [tilespmem:s3+$0x134C0];
	vm5 =	vlt.s32 v10, v9;
	vm6 =	vlt.s32 v13, v19  }
0xfc: {  	v9 =	vsel vm5, v10, v9;
	v10 =	vsel vm6, v13, v19;
	v13 =	vld [tilespmem:s4+$0x12340]  }
0xfd: {  	v61 =	vld [tilespmem:s3+$0x13740];
	vm5 =	vlt.s32 v9, v60;
	vm6 =	vlt.s32 v10, v12  }
0xfe: {  	v9 =	vsel vm5, v9, v60;
	v10 =	vsel vm6, v10, v12;
	v12 =	vld [tilespmem:s4+$0x125C0]  }
0xff: {  	v62 =	vld [tilespmem:s3+$0x139C0];
	vm5 =	vlt.s32 v9, v11;
	vm6 =	vlt.s32 v10, v14  }
0x100: {  	v9 =	vsel vm5, v9, v11;
	v11 =	vld [tilespmem:s4+$0x12840];
	v10 =	vsel vm6, v10, v14  }
0x101: {  	vm5 =	vlt.s32 v9, v15;
	v14 =	vld [tilespmem:s3+$0x13C40];
	vm6 =	vlt.s32 v10, v13  }
0x102: {  	v9 =	vsel vm5, v9, v15;
	v10 =	vsel vm6, v10, v13;
	v13 =	vld [tilespmem:s4+$0x12AC0]  }
0x103: {  	vm5 =	vlt.s32 v9, v61;
	vm6 =	vlt.s32 v10, v12  }
0x104: {  	v15 =	vld [tilespmem:s4+$0x12D40];
	v9 =	vsel vm5, v9, v61;
	v10 =	vsel vm6, v10, v12  }
0x105: {  	vm5 =	vlt.s32 v9, v62;
	vm6 =	vlt.s32 v10, v11  }
0x106: {  	v12 =	vld [tilespmem:s4+$0x12FC0];
	v9 =	vsel vm5, v9, v62;
	v10 =	vsel vm6, v10, v11  }
0x107: {  	vm5 =	vlt.s32 v9, v14;
	vm6 =	vlt.s32 v10, v13  }
0x108: {  	v11 =	vld [tilespmem:s4+$0x13240];
	v9 =	vsel vm5, v9, v14;
	v10 =	vsel vm6, v10, v13  }
0x109: {  	[tilespmem:s3+$0x11440] =	vst v9;
	vm5 =	vlt.s32 v10, v15  }
0x10a: {  	v9 =	vld [tilespmem:s4+$0x134C0];
	v10 =	vsel vm5, v10, v15  }
0x10b: {  	vm5 =	vlt.s32 v10, v12  }
0x10c: {  	v13 =	vld [tilespmem:s4+$0x13740];
	v10 =	vsel vm5, v10, v12  }
0x10d: {  	vm5 =	vlt.s32 v10, v11  }
0x10e: {  	v12 =	vld [tilespmem:s4+$0x139C0];
	v10 =	vsel vm5, v10, v11  }
0x10f: {  	vm5 =	vlt.s32 v10, v9  }
0x110: {  	v11 =	vld [tilespmem:s4+$0x13C40];
	v9 =	vsel vm5, v10, v9  }
0x111: {  	vm5 =	vlt.s32 v9, v13  }
0x112: {  	v9 =	vsel vm5, v9, v13  }
0x113: {  	vm5 =	vlt.s32 v9, v12  }
0x114: {  	v9 =	vsel vm5, v9, v12  }
0x115: {  	vm5 =	vlt.s32 v9, v11  }
0x116: {  	v9 =	vsel vm5, v9, v11  }
0x117: {  	[tilespmem:s4+$0x11440] =	vst v9  }
0x118: {  	[spmem:s13] =	stream.linear.scatter [tilespmem:s22], [sflag:$0x2], $0x280, $0x38;
	[tilespmem:$0x16BC0] =	vst v63  }
0x119: {  	_ =	swait.ge [sflag:s23], $0x280  }
0x11a: {  	[sflag:s23] =	ssyncset.done $0x0  }
0x11b: {  	[sflag:s23] =	ssyncadd.s32 $0xFFFFFD80  }
0x11c: {  	[hbm4b:s14+s5] =	stream.linear.scatter [tilespmem:s15], [sflag:$0x1], $0x140, $0x38;
	[tilespmem:$0x16BC0] =	vst v63  }
0x11d: {  	[bflag:$0x0] =	sbarrier.arrive $0xFFFF  }
0x11e: {  	s26 =	rddreg [dreg:$0x3]  }
0x11f: {  	[tilespmem:s25], [sflag:$0x2] =	stream.linear.gather [spmem:s26], $0x2800, $0x38;
	[tilespmem:$0x16BC0] =	vst v63  }
0x120: {  	_ =	swait.ge [sflag:s23], $0x2800  }
0x121: {  	[sflag:s23] =	ssyncset.done $0x0  }
0x122: {  	s28 =	simm.s32 $0x2720;
	[sflag:s23] =	ssyncadd.s32 $0xFFFFD800  }
0x123: {  	v9 =	vld [tilespmem:s28+$0x0];
	_ =	sdelay $0x3  }
0x124: {  	v10 =	vld [tilespmem:s28+$0xFFFFFFF0]  }
0x125: {  	s29 =	simm.s32 $0x4E30  }
0x126: {  	s30 =	simm.s32 $0x2740;
	v14 =	vld [tilespmem:s29+$0x0]  }
0x127: {  	v15 =	vld [tilespmem:s30+$0x0]  }
0x128: {  	s2 =	simm.s32 $0x10;
	v9 =	vld.idx.msk [tilespmem:v9+s25+$0x0], $0xffff  }
0x129: {  	v63 =	vld [tilespmem:s2+$0x0]  }
0x12a: {  	v13 =	vld [tilespmem:s30+$0xFFFFFFF0]  }
0x12b: {  	v12 =	vld [tilespmem:s29+$0xFFFFFFF0]  }
0x12c: {  	v11 =	vld.idx.msk [tilespmem:v10+s25+$0x0], $0xffff  }
0x12d: {  	vm5 =	vne.s32 v14, $0x7FFFFFFF;
	vm6 =	veq.s32 v14, v9;
	v9 =	vld [tilespmem:s2+$0xFFFFFFF0]  }
0x12e: {  	s3 =	simm.s32 $0x4E50;
	v14 =	vadd.s32 $0x1, v63;
	vm5 =	vmand vm5, vm6  }
0x12f: {  	s0 =	simm.s32 $0x7540;
	v10 =	vld [tilespmem:s3+$0x0];
	v16 =	vnsel vm5, $0x0, v14  }
0x130: {  	s4 =	simm.s32 $0x2;
	s26 =	simm.s32 $0x2760;
	v14 =	vld.idx.msk [tilespmem:v15+s25+$0x0], $0xffff;
	[tilespmem:s0+$0x0] =	vst v16  }
.LBB2_10:
0x131: {  	v15 =	vld [tilespmem:s26+$0x0];
	s4 =	sadd.s32 $0x2, s4;
	vm5 =	vne.s32 v12, $0x7FFFFFFF;
	vm6 =	veq.s32 v12, v11;
	s2 =	sadd.s32 $0x20, s2  }
0x132: {  	p0 =	slt.u32 s4, $0x26E;
	v16 =	vld [tilespmem:s2+$0x0];
	vm5 =	vmand vm5, vm6;
	v9 =	vadd.s32 $0x1, v9  }
0x133: {  	v17 =	vld [tilespmem:s26+$0xFFFFFFF0];
	v9 =	vnsel vm5, $0x0, v9  }
0x134: {  	v11 =	vld.idx.msk [tilespmem:v13+s25+$0x0], $0xffff;
	[tilespmem:s0+$0xFFFFFFF0] =	vst v9  }
.Ltmp4:
0x135: {  	v12 =	vld [tilespmem:s3+$0xFFFFFFF0];
	(pc) =	sbr.rel @p0 .LBB2_10-.Ltmp4, $4  }
0x136: {  	vm5 =	vne.s32 v10, $0x7FFFFFFF;
	vm6 =	veq.s32 v10, v14;
	v9 =	vld [tilespmem:s2+$0xFFFFFFF0]  }
0x137: {  	s3 =	sadd.s32 $0x20, s3;
	vm5 =	vmand vm5, vm6;
	v14 =	vadd.s32 $0x1, v16  }
0x138: {  	s0 =	sadd.s32 $0x20, s0;
	v10 =	vld [tilespmem:s3+$0x0];
	v16 =	vnsel vm5, $0x0, v14;
	v13 =	vmov v17  }
0x139: {  	s26 =	sadd.s32 $0x20, s26;
	v14 =	vld.idx.msk [tilespmem:v15+s25+$0x0], $0xffff;
	[tilespmem:s0+$0x0] =	vst v16  }
0x13a: {  	_ =	sdelay $0x3  }
0x13b: {  	v13 =	vld.idx.msk [tilespmem:v13+s25+$0x0], $0xffff  }
0x13c: {  	s2 =	sadd.s32 $0x20, s2;
	v16 =	vld [tilespmem:s3+$0xFFFFFFF0]  }
0x13d: {  	v15 =	vld [tilespmem:s2+$0x0]  }
0x13e: {  	vm5 =	veq.s32 v12, v11;
	vm6 =	vne.s32 v12, $0x7FFFFFFF;
	v17 =	vld [tilespmem:s2+$0xFFFFFFF0]  }
0x13f: {  	vm5 =	vmand vm6, vm5  }
0x140: {  	v9 =	vadd.s32 $0x1, v9;
	vm6 =	vne.s32 v10, $0x7FFFFFFF;
	vm7 =	veq.s32 v10, v14  }
0x141: {  	v9 =	vnsel vm5, $0x0, v9;
	vm5 =	vmand vm6, vm7  }
0x142: {  	vm6 =	vne.s32 v16, $0x7FFFFFFF;
	vm7 =	veq.s32 v16, v13;
	v10 =	vadd.s32 $0x1, v15  }
0x143: {  	s28 =	sadd.s32 $0x20, s0;
	[tilespmem:s0+$0xFFFFFFF0] =	vst v9;
	v9 =	vadd.s32 $0x1, v17;
	v10 =	vnsel vm5, $0x0, v10;
	vm5 =	vmand vm6, vm7  }
0x144: {  	[tilespmem:s28+$0x0] =	vst v10;
	v9 =	vnsel vm5, $0x0, v9  }
0x145: {  	[tilespmem:s28+$0xFFFFFFF0] =	vst v9  }
0x146: {  	v9 =	vld [tilespmem:$0x4E10];
	_ =	sdelay $0x6  }
0x147: {  	v10 =	vld [tilespmem:$0x7520]  }
0x148: {  	v9 =	vld.idx.msk [tilespmem:v9+s25+$0x0], $0xffff  }
0x149: {  	v11 =	vld [tilespmem:$0x2700];
	_ =	sdelay $0x3  }
0x14a: {  	vm5 =	vne.s32 v10, $0x7FFFFFFF;
	vm6 =	veq.s32 v10, v9  }
0x14b: {  	v9 =	vadd.s32 $0x1, v11;
	vm5 =	vmand vm5, vm6  }
0x14c: {  	v9 =	vnsel vm5, $0x0, v9  }
0x14d: {  	[tilespmem:$0x9C30] =	vst v9  }
0x14e: {  	_ =	swait.ge [sflag:s24], $0x140  }
0x14f: {  	[sflag:s24] =	ssyncset.done $0x0  }
0x150: {  	[sflag:s24] =	ssyncadd.s32 $0xFFFFFEC0  }
0x151: {  	s30 =	simm.s32 $0x7530;
	s29 =	rddreg [dreg:$0x1]  }
0x152: {  	[spmem:s29] =	stream.indirect.scatter.add.s32 [tilespmem:s30], [sflag:$0x2], $0x1, s19, s19, $0xb8;
	[tilespmem:$0x16BC0] =	vst v63  }
0x153: {  	_ =	swait.ge [sflag:s23], $0x2710  }
0x154: {  	[sflag:s23] =	ssyncset.done $0x0  }
0x155: {  	[sflag:s23] =	ssyncadd.s32 $0xFFFFD8F0  }
0x156: {  	[bflag:$0x0] =	sbarrier.arrive $0xFFFF  }
0x157: {  	[tilespmem:s22], [sflag:$0x2] =	stream.linear.gather [spmem:s16], $0x140, $0x38;
	[tilespmem:$0x16BC0] =	vst v63  }
0x158: {  	s31 =	sadd.s32 $0x1, s31;
	_ =	swait.ge [sflag:s23], $0x140  }
0x159: {  	p0 =	sne.s32 s31, s18;
	[sflag:s23] =	ssyncset.done $0x0  }
.Ltmp5:
0x15a: {  	[sflag:s23] =	ssyncadd.s32 $0xFFFFFEC0;
	(pc) =	sbr.rel @p0 .LBB2_1-.Ltmp5, $4  }
0x15b: {  	[hbm4b:s17+s5] =	stream.linear.scatter [tilespmem:s22], [sflag:$0x2], $0x140, $0x38;
	[tilespmem:$0x16BC0] =	vst v63  }
0x15c: {  	_ =	swait.ge [sflag:s23], $0x140  }
0x15d: {  	[sflag:s23] =	ssyncset.done $0x0  }
0x15e: {  	[sflag:s23] =	ssyncadd.s32 $0xFFFFFEC0  }
0x15f: {  	_ =	sfence.sel $0x180000  }
0x160: {  	[bflag:$0x0] =	sbarrier.arrive $0xFFFF  }
0x161: {  	_ =	strace $0x9000004D  }
0x162: {  	s0 =	stileid.u32;
	[bflag:$0x2] =	sbarrier.arrive $0xFFFF  }
0x163: {  	p0 =	sne.s32 s0, $0x0;
	s0 =	rddreg [dreg:$0x4]  }
0x164: {  	s0 =	sadd.s32 @!p0 $0x100000, s0  }
0x165: {  	[sflag:s0] =	ssyncadd.tile.s32 @!p0 $0x1;
	_ =	shalt  }
.Lfunc_end2:
_tile_overlayer_lowered:
.L_overlay_start_2:
0x166: {  	(tag) =	ssettag $0x2  }
0x167: {  	s0 =	rddreg [dreg:$0x0];
	s2 =	stileid.u32  }
0x168: {  	s1 =	rddreg [dreg:$0x1];
	p0 =	sne.s32 s2, $0x0  }
0x169: {  	s3 =	rddreg [dreg:$0x2];
	[bflag:$0x3] =	sbarrier.arrive $0xFFFF;
	s2 =	simm.s32 @!p0 $0x1C02  }
0x16a: {  	[timem:s3], [sflag:s2] =	dma.local @!p0 [hbm:s0], s1  }
0x16b: {  	s0 =	simm.s32 @!p0 $0x2  }
0x16c: {  	_ =	swait.ge @!p0 [sflag:s0], s1  }
0x16d: {  	s1 =	ssub.s32 @!p0 $0x0, s1;
	[sflag:s0] =	ssyncset.done @!p0 $0x0  }
0x16e: {  	[sflag:s0] =	ssyncadd.s32 @!p0 s1  }
0x16f: {  	[bflag:$0x3] =	sbarrier.arrive $0xFFFF  }
0x170: {  	_ =	shalt  }

// kernel: kernel.4.cloned.1.call-start
scs
__scs_entry_jumppad:
0x0: {  	(pc) =	sbr.rel $0x88, $3  }
0x1: {  	(tag) =	ssettag $0x0;
	lr =	simm.s32 $0x1  }
0x2: {  	[smem:$0x3F9A] =	sst lr;
	_ =	strace $0xD0000000  }
0x3: {  	_ = 	snop  }
0x4: {  	_ = 	snop  }
0x5: {  	_ = 	snop  }
0x6: {  	_ = 	snop  }
0x7: {  	_ = 	snop  }
__scs_overlays_trampoline_lowered:
0x8: {  	[smem:$0x3FA9] =	sst s0  }
0x9: {  	[smem:$0x3FAA] =	sst s1  }
0xa: {  	[smem:$0x3FAB] =	sst s2  }
0xb: {  	[smem:$0x3FAC] =	sst s3  }
0xc: {  	[smem:$0x3FAD] =	sst s4  }
0xd: {  	[smem:$0x3FAE] =	sst s5  }
0xe: {  	[smem:$0x3FAF] =	sst s6  }
0xf: {  	[smem:$0x3FB0] =	sst s7  }
0x10: {  	[smem:$0x3FB1] =	sst s8  }
0x11: {  	[smem:$0x3FB2] =	sst s9;
	s0 =	simm.s32 @!p0 $0x0  }
0x12: {  	s1 =	sld [smem:$0x3F98];
	s0 =	simm.s32 @p0 $0x1  }
0x13: {  	[smem:$0x3FB3] =	sst s0;
	s0 =	simm.s32 @!p1 $0x0  }
0x14: {  	s2 =	sld [smem:$0x3F97];
	s0 =	simm.s32 @p1 $0x1  }
0x15: {  	[smem:$0x3FB4] =	sst s0;
	s0 =	simm.s32 @!p2 $0x0  }
0x16: {  	s3 =	sld [smem:$0x3FDB];
	s0 =	simm.s32 @p2 $0x1  }
0x17: {  	s4 =	simm.s32 $0x1BF5;
	[smem:$0x3FB6] =	sst s0  }
0x18: {  	s0 =	sld [smem:$0x3F99];
	_ =	swait.ge [sflag:s4], $0x0  }
0x19: {  	s7 =	sld [smem:$0x3F9A]  }
0x1a: {  	s8 =	sadd.s32 $0xFFFFE003, lr  }
0x1b: {  	s9 =	sadd.s32 $0xFFFFFEF7, lr;
	s5 =	simm.s32 $0xFFFFFFFF;
	p2 =	slt.u32 s8, $0xFFFFF086  }
0x1c: {  	p1 =	slt.u32 s9, $0xF7A;
	s5 =	simm.s32 @!p2 $0x0  }
0x1d: {  	s5 =	simm.s32 @p1 $0x1;
	p0 =	seq.s32 s7, s2  }
0x1e: {  	s7 =	smul.u32 @!p0 $0xF7A, s2;
	p2 =	seq.s32 @!p0 s5, $0x0  }
0x1f: {  	s9 =	smul.u32 $0xF7A, s1;
	s8 =	simm.s32 @!p0 $0x1BF5;
	p2 =	por !p2, p0  }
0x20: {  	[sflag:s8] =	ssyncset.s32 @!p0 $0xFFFFF086;
	s6 =	sadd.s32 @!p0 s3, s7;
	s7 =	simm.s32 @!p0 $0x108  }
0x21: {  	s3 =	sadd.s32 s3, s9;
	s6 =	sadd.s32 @!p0 $0x88, s6;
	s7 =	simm.s32 @p2 $0x1082  }
0x22: {  	[simem:s7], [sflag:s8] =	dma.local @!p0 [hbm:s6], $0xF7A  }
0x23: {  	s9 =	sor.u32 $0xD0000000, s2;
	s6 =	simm.s32 $0x108;
	_ =	swait.ge @!p0 [sflag:s8], $0x0  }
0x24: {  	s3 =	sadd.s32 $0x88, s3;
	s6 =	simm.s32 @!p1 $0x1082;
	[sflag:s4] =	ssyncset.s32 $0xFFFFF086  }
0x25: {  	[simem:s6], [sflag:s4] =	dma.local [hbm:s3], $0xF7A  }
0x26: {  	[smem:$0x3F9A] =	sst s1;
	(tag) =	ssettag s2;
	_ =	strace s9  }
0x27: {  	s1 =	sld [smem:$0x3FAA]  }
0x28: {  	s2 =	sld [smem:$0x3FAB]  }
0x29: {  	s4 =	sld [smem:$0x3FAD]  }
0x2a: {  	p0 =	seq.s32 s5, $0x0;
	s5 =	sld [smem:$0x3FAE]  }
0x2b: {  	s6 =	sld [smem:$0x3FAF]  }
0x2c: {  	s7 =	sld [smem:$0x3FB0]  }
0x2d: {  	s3 =	simm.s32 $0x108;
	s8 =	sld [smem:$0x3FB1]  }
0x2e: {  	s3 =	simm.s32 @!p0 $0x1082;
	s9 =	sld [smem:$0x3FB2]  }
0x2f: {  	lr =	sadd.s32 s0, s3;
	s0 =	sld [smem:$0x3FA9]  }
0x30: {  	s3 =	sld [smem:$0x3FAC]  }
0x31: {  	[smem:$0x3FB5] =	sst s10  }
0x32: {  	s10 =	sld [smem:$0x3FB3];
	_ =	sdelay $0x3  }
0x33: {  	p0 =	seq.s32 s10, $0x1;
	s10 =	sld [smem:$0x3FB5];
	_ =	sdelay $0x3  }
0x34: {  	[smem:$0x3FB5] =	sst s10  }
0x35: {  	s10 =	sld [smem:$0x3FB4];
	_ =	sdelay $0x3  }
0x36: {  	p1 =	seq.s32 s10, $0x1;
	s10 =	sld [smem:$0x3FB5];
	_ =	sdelay $0x3  }
0x37: {  	[smem:$0x3FB5] =	sst s10  }
0x38: {  	s10 =	sld [smem:$0x3FB6]  }
0x39: {  	_ = 	snop;
	(pc) =	sbr.ind lr, $3  }
0x3a: {  	_ = 	snop  }
0x3b: {  	_ = 	snop  }
0x3c: {  	p2 =	seq.s32 s10, $0x1;
	s10 =	sld [smem:$0x3FB5]  }
0x3d: {  	_ =	shalt  }
0x3e: {  	_ =	shalt  }
0x3f: {  	_ =	shalt  }
0x40: {  	_ =	shalt  }
0x41: {  	_ =	shalt  }
0x42: {  	_ =	shalt  }
0x43: {  	_ =	shalt  }
0x44: {  	_ =	shalt  }
0x45: {  	_ =	shalt  }
0x46: {  	_ =	shalt  }
0x47: {  	_ =	shalt  }
0x48: {  	_ =	shalt  }
0x49: {  	_ =	shalt  }
0x4a: {  	_ =	shalt  }
0x4b: {  	_ =	shalt  }
0x4c: {  	_ =	shalt  }
0x4d: {  	_ =	shalt  }
0x4e: {  	_ =	shalt  }
0x4f: {  	_ =	shalt  }
0x50: {  	_ =	shalt  }
0x51: {  	_ =	shalt  }
0x52: {  	_ =	shalt  }
0x53: {  	_ =	shalt  }
0x54: {  	_ =	shalt  }
0x55: {  	_ =	shalt  }
0x56: {  	_ =	shalt  }
0x57: {  	_ =	shalt  }
0x58: {  	_ =	shalt  }
0x59: {  	_ =	shalt  }
0x5a: {  	_ =	shalt  }
0x5b: {  	_ =	shalt  }
0x5c: {  	_ =	shalt  }
0x5d: {  	_ =	shalt  }
0x5e: {  	_ =	shalt  }
0x5f: {  	_ =	shalt  }
0x60: {  	_ =	shalt  }
0x61: {  	_ =	shalt  }
0x62: {  	_ =	shalt  }
0x63: {  	_ =	shalt  }
0x64: {  	_ =	shalt  }
0x65: {  	_ =	shalt  }
0x66: {  	_ =	shalt  }
0x67: {  	_ =	shalt  }
0x68: {  	_ =	shalt  }
0x69: {  	_ =	shalt  }
0x6a: {  	_ =	shalt  }
0x6b: {  	_ =	shalt  }
0x6c: {  	_ =	shalt  }
0x6d: {  	_ =	shalt  }
0x6e: {  	_ =	shalt  }
0x6f: {  	_ =	shalt  }
0x70: {  	_ =	shalt  }
0x71: {  	_ =	shalt  }
0x72: {  	_ =	shalt  }
0x73: {  	_ =	shalt  }
0x74: {  	_ =	shalt  }
0x75: {  	_ =	shalt  }
0x76: {  	_ =	shalt  }
0x77: {  	_ =	shalt  }
0x78: {  	_ =	shalt  }
0x79: {  	_ =	shalt  }
0x7a: {  	_ =	shalt  }
0x7b: {  	_ =	shalt  }
0x7c: {  	_ =	shalt  }
0x7d: {  	_ =	shalt  }
0x7e: {  	_ =	shalt  }
0x7f: {  	_ =	shalt  }
0x80: {  	_ =	shalt  }
0x81: {  	_ =	shalt  }
0x82: {  	_ =	shalt  }
0x83: {  	_ =	shalt  }
0x84: {  	_ =	shalt  }
0x85: {  	_ =	shalt  }
0x86: {  	_ =	shalt  }
0x87: {  	_ =	shalt  }
.Lfunc_end0:
.L_simem_size_0:
called_computation.2_lowered:
.L_overlay_start_0:
0x88: {  	s2 =	sld [smem:$0x3FD9]  }
0x89: {  	s3 =	sld [smem:$0x3FFE];
	_ =	sdelay $0x1  }
0x8a: {  	s1 =	srdreg.scid  }
0x8b: {  	s0 =	sand.u32 $0x1, s1  }
0x8c: {  	s16 =	sshll.u32 s0, $0xA;
	s2 =	sadd.s32 s3, s2  }
0x8d: {  	s2 =	sadd.s32 s2, s16  }
0x8e: {  	[smem:$0x3FC1] =	sst s2  }
0x8f: {  	_ = 	snop  }
0x90: {  	(tm) =	ssettm $0x1  }
0x91: {  	s17 =	sld [smem:$0x3FFB];
	_ =	sdelay $0x3  }
0x92: {  	_ =	strace s17  }
0x93: {  	s2 =	sld [smem:$0x3FFC];
	_ =	sdelay $0x3  }
0x94: {  	_ =	strace s2  }
0x95: {  	s2 =	sld [smem:$0x3FFD];
	_ =	sdelay $0x3  }
0x96: {  	_ =	strace s2  }
0x97: {  	_ =	strace $0x8FFFFFFF  }
0x98: {  	s18 =	sld [smem:$0x3FDB];
	_ =	sdelay $0x1  }
0x99: {  	s19 =	simm.s32 $_scs_section_size  }
0x9a: {  	s4 =	simm.s32 $_size__tile_overlayer_lowered;
	s5 =	simm.s32 $_tile_overlayer_lowered  }
0x9b: {  	s22 =	simm.s32 $0x1BFF;
	s21 =	sshll.u32 s5, $0x1;
	s2 =	sadd.s32 s19, s18  }
0x9c: {  	s6 =	simm.s32 $0x0;
	s20 =	sshll.u32 s4, $0x1;
	s4 =	sadd.s32 s21, s2  }
0x9d: {  	[timem:s6], [sflag:s22] =	dma.local [hbm:s4], s20  }
0x9e: {  	_ =	swait.ge [sflag:s22], s20  }
0x9f: {  	s3 =	ssub.s32 $0x0, s20;
	[sflag:s22] =	ssyncset.done $0x0  }
0xa0: {  	[sflag:s22] =	ssyncadd.s32 s3;
	_ =	sdelay $0x1  }
0xa1: {  	s23 =	simm.s32 $0x1B8B  }
0xa2: {  	_ =	swait.ge [sflag:s23], $0x1  }
0xa3: {  	[sflag:s23] =	ssyncset.done $0x0  }
0xa4: {  	s25 =	simm.s32 $0x1B8E;
	s24 =	sld [smem:$0x3FFE];
	[sflag:s23] =	ssyncadd.s32 $0xFFFFFFFF  }
0xa5: {  	s26 =	simm.s32 $execute0_lowered;
	[smem:$0x3FD2] =	sst s25  }
0xa6: {  	s4 =	sshll.u32 s26, $0x1;
	_ =	strace $0x80000046;
	[dreg:$0x1] =	wrdreg $0xFFFFFFFF  }
0xa7: {  	s28 =	simm.s32 $_size_execute0_lowered;
	s2 =	sadd.s32 s2, s4;
	[dreg:$0x0] =	wrdreg $0x0  }
0xa8: {  	s4 =	sshll.u32 s28, $0x1;
	[dreg:$0x2] =	wrdreg s2  }
0xa9: {  	[dreg:$0x3] =	wrdreg s4  }
0xaa: {  	[dreg:$0x4] =	wrdreg $0xC0  }
0xab: {  	_ =	task [dreg:s6], $0x5FFFF  }
0xac: {  	[dreg:$0x1] =	wrdreg $0xFFFFFFFF  }
0xad: {  	[dreg:$0x0] =	wrdreg $0x60  }
0xae: {  	[dreg:$0x2] =	wrdreg s24  }
0xaf: {  	[dreg:$0x3] =	wrdreg $0x50800  }
0xb0: {  	[dreg:$0x4] =	wrdreg $0x9  }
0xb1: {  	_ =	task.clear_ibuf [dreg:s6], $0x5FFFF;
	_ =	strace $0x90000046  }
0xb2: {  	s29 =	simm.s32 $0x9;
	_ =	strace $0x80000048  }
0xb3: {  	_ =	swait.ge [sflag:s29], $0x1  }
0xb4: {  	[sflag:s29] =	ssyncadd.s32 $0xFFFFFFFF  }
0xb5: {  	_ =	strace $0x90000048  }
0xb6: {  	_ =	sfence  }
0xb7: {  	s30 =	sld [smem:$0x0];
	_ =	sdelay $0x2  }
0xb8: {  	s31 =	sshll.u32 s1, $0xD;
	s1 =	sshrl.u32 s1, $0x2  }
0xb9: {  	s3 =	sand.u32 $0x4000, s31;
	s1 =	sadd.s32 s1, s30  }
0xba: {  	s0 =	sor.u32 s3, s0;
	s1 =	sshll.u32 s1, $0x11  }
0xbb: {  	s0 =	sor.u32 s1, s0  }
0xbc: {  	s0 =	sadd.s32 $0x8F2B, s0  }
0xbd: {  	[sflag:s0] =	ssyncadd.remote.s32 $0x1  }
0xbe: {  	_ =	sfence.sel $0xFFFF  }
0xbf: {  	[dreg:$0x0] =	wrdreg $0xFFFFFFFF;
	(pc) =	sbr.abs _section_cstart, $3  }
0xc0: {  	[dreg:$0x1] =	wrdreg $0xFFFFFFFF  }
0xc1: {  	_ =	task.clear_ibuf [dreg:s6], $0x2FFFF;
	_ =	strace $0x9FFFFFFF  }
0xc2: {  	(tm) =	ssettm $0x7FFFFFFF  }
0xc3: {  	_ =	shalt  }
tec
execute0_lowered:
.L_overlay_start_1:
0x0: {  	(tag) =	ssettag $0x1  }
0x1: {  	s5 =	rddreg [dreg:$0x0]  }
0x2: {  	s2 =	rddreg [dreg:$0x1];
	s3 =	srdreg.scid  }
0x3: {  	s0 =	rddreg [dreg:$0x2];
	s1 =	stileid.u32  }
0x4: {  	s11 =	simm.s32 $0x1;
	s12 =	simm.s32 $0x2710;
	s13 =	simm.s32 $0x2780  }
0x5: {  	s14 =	simm.s32 $0x0;
	s4 =	sand.u32 $0x1, s3;
	s6 =	smul.u32 $0x4E2, s1  }
0x6: {  	s3 =	simm.s32 $0x0;
	s8 =	smul.u32 $0xA00, s1;
	s7 =	sshll.u32 s4, $0x4  }
0x7: {  	[smem:$0x7FF] =	sst s3;
	s9 =	ssub.s32 $0x2, s4;
	s7 =	sor.u32 s1, s7  }
0x8: {  	_ =	strace $0x80000047;
	s30 =	sshrl.u32 s8, $0x2;
	s7 =	smul.u32 $0x140, s7  }
0x9: {  	s6 =	sadd.s32 s6, s5;
	s10 =	sshrl.u32 s9, $0x1;
	s4 =	sadd.s32 s30, s2  }
0xa: {  	s9 =	ssub.s32 s9, s10;
	s6 =	sadd.s32 $0x5000, s6;
	s31 =	sshrl.u32 s7, $0x3  }
0xb: {  	s10 =	simm.s32 $0x4F00;
	s9 =	smax.u32 s9, $0x1;
	s8 =	sadd.s32 s31, s5  }
0xc: {  	v0 =	vimm.f32 $0.0e+00;
	v1 =	vimm.f32 $1.000000000e+00;
	s7 =	sadd.s32 s7, s2;
	s5 =	sadd.s32 $0x140, s4;
	s8 =	sadd.s32 $0xA000, s8  }
.LBB2_1:
0xd: {  	[tilespmem:$0x4F00] =	vst v0  }
0xe: {  	[tilespmem:$0x4F10] =	vst v0  }
0xf: {  	[tilespmem:$0x4F20] =	vst v0  }
0x10: {  	[tilespmem:$0x4F30] =	vst v0  }
0x11: {  	[tilespmem:$0x4F40] =	vst v0  }
0x12: {  	[tilespmem:$0x4F50] =	vst v0  }
0x13: {  	[tilespmem:$0x4F60] =	vst v0  }
0x14: {  	[tilespmem:$0x4F70] =	vst v0  }
0x15: {  	[tilespmem:$0x4F80] =	vst v0  }
0x16: {  	[tilespmem:$0x4F90] =	vst v0  }
0x17: {  	[tilespmem:$0x4FA0] =	vst v0  }
0x18: {  	[tilespmem:$0x4FB0] =	vst v0  }
0x19: {  	[tilespmem:$0x4FC0] =	vst v0  }
0x1a: {  	[tilespmem:$0x4FD0] =	vst v0  }
0x1b: {  	[tilespmem:$0x4FE0] =	vst v0  }
0x1c: {  	[tilespmem:$0x4FF0] =	vst v0  }
0x1d: {  	[tilespmem:$0x5000] =	vst v0  }
0x1e: {  	[tilespmem:$0x5010] =	vst v0  }
0x1f: {  	[tilespmem:$0x5020] =	vst v0  }
0x20: {  	[tilespmem:$0x5030] =	vst v0  }
0x21: {  	[spmem:s4] =	stream.linear.scatter [tilespmem:s10], [sflag:$0x1], $0x140, $0x38;
	[tilespmem:$0x5300] =	vst v63  }
0x22: {  	_ =	swait.ge [sflag:s11], $0x140  }
0x23: {  	[sflag:s11] =	ssyncset.done $0x0  }
0x24: {  	[sflag:s11] =	ssyncadd.s32 $0xFFFFFEC0  }
0x25: {  	[spmem:s5] =	stream.linear.scatter [tilespmem:s10], [sflag:$0x1], $0x140, $0x38;
	[tilespmem:$0x5300] =	vst v63  }
0x26: {  	_ =	swait.ge [sflag:s11], $0x140  }
0x27: {  	[sflag:s11] =	ssyncset.done $0x0  }
0x28: {  	[sflag:s11] =	ssyncadd.s32 $0xFFFFFEC0  }
0x29: {  	[tilespmem:s3], [sflag:$0x1] =	stream.linear.gather [hbm4b:s6+s3], $0x2710, $0x38;
	[tilespmem:$0x5300] =	vst v63  }
0x2a: {  	_ =	swait.ge [sflag:s11], $0x2710  }
0x2b: {  	[sflag:s11] =	ssyncset.done $0x0  }
0x2c: {  	s15 =	simm.s32 $0x40;
	s16 =	simm.s32 $0x0;
	[sflag:s11] =	ssyncadd.s32 $0xFFFFD8F0  }
.LBB2_2:
0x2d: {  	p0 =	sne.s32 s15, $0x9C00;
	[tilespmem:s16+$0x2780] =	vst v1;
	s16 =	smov.u32 s15;
	s15 =	sadd.s32 $0x40, s15  }
.Ltmp0:
0x2e: {  	(pc) =	sbr.rel @p0 .LBB2_2-.Ltmp0, $2  }
0x2f: {  	_ =	sdelay $0x2  }
0x30: {  	s16 =	sshra.s32 s16, $0x2  }
0x31: {  	[tilespmem:s16+$0x2780] =	vst v1  }
0x32: {  	[bflag:$0x0] =	sbarrier.arrive $0xFFFF  }
0x33: {  	[spmem:s2] =	stream.indirect.scatter.add.f32 [tilespmem:s13], [sflag:$0x1], $0x1, s3, s12, $0xb8;
	[tilespmem:$0x5300] =	vst v63  }
0x34: {  	_ =	swait.ge [sflag:s11], $0x2710  }
0x35: {  	[sflag:s11] =	ssyncset.done $0x0  }
0x36: {  	[sflag:s11] =	ssyncadd.s32 $0xFFFFD8F0  }
0x37: {  	[bflag:$0x0] =	sbarrier.arrive $0xFFFF  }
0x38: {  	[tilespmem:s10], [sflag:$0x1] =	stream.linear.gather [spmem:s7], $0x140, $0x38;
	[tilespmem:$0x5300] =	vst v63  }
0x39: {  	s14 =	sadd.s32 $0x1, s14;
	_ =	swait.ge [sflag:s11], $0x140  }
0x3a: {  	p0 =	sne.s32 s14, s9;
	[sflag:s11] =	ssyncset.done $0x0  }
.Ltmp1:
0x3b: {  	[sflag:s11] =	ssyncadd.s32 $0xFFFFFEC0;
	(pc) =	sbr.rel @p0 .LBB2_1-.Ltmp1, $4  }
0x3c: {  	[hbm4b:s8+s3] =	stream.linear.scatter [tilespmem:s10], [sflag:$0x1], $0x140, $0x38;
	[tilespmem:$0x5300] =	vst v63  }
0x3d: {  	_ =	swait.ge [sflag:s11], $0x140  }
0x3e: {  	[sflag:s11] =	ssyncset.done $0x0  }
0x3f: {  	[sflag:s11] =	ssyncadd.s32 $0xFFFFFEC0  }
0x40: {  	_ =	sfence.sel $0x180000  }
0x41: {  	[bflag:$0x0] =	sbarrier.arrive $0xFFFF  }
0x42: {  	p0 =	sne.s32 s1, $0x0;
	_ =	strace $0x90000047  }
0x43: {  	s0 =	sadd.s32 @!p0 $0x100000, s0;
	[bflag:$0x2] =	sbarrier.arrive $0xFFFF  }
0x44: {  	[sflag:s0] =	ssyncadd.tile.s32 @!p0 $0x1;
	_ =	shalt  }
.Lfunc_end2:
_tile_overlayer_lowered:
.L_overlay_start_2:
0x45: {  	(tag) =	ssettag $0x2  }
0x46: {  	s0 =	rddreg [dreg:$0x0];
	s2 =	stileid.u32  }
0x47: {  	s1 =	rddreg [dreg:$0x1];
	p0 =	sne.s32 s2, $0x0  }
0x48: {  	s3 =	rddreg [dreg:$0x2];
	[bflag:$0x3] =	sbarrier.arrive $0xFFFF;
	s2 =	simm.s32 @!p0 $0x1C01  }
0x49: {  	[timem:s3], [sflag:s2] =	dma.local @!p0 [hbm:s0], s1  }
0x4a: {  	s0 =	simm.s32 @!p0 $0x1  }
0x4b: {  	_ =	swait.ge @!p0 [sflag:s0], s1  }
0x4c: {  	s1 =	ssub.s32 @!p0 $0x0, s1;
	[sflag:s0] =	ssyncset.done @!p0 $0x0  }
0x4d: {  	[sflag:s0] =	ssyncadd.s32 @!p0 s1  }
0x4e: {  	[bflag:$0x3] =	sbarrier.arrive $0xFFFF  }
0x4f: {  	_ =	shalt  }

</sc_bundles>
